<compile_context>
chip_gen: v7x
topology: tpu7x:2x2x1
jax: 0.10.2.dev20260603
libtpu: 0.0.44.dev20260713+nightly
codegen_flags: <defaults>
</compile_context>

<pallas_src>
import functools

import jax
import jax.numpy as jnp
import numpy as np
from jax import lax
from jax.experimental import pallas as pl
from jax.experimental.pallas import tpu as pltpu
from jax.experimental.pallas import tpu_sc as plsc

B = 50000
S = 10
F = 128
NC = 2
NS = 16
NW = NC * NS

CHUNK = 64
IDX_PER_CHUNK = CHUNK * S
SLABS = IDX_PER_CHUNK // 128
BP = 51200
RPT = BP // NW
NCHUNK = RPT // CHUNK

_mesh = plsc.VectorSubcoreMesh(core_axis_name="c", subcore_axis_name="s")


@functools.partial(
    pl.kernel,
    mesh=_mesh,
    out_type=(
        jax.ShapeDtypeStruct((BP, F), jnp.float32),
        jax.ShapeDtypeStruct((BP, F), jnp.float32),
    ),
    scratch_types=[
        pltpu.VMEM((IDX_PER_CHUNK,), jnp.int32),
        pltpu.VMEM((IDX_PER_CHUNK,), jnp.int32),
        pltpu.VMEM((CHUNK,), jnp.int32),
        pltpu.VMEM((CHUNK,), jnp.int32),
        pltpu.VMEM((SLABS, 128), jnp.int32),
        pltpu.VMEM((SLABS, 128), jnp.int32),
        pltpu.VMEM((SLABS, 128), jnp.int32),
        pltpu.VMEM((IDX_PER_CHUNK, F), jnp.float32),
        pltpu.VMEM_SHARED((NS * 2 * CHUNK, F), jnp.float32),
        pltpu.VMEM((CHUNK, F), jnp.float32),
        pltpu.VMEM((CHUNK, F), jnp.float32),
        pltpu.VMEM((CHUNK, F), jnp.float32),
        pltpu.SemaphoreType.DMA,
        pltpu.SemaphoreType.DMA,
        pltpu.SemaphoreType.DMA,
        pltpu.SemaphoreType.DMA,
        pltpu.SemaphoreType.DMA,
        pltpu.SemaphoreType.DMA,
        pltpu.SemaphoreType.DMA,
        pltpu.SemaphoreType.DMA,
        pltpu.SemaphoreType.DMA,
        pltpu.SemaphoreType.DMA,
        pltpu.SemaphoreType.DMA,
        pltpu.SemaphoreType.DMA,
        pltpu.SemaphoreType.DMA,
        pltpu.SemaphoreType.DMA,
        pltpu.SemaphoreType.DMA,
        pltpu.SemaphoreType.DMA,
    ],
)
def _sc_gather(self_tab, neigh_tab, sidx_hbm, nidx_hbm, rowmap_hbm, zeros_hbm,
               self_out, nsum_out,
               nidx0, nidx1, sidx0, sidx1, rowmap_v, rowabs0, rowabs1,
               gbuf, acc_sh, sbuf0, sbuf1, zbuf,
               gsem0, gsem1, gsem2, gsem3, gsem4,
               asem0, asem1, asem2, asem3, asem4,
               ssem, wsem0, wsem1, swsem0, swsem1, isem):
    nidx = (nidx0, nidx1)
    sidx = (sidx0, sidx1)
    sbuf = (sbuf0, sbuf1)
    rowabs = (rowabs0, rowabs1)
    gsem = (gsem0, gsem1, gsem2, gsem3, gsem4)
    asem = (asem0, asem1, asem2, asem3, asem4)
    wsem = (wsem0, wsem1)
    swsem = (swsem0, swsem1)

    sid = lax.axis_index("s")
    wid = sid * NC + lax.axis_index("c")
    pltpu.sync_copy(rowmap_hbm, rowmap_v)
    pltpu.sync_copy(zeros_hbm, zbuf)

    def acc_region(b):
        return acc_sh.at[pl.ds((sid * 2 + b) * CHUNK, CHUNK)]

    for b in range(2):
        aoff = (sid * 2 + b) * CHUNK
        for j in range(SLABS):
            for c in range(8):
                sl = (pl.ds(j, 1), pl.ds(c * 16, 16))
                rowabs[b].at[*sl][...] = rowmap_v.at[*sl][...] + aoff

    def idx_base(cur):
        return wid * RPT + cur * CHUNK

    def slab(j):
        return gbuf.at[pl.ds(j * 128, 128)]

    def issue_idx_prefetch(cur, b):
        pltpu.async_copy(
            nidx_hbm.at[pl.ds(idx_base(cur) * S, IDX_PER_CHUNK)], nidx[b], isem)
        pltpu.async_copy(
            sidx_hbm.at[pl.ds(idx_base(cur), CHUNK)], sidx[b], isem)

    def drain_idx_prefetch(b):
        pltpu.make_async_copy(
            nidx_hbm.at[pl.ds(0, IDX_PER_CHUNK)], nidx[b], isem).wait()
        pltpu.make_async_copy(
            sidx_hbm.at[pl.ds(0, CHUNK)], sidx[b], isem).wait()

    def issue_gathers(b):
        for j in range(SLABS):
            pltpu.async_copy(
                neigh_tab.at[nidx[b].at[pl.ds(j * 128, 128)]], slab(j), gsem[j])

    def issue_self_gather(b):
        pltpu.async_copy(self_tab.at[sidx[b]], sbuf[b], ssem)

    pltpu.sync_copy(nidx_hbm.at[pl.ds(idx_base(0) * S, IDX_PER_CHUNK)], nidx[0])
    pltpu.sync_copy(sidx_hbm.at[pl.ds(idx_base(0), CHUNK)], sidx[0])
    issue_gathers(0)
    issue_self_gather(0)
    pltpu.sync_copy(zbuf, acc_region(0))
    pltpu.sync_copy(zbuf, acc_region(1))

    @pl.loop(0, NCHUNK + 1, step=2)
    def _(k):
        for b in range(2):
            cur = k + b

            @pl.when(cur < NCHUNK)
            def _():
                base = idx_base(cur)
                have_next = cur + 1 < NCHUNK

                @pl.when(have_next)
                def _():
                    issue_idx_prefetch(cur + 1, b ^ 1)

                pltpu.make_async_copy(zeros_hbm, sbuf[b], ssem).wait()

                @pl.when(cur >= 1)
                def _():
                    pltpu.make_async_copy(
                        zeros_hbm, sbuf[b ^ 1], swsem[b ^ 1]).wait()

                pltpu.async_copy(
                    sbuf[b], self_out.at[pl.ds(base, CHUNK)], swsem[b])

                @pl.when(cur >= 2)
                def _():
                    pltpu.make_async_copy(
                        zeros_hbm, acc_region(b), wsem[b]).wait()

                pltpu.sync_copy(zbuf, acc_region(b))

                @pl.when(have_next)
                def _():
                    drain_idx_prefetch(b ^ 1)
                    issue_self_gather(b ^ 1)

                for wave in (0, 1):
                    js = range(wave, SLABS, 2)
                    for j in js:
                        pltpu.make_async_copy(
                            neigh_tab.at[pl.ds(0, 128)], slab(j),
                            gsem[j]).wait()
                        pltpu.async_copy(slab(j), acc_sh.at[rowabs[b].at[j]],
                                         asem[j], add=True)
                    for j in js:
                        pltpu.make_async_copy(
                            neigh_tab.at[pl.ds(0, 128)], slab(j),
                            asem[j]).wait()

                        @pl.when(have_next)
                        def _():
                            pltpu.async_copy(
                                neigh_tab.at[
                                    nidx[b ^ 1].at[pl.ds(j * 128, 128)]],
                                slab(j), gsem[j])

                pltpu.async_copy(
                    acc_region(b), nsum_out.at[pl.ds(base, CHUNK)], wsem[b])

    pltpu.make_async_copy(zeros_hbm, acc_region(0), wsem[0]).wait()
    pltpu.make_async_copy(zeros_hbm, acc_region(1), wsem[1]).wait()
    pltpu.make_async_copy(zeros_hbm, sbuf[0], swsem[0]).wait()


def _tc_matmul(s_ref, n_ref, w_ref, o_ref):
    x = jnp.concatenate([s_ref[...], n_ref[...]], axis=1)
    y = jnp.dot(x, w_ref[...], preferred_element_type=jnp.float32)
    o_ref[...] = jnp.maximum(y, 0.0)


_TC_BLK = 512


def kernel(nodes, neigh_idx, self_table, neigh_table, W):
    nodes = nodes.astype(jnp.int32)
    neigh_idx = neigh_idx.astype(jnp.int32)
    sidx = jnp.concatenate([nodes, jnp.zeros((BP - B,), jnp.int32)])
    nidx = jnp.concatenate(
        [neigh_idx.reshape(-1), jnp.zeros(((BP - B) * S,), jnp.int32)]
    )
    rowmap = jnp.asarray(
        (np.arange(IDX_PER_CHUNK, dtype=np.int32) // S).reshape(SLABS, 128)
    )
    zeros = jnp.zeros((CHUNK, F), jnp.float32)

    self_f, nsum = _sc_gather(self_table, neigh_table, sidx, nidx, rowmap, zeros)

    wt = jnp.concatenate([W[:, :F].T, W[:, F:].T * (1.0 / S)], axis=0)
    out = pl.pallas_call(
        _tc_matmul,
        grid=(BP // _TC_BLK,),
        in_specs=[
            pl.BlockSpec((_TC_BLK, F), lambda i: (i, 0)),
            pl.BlockSpec((_TC_BLK, F), lambda i: (i, 0)),
            pl.BlockSpec((2 * F, F), lambda i: (0, 0)),
        ],
        out_specs=pl.BlockSpec((_TC_BLK, F), lambda i: (i, 0)),
        out_shape=jax.ShapeDtypeStruct((BP, F), jnp.float32),
    )(self_f, nsum, wt)
    return out[:B]

# --- scband reference (transcript-rebuilt; emitter-appended) ---
"""Pipeline reference for scband-uniform-aggregator-50852412785040 (READ-ONLY COPY).

The authoritative reference and input builder live on the scoring server;
editing this copy changes nothing except your own understanding.
"""

import jax, jax.numpy as jnp
import numpy as np

N_NODES = 100000
BATCH = 50000
NUM_SAMPLE = 10
FEAT_DIM = 128
EMBED_DIM = 128


def setup_inputs(seed: int = 0) -> dict:
    key = jax.random.key(seed)
    k1, k2, k3, k4, k5 = jax.random.split(key, 5)
    nodes = jax.random.randint(k1, (BATCH,), 0, N_NODES, dtype=jnp.int64 if jax.config.jax_enable_x64 else jnp.int32)
    neigh_idx = jax.random.randint(k2, (BATCH, NUM_SAMPLE), 0, N_NODES, dtype=jnp.int64 if jax.config.jax_enable_x64 else jnp.int32)
    # learned parameters: self feature table, neighbor feature table, projection weight
    self_table = jax.random.normal(k3, (N_NODES, FEAT_DIM), dtype=jnp.float32) * 0.1
    neigh_table = jax.random.normal(k4, (N_NODES, FEAT_DIM), dtype=jnp.float32) * 0.1
    # xavier_uniform for weight [embed_dim, 2*feat_dim]
    fan_in = 2 * FEAT_DIM
    fan_out = EMBED_DIM
    bound = float(np.sqrt(6.0 / (fan_in + fan_out)))
    W = jax.random.uniform(k5, (EMBED_DIM, 2 * FEAT_DIM), dtype=jnp.float32, minval=-bound, maxval=bound)
    return {"nodes": nodes, "neigh_idx": neigh_idx, "self_table": self_table, "neigh_table": neigh_table, "W": W}


def reference(nodes, neigh_idx, self_table, neigh_table, W):
    # Gather sampled neighbor features and mean-aggregate.
    # (Original torch code dedups sampled neighbors then row-normalizes a 0/1
    #  mask and does mask.mm(unique_feats) -> a uniform mean over the sampled
    #  neighbor set; with uniform random sampling this is the mean over the
    #  num_sample gathered neighbor features.)
    neigh_feats = jnp.take(neigh_table, neigh_idx, axis=0)  # [B, S, F]
    neigh_feats = jnp.mean(neigh_feats, axis=1)             # [B, F]
    self_feats = jnp.take(self_table, nodes, axis=0)        # [B, F]
    combined = jnp.concatenate([self_feats, neigh_feats], axis=1)  # [B, 2F]
    # embed = relu(W @ combined.T).T  ==  relu(combined @ W.T)
    embed = jax.nn.relu(combined @ W.T)                     # [B, embed_dim]
    return embed

if __name__ == "__main__":
    import jax
    _d = setup_inputs()
    print(jax.jit(kernel)(*tuple(_d.values())))

</pallas_src>

<mosaic_0001>
#map = affine_map<(d0, d1) -> (0, 0)>
#map1 = affine_map<(d0, d1) -> (0)>
module attributes {stable_mosaic.version = 14 : i64} {
  func.func @_sc_gather(%arg0: i32, %arg1: i32, %arg2: memref<100000x128xf32, #tpu.memory_space<hbm>>, %arg3: memref<100000x128xf32, #tpu.memory_space<hbm>>, %arg4: memref<51200xi32, #tpu.memory_space<hbm>>, %arg5: memref<512000xi32, #tpu.memory_space<hbm>>, %arg6: memref<5x128xi32, #tpu.memory_space<hbm>>, %arg7: memref<64x128xf32, #tpu.memory_space<hbm>>, %arg8: memref<51200x128xf32, #tpu.memory_space<hbm>>, %arg9: memref<51200x128xf32, #tpu.memory_space<hbm>>, %arg10: memref<640xi32, #tpu.memory_space<vmem>>, %arg11: memref<640xi32, #tpu.memory_space<vmem>>, %arg12: memref<64xi32, #tpu.memory_space<vmem>>, %arg13: memref<64xi32, #tpu.memory_space<vmem>>, %arg14: memref<5x128xi32, #tpu.memory_space<vmem>>, %arg15: memref<5x128xi32, #tpu.memory_space<vmem>>, %arg16: memref<5x128xi32, #tpu.memory_space<vmem>>, %arg17: memref<640x128xf32, #tpu.memory_space<vmem>>, %arg18: memref<2048x128xf32, #tpu.memory_space<vmem_shared>>, %arg19: memref<64x128xf32, #tpu.memory_space<vmem>>, %arg20: memref<64x128xf32, #tpu.memory_space<vmem>>, %arg21: memref<64x128xf32, #tpu.memory_space<vmem>>, %arg22: memref<!tpu.dma_semaphore, #tpu.memory_space<semaphore_mem>>, %arg23: memref<!tpu.dma_semaphore, #tpu.memory_space<semaphore_mem>>, %arg24: memref<!tpu.dma_semaphore, #tpu.memory_space<semaphore_mem>>, %arg25: memref<!tpu.dma_semaphore, #tpu.memory_space<semaphore_mem>>, %arg26: memref<!tpu.dma_semaphore, #tpu.memory_space<semaphore_mem>>, %arg27: memref<!tpu.dma_semaphore, #tpu.memory_space<semaphore_mem>>, %arg28: memref<!tpu.dma_semaphore, #tpu.memory_space<semaphore_mem>>, %arg29: memref<!tpu.dma_semaphore, #tpu.memory_space<semaphore_mem>>, %arg30: memref<!tpu.dma_semaphore, #tpu.memory_space<semaphore_mem>>, %arg31: memref<!tpu.dma_semaphore, #tpu.memory_space<semaphore_mem>>, %arg32: memref<!tpu.dma_semaphore, #tpu.memory_space<semaphore_mem>>, %arg33: memref<!tpu.dma_semaphore, #tpu.memory_space<semaphore_mem>>, %arg34: memref<!tpu.dma_semaphore, #tpu.memory_space<semaphore_mem>>, %arg35: memref<!tpu.dma_semaphore, #tpu.memory_space<semaphore_mem>>, %arg36: memref<!tpu.dma_semaphore, #tpu.memory_space<semaphore_mem>>, %arg37: memref<!tpu.dma_semaphore, #tpu.memory_space<semaphore_mem>>) attributes {dimension_semantics = [#tpu.dimension_semantics<core_parallel>, #tpu.dimension_semantics<subcore_parallel>], iteration_bounds = array<i64: 2, 16>, scalar_prefetch = 0 : i64, scratch_operands = 28 : i64, tpu.core_type = #tpu.core_type<sc_vector_subcore>, window_params = [{transform_indices = #map}, {transform_indices = #map}, {transform_indices = #map1}, {transform_indices = #map1}, {transform_indices = #map}, {transform_indices = #map}, {transform_indices = #map}, {transform_indices = #map}]} {
    %mul3A = arith.constant 2 : i32
    %mul3A_0 = arith.muli %arg1, %mul3A : i32
    %add3A = arith.addi %mul3A_0, %arg0 : i32
    "tpu.region"() ({
      %run_scoped3A = tpu.sem_alloc : memref<!tpu.dma_semaphore, #tpu.memory_space<semaphore_mem>>
      tpu.enqueue_dma source(%arg6 : memref<5x128xi32, #tpu.memory_space<hbm>>) target(%arg14 : memref<5x128xi32, #tpu.memory_space<vmem>>) target_semaphore(%run_scoped3A : memref<!tpu.dma_semaphore, #tpu.memory_space<semaphore_mem>>)
      tpu.wait_dma2 semaphore(%run_scoped3A : memref<!tpu.dma_semaphore, #tpu.memory_space<semaphore_mem>>) src(%arg6 : memref<5x128xi32, #tpu.memory_space<hbm>>) dst(%arg14 : memref<5x128xi32, #tpu.memory_space<vmem>>)
      tpu.yield
    }) : () -> ()
    "tpu.region"() ({
      %run_scoped3A = tpu.sem_alloc : memref<!tpu.dma_semaphore, #tpu.memory_space<semaphore_mem>>
      tpu.enqueue_dma source(%arg7 : memref<64x128xf32, #tpu.memory_space<hbm>>) target(%arg21 : memref<64x128xf32, #tpu.memory_space<vmem>>) target_semaphore(%run_scoped3A : memref<!tpu.dma_semaphore, #tpu.memory_space<semaphore_mem>>)
      tpu.wait_dma2 semaphore(%run_scoped3A : memref<!tpu.dma_semaphore, #tpu.memory_space<semaphore_mem>>) src(%arg7 : memref<64x128xf32, #tpu.memory_space<hbm>>) dst(%arg21 : memref<64x128xf32, #tpu.memory_space<vmem>>)
      tpu.yield
    }) : () -> ()
    %mul3A_1 = arith.constant 2 : i32
    %mul3A_2 = arith.muli %arg1, %mul3A_1 : i32
    %add3A_3 = arith.constant 0 : i32
    %add3A_4 = arith.addi %mul3A_2, %add3A_3 : i32
    %mul3A_5 = arith.constant 64 : i32
    %mul3A_6 = arith.muli %add3A_4, %mul3A_5 : i32
    %get3A = arith.constant 0 : index
    %get3A_7 = arith.constant 0 : index
    %get3A_8 = tpu.vector_load %arg14[%get3A, %get3A_7] {strides = array<i32>} : memref<5x128xi32, #tpu.memory_space<vmem>>, vector<1x16xi32>,
    %get3A_9 = vector.shape_cast %get3A_8 : vector<1x16xi32> to vector<1x16xi32>
    %add3A_10 = vector.broadcast %mul3A_6 : i32 to vector<1x16xi32>
    %add3A_11 = arith.addi %get3A_9, %add3A_10 : vector<1x16xi32>
    %swap3A = arith.constant 0 : index
    %swap3A_12 = arith.constant 0 : index
    %swap3A_13 = tpu.vector_load %arg15[%swap3A, %swap3A_12] {strides = array<i32>} : memref<5x128xi32, #tpu.memory_space<vmem>>, vector<1x16xi32>,
    %swap3A_14 = vector.shape_cast %swap3A_13 : vector<1x16xi32> to vector<1x16xi32>
    %swap3A_15 = vector.shape_cast %add3A_11 : vector<1x16xi32> to vector<1x16xi32>
    tpu.vector_store %arg15[%swap3A, %swap3A_12], %swap3A_15 {strides = array<i32>} : memref<5x128xi32, #tpu.memory_space<vmem>>, vector<1x16xi32>,
    %get3A_16 = arith.constant 0 : index
    %get3A_17 = arith.constant 16 : index
    %get3A_18 = tpu.vector_load %arg14[%get3A_16, %get3A_17] {strides = array<i32>} : memref<5x128xi32, #tpu.memory_space<vmem>>, vector<1x16xi32>,
    %get3A_19 = vector.shape_cast %get3A_18 : vector<1x16xi32> to vector<1x16xi32>
    %add3A_20 = vector.broadcast %mul3A_6 : i32 to vector<1x16xi32>
    %add3A_21 = arith.addi %get3A_19, %add3A_20 : vector<1x16xi32>
    %swap3A_22 = arith.constant 0 : index
    %swap3A_23 = arith.constant 16 : index
    %swap3A_24 = tpu.vector_load %arg15[%swap3A_22, %swap3A_23] {strides = array<i32>} : memref<5x128xi32, #tpu.memory_space<vmem>>, vector<1x16xi32>,
    %swap3A_25 = vector.shape_cast %swap3A_24 : vector<1x16xi32> to vector<1x16xi32>
    %swap3A_26 = vector.shape_cast %add3A_21 : vector<1x16xi32> to vector<1x16xi32>
    tpu.vector_store %arg15[%swap3A_22, %swap3A_23], %swap3A_26 {strides = array<i32>} : memref<5x128xi32, #tpu.memory_space<vmem>>, vector<1x16xi32>,
    %get3A_27 = arith.constant 0 : index
    %get3A_28 = arith.constant 32 : index
    %get3A_29 = tpu.vector_load %arg14[%get3A_27, %get3A_28] {strides = array<i32>} : memref<5x128xi32, #tpu.memory_space<vmem>>, vector<1x16xi32>,
    %get3A_30 = vector.shape_cast %get3A_29 : vector<1x16xi32> to vector<1x16xi32>
    %add3A_31 = vector.broadcast %mul3A_6 : i32 to vector<1x16xi32>
    %add3A_32 = arith.addi %get3A_30, %add3A_31 : vector<1x16xi32>
    %swap3A_33 = arith.constant 0 : index
    %swap3A_34 = arith.constant 32 : index
    %swap3A_35 = tpu.vector_load %arg15[%swap3A_33, %swap3A_34] {strides = array<i32>} : memref<5x128xi32, #tpu.memory_space<vmem>>, vector<1x16xi32>,
    %swap3A_36 = vector.shape_cast %swap3A_35 : vector<1x16xi32> to vector<1x16xi32>
    %swap3A_37 = vector.shape_cast %add3A_32 : vector<1x16xi32> to vector<1x16xi32>
    tpu.vector_store %arg15[%swap3A_33, %swap3A_34], %swap3A_37 {strides = array<i32>} : memref<5x128xi32, #tpu.memory_space<vmem>>, vector<1x16xi32>,
    %get3A_38 = arith.constant 0 : index
    %get3A_39 = arith.constant 48 : index
    %get3A_40 = tpu.vector_load %arg14[%get3A_38, %get3A_39] {strides = array<i32>} : memref<5x128xi32, #tpu.memory_space<vmem>>, vector<1x16xi32>,
    %get3A_41 = vector.shape_cast %get3A_40 : vector<1x16xi32> to vector<1x16xi32>
    %add3A_42 = vector.broadcast %mul3A_6 : i32 to vector<1x16xi32>
    %add3A_43 = arith.addi %get3A_41, %add3A_42 : vector<1x16xi32>
    %swap3A_44 = arith.constant 0 : index
    %swap3A_45 = arith.constant 48 : index
    %swap3A_46 = tpu.vector_load %arg15[%swap3A_44, %swap3A_45] {strides = array<i32>} : memref<5x128xi32, #tpu.memory_space<vmem>>, vector<1x16xi32>,
    %swap3A_47 = vector.shape_cast %swap3A_46 : vector<1x16xi32> to vector<1x16xi32>
    %swap3A_48 = vector.shape_cast %add3A_43 : vector<1x16xi32> to vector<1x16xi32>
    tpu.vector_store %arg15[%swap3A_44, %swap3A_45], %swap3A_48 {strides = array<i32>} : memref<5x128xi32, #tpu.memory_space<vmem>>, vector<1x16xi32>,
    %get3A_49 = arith.constant 0 : index
    %get3A_50 = arith.constant 64 : index
    %get3A_51 = tpu.vector_load %arg14[%get3A_49, %get3A_50] {strides = array<i32>} : memref<5x128xi32, #tpu.memory_space<vmem>>, vector<1x16xi32>,
    %get3A_52 = vector.shape_cast %get3A_51 : vector<1x16xi32> to vector<1x16xi32>
    %add3A_53 = vector.broadcast %mul3A_6 : i32 to vector<1x16xi32>
    %add3A_54 = arith.addi %get3A_52, %add3A_53 : vector<1x16xi32>
    %swap3A_55 = arith.constant 0 : index
    %swap3A_56 = arith.constant 64 : index
    %swap3A_57 = tpu.vector_load %arg15[%swap3A_55, %swap3A_56] {strides = array<i32>} : memref<5x128xi32, #tpu.memory_space<vmem>>, vector<1x16xi32>,
    %swap3A_58 = vector.shape_cast %swap3A_57 : vector<1x16xi32> to vector<1x16xi32>
    %swap3A_59 = vector.shape_cast %add3A_54 : vector<1x16xi32> to vector<1x16xi32>
    tpu.vector_store %arg15[%swap3A_55, %swap3A_56], %swap3A_59 {strides = array<i32>} : memref<5x128xi32, #tpu.memory_space<vmem>>, vector<1x16xi32>,
    %get3A_60 = arith.constant 0 : index
    %get3A_61 = arith.constant 80 : index
    %get3A_62 = tpu.vector_load %arg14[%get3A_60, %get3A_61] {strides = array<i32>} : memref<5x128xi32, #tpu.memory_space<vmem>>, vector<1x16xi32>,
    %get3A_63 = vector.shape_cast %get3A_62 : vector<1x16xi32> to vector<1x16xi32>
    %add3A_64 = vector.broadcast %mul3A_6 : i32 to vector<1x16xi32>
    %add3A_65 = arith.addi %get3A_63, %add3A_64 : vector<1x16xi32>
    %swap3A_66 = arith.constant 0 : index
    %swap3A_67 = arith.constant 80 : index
    %swap3A_68 = tpu.vector_load %arg15[%swap3A_66, %swap3A_67] {strides = array<i32>} : memref<5x128xi32, #tpu.memory_space<vmem>>, vector<1x16xi32>,
    %swap3A_69 = vector.shape_cast %swap3A_68 : vector<1x16xi32> to vector<1x16xi32>
    %swap3A_70 = vector.shape_cast %add3A_65 : vector<1x16xi32> to vector<1x16xi32>
    tpu.vector_store %arg15[%swap3A_66, %swap3A_67], %swap3A_70 {strides = array<i32>} : memref<5x128xi32, #tpu.memory_space<vmem>>, vector<1x16xi32>,
    %get3A_71 = arith.constant 0 : index
    %get3A_72 = arith.constant 96 : index
    %get3A_73 = tpu.vector_load %arg14[%get3A_71, %get3A_72] {strides = array<i32>} : memref<5x128xi32, #tpu.memory_space<vmem>>, vector<1x16xi32>,
    %get3A_74 = vector.shape_cast %get3A_73 : vector<1x16xi32> to vector<1x16xi32>
    %add3A_75 = vector.broadcast %mul3A_6 : i32 to vector<1x16xi32>
    %add3A_76 = arith.addi %get3A_74, %add3A_75 : vector<1x16xi32>
    %swap3A_77 = arith.constant 0 : index
    %swap3A_78 = arith.constant 96 : index
    %swap3A_79 = tpu.vector_load %arg15[%swap3A_77, %swap3A_78] {strides = array<i32>} : memref<5x128xi32, #tpu.memory_space<vmem>>, vector<1x16xi32>,
    %swap3A_80 = vector.shape_cast %swap3A_79 : vector<1x16xi32> to vector<1x16xi32>
    %swap3A_81 = vector.shape_cast %add3A_76 : vector<1x16xi32> to vector<1x16xi32>
    tpu.vector_store %arg15[%swap3A_77, %swap3A_78], %swap3A_81 {strides = array<i32>} : memref<5x128xi32, #tpu.memory_space<vmem>>, vector<1x16xi32>,
    %get3A_82 = arith.constant 0 : index
    %get3A_83 = arith.constant 112 : index
    %get3A_84 = tpu.vector_load %arg14[%get3A_82, %get3A_83] {strides = array<i32>} : memref<5x128xi32, #tpu.memory_space<vmem>>, vector<1x16xi32>,
    %get3A_85 = vector.shape_cast %get3A_84 : vector<1x16xi32> to vector<1x16xi32>
    %add3A_86 = vector.broadcast %mul3A_6 : i32 to vector<1x16xi32>
    %add3A_87 = arith.addi %get3A_85, %add3A_86 : vector<1x16xi32>
    %swap3A_88 = arith.constant 0 : index
    %swap3A_89 = arith.constant 112 : index
    %swap3A_90 = tpu.vector_load %arg15[%swap3A_88, %swap3A_89] {strides = array<i32>} : memref<5x128xi32, #tpu.memory_space<vmem>>, vector<1x16xi32>,
    %swap3A_91 = vector.shape_cast %swap3A_90 : vector<1x16xi32> to vector<1x16xi32>
    %swap3A_92 = vector.shape_cast %add3A_87 : vector<1x16xi32> to vector<1x16xi32>
    tpu.vector_store %arg15[%swap3A_88, %swap3A_89], %swap3A_92 {strides = array<i32>} : memref<5x128xi32, #tpu.memory_space<vmem>>, vector<1x16xi32>,
    %get3A_93 = arith.constant 1 : index
    %get3A_94 = arith.constant 0 : index
    %get3A_95 = tpu.vector_load %arg14[%get3A_93, %get3A_94] {strides = array<i32>} : memref<5x128xi32, #tpu.memory_space<vmem>>, vector<1x16xi32>,
    %get3A_96 = vector.shape_cast %get3A_95 : vector<1x16xi32> to vector<1x16xi32>
    %add3A_97 = vector.broadcast %mul3A_6 : i32 to vector<1x16xi32>
    %add3A_98 = arith.addi %get3A_96, %add3A_97 : vector<1x16xi32>
    %swap3A_99 = arith.constant 1 : index
    %swap3A_100 = arith.constant 0 : index
    %swap3A_101 = tpu.vector_load %arg15[%swap3A_99, %swap3A_100] {strides = array<i32>} : memref<5x128xi32, #tpu.memory_space<vmem>>, vector<1x16xi32>,
    %swap3A_102 = vector.shape_cast %swap3A_101 : vector<1x16xi32> to vector<1x16xi32>
    %swap3A_103 = vector.shape_cast %add3A_98 : vector<1x16xi32> to vector<1x16xi32>
    tpu.vector_store %arg15[%swap3A_99, %swap3A_100], %swap3A_103 {strides = array<i32>} : memref<5x128xi32, #tpu.memory_space<vmem>>, vector<1x16xi32>,
    %get3A_104 = arith.constant 1 : index
    %get3A_105 = arith.constant 16 : index
    %get3A_106 = tpu.vector_load %arg14[%get3A_104, %get3A_105] {strides = array<i32>} : memref<5x128xi32, #tpu.memory_space<vmem>>, vector<1x16xi32>,
    %get3A_107 = vector.shape_cast %get3A_106 : vector<1x16xi32> to vector<1x16xi32>
    %add3A_108 = vector.broadcast %mul3A_6 : i32 to vector<1x16xi32>
    %add3A_109 = arith.addi %get3A_107, %add3A_108 : vector<1x16xi32>
    %swap3A_110 = arith.constant 1 : index
    %swap3A_111 = arith.constant 16 : index
    %swap3A_112 = tpu.vector_load %arg15[%swap3A_110, %swap3A_111] {strides = array<i32>} : memref<5x128xi32, #tpu.memory_space<vmem>>, vector<1x16xi32>,
    %swap3A_113 = vector.shape_cast %swap3A_112 : vector<1x16xi32> to vector<1x16xi32>
    %swap3A_114 = vector.shape_cast %add3A_109 : vector<1x16xi32> to vector<1x16xi32>
    tpu.vector_store %arg15[%swap3A_110, %swap3A_111], %swap3A_114 {strides = array<i32>} : memref<5x128xi32, #tpu.memory_space<vmem>>, vector<1x16xi32>,
    %get3A_115 = arith.constant 1 : index
    %get3A_116 = arith.constant 32 : index
    %get3A_117 = tpu.vector_load %arg14[%get3A_115, %get3A_116] {strides = array<i32>} : memref<5x128xi32, #tpu.memory_space<vmem>>, vector<1x16xi32>,
    %get3A_118 = vector.shape_cast %get3A_117 : vector<1x16xi32> to vector<1x16xi32>
    %add3A_119 = vector.broadcast %mul3A_6 : i32 to vector<1x16xi32>
    %add3A_120 = arith.addi %get3A_118, %add3A_119 : vector<1x16xi32>
    %swap3A_121 = arith.constant 1 : index
    %swap3A_122 = arith.constant 32 : index
    %swap3A_123 = tpu.vector_load %arg15[%swap3A_121, %swap3A_122] {strides = array<i32>} : memref<5x128xi32, #tpu.memory_space<vmem>>, vector<1x16xi32>,
    %swap3A_124 = vector.shape_cast %swap3A_123 : vector<1x16xi32> to vector<1x16xi32>
    %swap3A_125 = vector.shape_cast %add3A_120 : vector<1x16xi32> to vector<1x16xi32>
    tpu.vector_store %arg15[%swap3A_121, %swap3A_122], %swap3A_125 {strides = array<i32>} : memref<5x128xi32, #tpu.memory_space<vmem>>, vector<1x16xi32>,
    %get3A_126 = arith.constant 1 : index
    %get3A_127 = arith.constant 48 : index
    %get3A_128 = tpu.vector_load %arg14[%get3A_126, %get3A_127] {strides = array<i32>} : memref<5x128xi32, #tpu.memory_space<vmem>>, vector<1x16xi32>,
    %get3A_129 = vector.shape_cast %get3A_128 : vector<1x16xi32> to vector<1x16xi32>
    %add3A_130 = vector.broadcast %mul3A_6 : i32 to vector<1x16xi32>
    %add3A_131 = arith.addi %get3A_129, %add3A_130 : vector<1x16xi32>
    %swap3A_132 = arith.constant 1 : index
    %swap3A_133 = arith.constant 48 : index
    %swap3A_134 = tpu.vector_load %arg15[%swap3A_132, %swap3A_133] {strides = array<i32>} : memref<5x128xi32, #tpu.memory_space<vmem>>, vector<1x16xi32>,
    %swap3A_135 = vector.shape_cast %swap3A_134 : vector<1x16xi32> to vector<1x16xi32>
    %swap3A_136 = vector.shape_cast %add3A_131 : vector<1x16xi32> to vector<1x16xi32>
    tpu.vector_store %arg15[%swap3A_132, %swap3A_133], %swap3A_136 {strides = array<i32>} : memref<5x128xi32, #tpu.memory_space<vmem>>, vector<1x16xi32>,
    %get3A_137 = arith.constant 1 : index
    %get3A_138 = arith.constant 64 : index
    %get3A_139 = tpu.vector_load %arg14[%get3A_137, %get3A_138] {strides = array<i32>} : memref<5x128xi32, #tpu.memory_space<vmem>>, vector<1x16xi32>,
    %get3A_140 = vector.shape_cast %get3A_139 : vector<1x16xi32> to vector<1x16xi32>
    %add3A_141 = vector.broadcast %mul3A_6 : i32 to vector<1x16xi32>
    %add3A_142 = arith.addi %get3A_140, %add3A_141 : vector<1x16xi32>
    %swap3A_143 = arith.constant 1 : index
    %swap3A_144 = arith.constant 64 : index
    %swap3A_145 = tpu.vector_load %arg15[%swap3A_143, %swap3A_144] {strides = array<i32>} : memref<5x128xi32, #tpu.memory_space<vmem>>, vector<1x16xi32>,
    %swap3A_146 = vector.shape_cast %swap3A_145 : vector<1x16xi32> to vector<1x16xi32>
    %swap3A_147 = vector.shape_cast %add3A_142 : vector<1x16xi32> to vector<1x16xi32>
    tpu.vector_store %arg15[%swap3A_143, %swap3A_144], %swap3A_147 {strides = array<i32>} : memref<5x128xi32, #tpu.memory_space<vmem>>, vector<1x16xi32>,
    %get3A_148 = arith.constant 1 : index
    %get3A_149 = arith.constant 80 : index
    %get3A_150 = tpu.vector_load %arg14[%get3A_148, %get3A_149] {strides = array<i32>} : memref<5x128xi32, #tpu.memory_space<vmem>>, vector<1x16xi32>,
    %get3A_151 = vector.shape_cast %get3A_150 : vector<1x16xi32> to vector<1x16xi32>
    %add3A_152 = vector.broadcast %mul3A_6 : i32 to vector<1x16xi32>
    %add3A_153 = arith.addi %get3A_151, %add3A_152 : vector<1x16xi32>
    %swap3A_154 = arith.constant 1 : index
    %swap3A_155 = arith.constant 80 : index
    %swap3A_156 = tpu.vector_load %arg15[%swap3A_154, %swap3A_155] {strides = array<i32>} : memref<5x128xi32, #tpu.memory_space<vmem>>, vector<1x16xi32>,
    %swap3A_157 = vector.shape_cast %swap3A_156 : vector<1x16xi32> to vector<1x16xi32>
    %swap3A_158 = vector.shape_cast %add3A_153 : vector<1x16xi32> to vector<1x16xi32>
    tpu.vector_store %arg15[%swap3A_154, %swap3A_155], %swap3A_158 {strides = array<i32>} : memref<5x128xi32, #tpu.memory_space<vmem>>, vector<1x16xi32>,
    %get3A_159 = arith.constant 1 : index
    %get3A_160 = arith.constant 96 : index
    %get3A_161 = tpu.vector_load %arg14[%get3A_159, %get3A_160] {strides = array<i32>} : memref<5x128xi32, #tpu.memory_space<vmem>>, vector<1x16xi32>,
    %get3A_162 = vector.shape_cast %get3A_161 : vector<1x16xi32> to vector<1x16xi32>
    %add3A_163 = vector.broadcast %mul3A_6 : i32 to vector<1x16xi32>
    %add3A_164 = arith.addi %get3A_162, %add3A_163 : vector<1x16xi32>
    %swap3A_165 = arith.constant 1 : index
    %swap3A_166 = arith.constant 96 : index
    %swap3A_167 = tpu.vector_load %arg15[%swap3A_165, %swap3A_166] {strides = array<i32>} : memref<5x128xi32, #tpu.memory_space<vmem>>, vector<1x16xi32>,
    %swap3A_168 = vector.shape_cast %swap3A_167 : vector<1x16xi32> to vector<1x16xi32>
    %swap3A_169 = vector.shape_cast %add3A_164 : vector<1x16xi32> to vector<1x16xi32>
    tpu.vector_store %arg15[%swap3A_165, %swap3A_166], %swap3A_169 {strides = array<i32>} : memref<5x128xi32, #tpu.memory_space<vmem>>, vector<1x16xi32>,
    %get3A_170 = arith.constant 1 : index
    %get3A_171 = arith.constant 112 : index
    %get3A_172 = tpu.vector_load %arg14[%get3A_170, %get3A_171] {strides = array<i32>} : memref<5x128xi32, #tpu.memory_space<vmem>>, vector<1x16xi32>,
    %get3A_173 = vector.shape_cast %get3A_172 : vector<1x16xi32> to vector<1x16xi32>
    %add3A_174 = vector.broadcast %mul3A_6 : i32 to vector<1x16xi32>
    %add3A_175 = arith.addi %get3A_173, %add3A_174 : vector<1x16xi32>
    %swap3A_176 = arith.constant 1 : index
    %swap3A_177 = arith.constant 112 : index
    %swap3A_178 = tpu.vector_load %arg15[%swap3A_176, %swap3A_177] {strides = array<i32>} : memref<5x128xi32, #tpu.memory_space<vmem>>, vector<1x16xi32>,
    %swap3A_179 = vector.shape_cast %swap3A_178 : vector<1x16xi32> to vector<1x16xi32>
    %swap3A_180 = vector.shape_cast %add3A_175 : vector<1x16xi32> to vector<1x16xi32>
    tpu.vector_store %arg15[%swap3A_176, %swap3A_177], %swap3A_180 {strides = array<i32>} : memref<5x128xi32, #tpu.memory_space<vmem>>, vector<1x16xi32>,
    %get3A_181 = arith.constant 2 : index
    %get3A_182 = arith.constant 0 : index
    %get3A_183 = tpu.vector_load %arg14[%get3A_181, %get3A_182] {strides = array<i32>} : memref<5x128xi32, #tpu.memory_space<vmem>>, vector<1x16xi32>,
    %get3A_184 = vector.shape_cast %get3A_183 : vector<1x16xi32> to vector<1x16xi32>
    %add3A_185 = vector.broadcast %mul3A_6 : i32 to vector<1x16xi32>
    %add3A_186 = arith.addi %get3A_184, %add3A_185 : vector<1x16xi32>
    %swap3A_187 = arith.constant 2 : index
    %swap3A_188 = arith.constant 0 : index
    %swap3A_189 = tpu.vector_load %arg15[%swap3A_187, %swap3A_188] {strides = array<i32>} : memref<5x128xi32, #tpu.memory_space<vmem>>, vector<1x16xi32>,
    %swap3A_190 = vector.shape_cast %swap3A_189 : vector<1x16xi32> to vector<1x16xi32>
    %swap3A_191 = vector.shape_cast %add3A_186 : vector<1x16xi32> to vector<1x16xi32>
    tpu.vector_store %arg15[%swap3A_187, %swap3A_188], %swap3A_191 {strides = array<i32>} : memref<5x128xi32, #tpu.memory_space<vmem>>, vector<1x16xi32>,
    %get3A_192 = arith.constant 2 : index
    %get3A_193 = arith.constant 16 : index
    %get3A_194 = tpu.vector_load %arg14[%get3A_192, %get3A_193] {strides = array<i32>} : memref<5x128xi32, #tpu.memory_space<vmem>>, vector<1x16xi32>,
    %get3A_195 = vector.shape_cast %get3A_194 : vector<1x16xi32> to vector<1x16xi32>
    %add3A_196 = vector.broadcast %mul3A_6 : i32 to vector<1x16xi32>
    %add3A_197 = arith.addi %get3A_195, %add3A_196 : vector<1x16xi32>
    %swap3A_198 = arith.constant 2 : index
    %swap3A_199 = arith.constant 16 : index
    %swap3A_200 = tpu.vector_load %arg15[%swap3A_198, %swap3A_199] {strides = array<i32>} : memref<5x128xi32, #tpu.memory_space<vmem>>, vector<1x16xi32>,
    %swap3A_201 = vector.shape_cast %swap3A_200 : vector<1x16xi32> to vector<1x16xi32>
    %swap3A_202 = vector.shape_cast %add3A_197 : vector<1x16xi32> to vector<1x16xi32>
    tpu.vector_store %arg15[%swap3A_198, %swap3A_199], %swap3A_202 {strides = array<i32>} : memref<5x128xi32, #tpu.memory_space<vmem>>, vector<1x16xi32>,
    %get3A_203 = arith.constant 2 : index
    %get3A_204 = arith.constant 32 : index
    %get3A_205 = tpu.vector_load %arg14[%get3A_203, %get3A_204] {strides = array<i32>} : memref<5x128xi32, #tpu.memory_space<vmem>>, vector<1x16xi32>,
    %get3A_206 = vector.shape_cast %get3A_205 : vector<1x16xi32> to vector<1x16xi32>
    %add3A_207 = vector.broadcast %mul3A_6 : i32 to vector<1x16xi32>
    %add3A_208 = arith.addi %get3A_206, %add3A_207 : vector<1x16xi32>
    %swap3A_209 = arith.constant 2 : index
    %swap3A_210 = arith.constant 32 : index
    %swap3A_211 = tpu.vector_load %arg15[%swap3A_209, %swap3A_210] {strides = array<i32>} : memref<5x128xi32, #tpu.memory_space<vmem>>, vector<1x16xi32>,
    %swap3A_212 = vector.shape_cast %swap3A_211 : vector<1x16xi32> to vector<1x16xi32>
    %swap3A_213 = vector.shape_cast %add3A_208 : vector<1x16xi32> to vector<1x16xi32>
    tpu.vector_store %arg15[%swap3A_209, %swap3A_210], %swap3A_213 {strides = array<i32>} : memref<5x128xi32, #tpu.memory_space<vmem>>, vector<1x16xi32>,
    %get3A_214 = arith.constant 2 : index
    %get3A_215 = arith.constant 48 : index
    %get3A_216 = tpu.vector_load %arg14[%get3A_214, %get3A_215] {strides = array<i32>} : memref<5x128xi32, #tpu.memory_space<vmem>>, vector<1x16xi32>,
    %get3A_217 = vector.shape_cast %get3A_216 : vector<1x16xi32> to vector<1x16xi32>
    %add3A_218 = vector.broadcast %mul3A_6 : i32 to vector<1x16xi32>
    %add3A_219 = arith.addi %get3A_217, %add3A_218 : vector<1x16xi32>
    %swap3A_220 = arith.constant 2 : index
    %swap3A_221 = arith.constant 48 : index
    %swap3A_222 = tpu.vector_load %arg15[%swap3A_220, %swap3A_221] {strides = array<i32>} : memref<5x128xi32, #tpu.memory_space<vmem>>, vector<1x16xi32>,
    %swap3A_223 = vector.shape_cast %swap3A_222 : vector<1x16xi32> to vector<1x16xi32>
    %swap3A_224 = vector.shape_cast %add3A_219 : vector<1x16xi32> to vector<1x16xi32>
    tpu.vector_store %arg15[%swap3A_220, %swap3A_221], %swap3A_224 {strides = array<i32>} : memref<5x128xi32, #tpu.memory_space<vmem>>, vector<1x16xi32>,
    %get3A_225 = arith.constant 2 : index
    %get3A_226 = arith.constant 64 : index
    %get3A_227 = tpu.vector_load %arg14[%get3A_225, %get3A_226] {strides = array<i32>} : memref<5x128xi32, #tpu.memory_space<vmem>>, vector<1x16xi32>,
    %get3A_228 = vector.shape_cast %get3A_227 : vector<1x16xi32> to vector<1x16xi32>
    %add3A_229 = vector.broadcast %mul3A_6 : i32 to vector<1x16xi32>
    %add3A_230 = arith.addi %get3A_228, %add3A_229 : vector<1x16xi32>
    %swap3A_231 = arith.constant 2 : index
    %swap3A_232 = arith.constant 64 : index
    %swap3A_233 = tpu.vector_load %arg15[%swap3A_231, %swap3A_232] {strides = array<i32>} : memref<5x128xi32, #tpu.memory_space<vmem>>, vector<1x16xi32>,
    %swap3A_234 = vector.shape_cast %swap3A_233 : vector<1x16xi32> to vector<1x16xi32>
    %swap3A_235 = vector.shape_cast %add3A_230 : vector<1x16xi32> to vector<1x16xi32>
    tpu.vector_store %arg15[%swap3A_231, %swap3A_232], %swap3A_235 {strides = array<i32>} : memref<5x128xi32, #tpu.memory_space<vmem>>, vector<1x16xi32>,
    %get3A_236 = arith.constant 2 : index
    %get3A_237 = arith.constant 80 : index
    %get3A_238 = tpu.vector_load %arg14[%get3A_236, %get3A_237] {strides = array<i32>} : memref<5x128xi32, #tpu.memory_space<vmem>>, vector<1x16xi32>,
    %get3A_239 = vector.shape_cast %get3A_238 : vector<1x16xi32> to vector<1x16xi32>
    %add3A_240 = vector.broadcast %mul3A_6 : i32 to vector<1x16xi32>
    %add3A_241 = arith.addi %get3A_239, %add3A_240 : vector<1x16xi32>
    %swap3A_242 = arith.constant 2 : index
    %swap3A_243 = arith.constant 80 : index
    %swap3A_244 = tpu.vector_load %arg15[%swap3A_242, %swap3A_243] {strides = array<i32>} : memref<5x128xi32, #tpu.memory_space<vmem>>, vector<1x16xi32>,
    %swap3A_245 = vector.shape_cast %swap3A_244 : vector<1x16xi32> to vector<1x16xi32>
    %swap3A_246 = vector.shape_cast %add3A_241 : vector<1x16xi32> to vector<1x16xi32>
    tpu.vector_store %arg15[%swap3A_242, %swap3A_243], %swap3A_246 {strides = array<i32>} : memref<5x128xi32, #tpu.memory_space<vmem>>, vector<1x16xi32>,
    %get3A_247 = arith.constant 2 : index
    %get3A_248 = arith.constant 96 : index
    %get3A_249 = tpu.vector_load %arg14[%get3A_247, %get3A_248] {strides = array<i32>} : memref<5x128xi32, #tpu.memory_space<vmem>>, vector<1x16xi32>,
    %get3A_250 = vector.shape_cast %get3A_249 : vector<1x16xi32> to vector<1x16xi32>
    %add3A_251 = vector.broadcast %mul3A_6 : i32 to vector<1x16xi32>
    %add3A_252 = arith.addi %get3A_250, %add3A_251 : vector<1x16xi32>
    %swap3A_253 = arith.constant 2 : index
    %swap3A_254 = arith.constant 96 : index
    %swap3A_255 = tpu.vector_load %arg15[%swap3A_253, %swap3A_254] {strides = array<i32>} : memref<5x128xi32, #tpu.memory_space<vmem>>, vector<1x16xi32>,
    %swap3A_256 = vector.shape_cast %swap3A_255 : vector<1x16xi32> to vector<1x16xi32>
    %swap3A_257 = vector.shape_cast %add3A_252 : vector<1x16xi32> to vector<1x16xi32>
    tpu.vector_store %arg15[%swap3A_253, %swap3A_254], %swap3A_257 {strides = array<i32>} : memref<5x128xi32, #tpu.memory_space<vmem>>, vector<1x16xi32>,
    %get3A_258 = arith.constant 2 : index
    %get3A_259 = arith.constant 112 : index
    %get3A_260 = tpu.vector_load %arg14[%get3A_258, %get3A_259] {strides = array<i32>} : memref<5x128xi32, #tpu.memory_space<vmem>>, vector<1x16xi32>,
    %get3A_261 = vector.shape_cast %get3A_260 : vector<1x16xi32> to vector<1x16xi32>
    %add3A_262 = vector.broadcast %mul3A_6 : i32 to vector<1x16xi32>
    %add3A_263 = arith.addi %get3A_261, %add3A_262 : vector<1x16xi32>
    %swap3A_264 = arith.constant 2 : index
    %swap3A_265 = arith.constant 112 : index
    %swap3A_266 = tpu.vector_load %arg15[%swap3A_264, %swap3A_265] {strides = array<i32>} : memref<5x128xi32, #tpu.memory_space<vmem>>, vector<1x16xi32>,
    %swap3A_267 = vector.shape_cast %swap3A_266 : vector<1x16xi32> to vector<1x16xi32>
    %swap3A_268 = vector.shape_cast %add3A_263 : vector<1x16xi32> to vector<1x16xi32>
    tpu.vector_store %arg15[%swap3A_264, %swap3A_265], %swap3A_268 {strides = array<i32>} : memref<5x128xi32, #tpu.memory_space<vmem>>, vector<1x16xi32>,
    %get3A_269 = arith.constant 3 : index
    %get3A_270 = arith.constant 0 : index
    %get3A_271 = tpu.vector_load %arg14[%get3A_269, %get3A_270] {strides = array<i32>} : memref<5x128xi32, #tpu.memory_space<vmem>>, vector<1x16xi32>,
    %get3A_272 = vector.shape_cast %get3A_271 : vector<1x16xi32> to vector<1x16xi32>
    %add3A_273 = vector.broadcast %mul3A_6 : i32 to vector<1x16xi32>
    %add3A_274 = arith.addi %get3A_272, %add3A_273 : vector<1x16xi32>
    %swap3A_275 = arith.constant 3 : index
    %swap3A_276 = arith.constant 0 : index
    %swap3A_277 = tpu.vector_load %arg15[%swap3A_275, %swap3A_276] {strides = array<i32>} : memref<5x128xi32, #tpu.memory_space<vmem>>, vector<1x16xi32>,
    %swap3A_278 = vector.shape_cast %swap3A_277 : vector<1x16xi32> to vector<1x16xi32>
    %swap3A_279 = vector.shape_cast %add3A_274 : vector<1x16xi32> to vector<1x16xi32>
    tpu.vector_store %arg15[%swap3A_275, %swap3A_276], %swap3A_279 {strides = array<i32>} : memref<5x128xi32, #tpu.memory_space<vmem>>, vector<1x16xi32>,
    %get3A_280 = arith.constant 3 : index
    %get3A_281 = arith.constant 16 : index
    %get3A_282 = tpu.vector_load %arg14[%get3A_280, %get3A_281] {strides = array<i32>} : memref<5x128xi32, #tpu.memory_space<vmem>>, vector<1x16xi32>,
    %get3A_283 = vector.shape_cast %get3A_282 : vector<1x16xi32> to vector<1x16xi32>
    %add3A_284 = vector.broadcast %mul3A_6 : i32 to vector<1x16xi32>
    %add3A_285 = arith.addi %get3A_283, %add3A_284 : vector<1x16xi32>
    %swap3A_286 = arith.constant 3 : index
    %swap3A_287 = arith.constant 16 : index
    %swap3A_288 = tpu.vector_load %arg15[%swap3A_286, %swap3A_287] {strides = array<i32>} : memref<5x128xi32, #tpu.memory_space<vmem>>, vector<1x16xi32>,
    %swap3A_289 = vector.shape_cast %swap3A_288 : vector<1x16xi32> to vector<1x16xi32>
    %swap3A_290 = vector.shape_cast %add3A_285 : vector<1x16xi32> to vector<1x16xi32>
    tpu.vector_store %arg15[%swap3A_286, %swap3A_287], %swap3A_290 {strides = array<i32>} : memref<5x128xi32, #tpu.memory_space<vmem>>, vector<1x16xi32>,
    %get3A_291 = arith.constant 3 : index
    %get3A_292 = arith.constant 32 : index
    %get3A_293 = tpu.vector_load %arg14[%get3A_291, %get3A_292] {strides = array<i32>} : memref<5x128xi32, #tpu.memory_space<vmem>>, vector<1x16xi32>,
    %get3A_294 = vector.shape_cast %get3A_293 : vector<1x16xi32> to vector<1x16xi32>
    %add3A_295 = vector.broadcast %mul3A_6 : i32 to vector<1x16xi32>
    %add3A_296 = arith.addi %get3A_294, %add3A_295 : vector<1x16xi32>
    %swap3A_297 = arith.constant 3 : index
    %swap3A_298 = arith.constant 32 : index
    %swap3A_299 = tpu.vector_load %arg15[%swap3A_297, %swap3A_298] {strides = array<i32>} : memref<5x128xi32, #tpu.memory_space<vmem>>, vector<1x16xi32>,
    %swap3A_300 = vector.shape_cast %swap3A_299 : vector<1x16xi32> to vector<1x16xi32>
    %swap3A_301 = vector.shape_cast %add3A_296 : vector<1x16xi32> to vector<1x16xi32>
    tpu.vector_store %arg15[%swap3A_297, %swap3A_298], %swap3A_301 {strides = array<i32>} : memref<5x128xi32, #tpu.memory_space<vmem>>, vector<1x16xi32>,
    %get3A_302 = arith.constant 3 : index
    %get3A_303 = arith.constant 48 : index
    %get3A_304 = tpu.vector_load %arg14[%get3A_302, %get3A_303] {strides = array<i32>} : memref<5x128xi32, #tpu.memory_space<vmem>>, vector<1x16xi32>,
    %get3A_305 = vector.shape_cast %get3A_304 : vector<1x16xi32> to vector<1x16xi32>
    %add3A_306 = vector.broadcast %mul3A_6 : i32 to vector<1x16xi32>
    %add3A_307 = arith.addi %get3A_305, %add3A_306 : vector<1x16xi32>
    %swap3A_308 = arith.constant 3 : index
    %swap3A_309 = arith.constant 48 : index
    %swap3A_310 = tpu.vector_load %arg15[%swap3A_308, %swap3A_309] {strides = array<i32>} : memref<5x128xi32, #tpu.memory_space<vmem>>, vector<1x16xi32>,
    %swap3A_311 = vector.shape_cast %swap3A_310 : vector<1x16xi32> to vector<1x16xi32>
    %swap3A_312 = vector.shape_cast %add3A_307 : vector<1x16xi32> to vector<1x16xi32>
    tpu.vector_store %arg15[%swap3A_308, %swap3A_309], %swap3A_312 {strides = array<i32>} : memref<5x128xi32, #tpu.memory_space<vmem>>, vector<1x16xi32>,
    %get3A_313 = arith.constant 3 : index
    %get3A_314 = arith.constant 64 : index
    %get3A_315 = tpu.vector_load %arg14[%get3A_313, %get3A_314] {strides = array<i32>} : memref<5x128xi32, #tpu.memory_space<vmem>>, vector<1x16xi32>,
    %get3A_316 = vector.shape_cast %get3A_315 : vector<1x16xi32> to vector<1x16xi32>
    %add3A_317 = vector.broadcast %mul3A_6 : i32 to vector<1x16xi32>
    %add3A_318 = arith.addi %get3A_316, %add3A_317 : vector<1x16xi32>
    %swap3A_319 = arith.constant 3 : index
    %swap3A_320 = arith.constant 64 : index
    %swap3A_321 = tpu.vector_load %arg15[%swap3A_319, %swap3A_320] {strides = array<i32>} : memref<5x128xi32, #tpu.memory_space<vmem>>, vector<1x16xi32>,
    %swap3A_322 = vector.shape_cast %swap3A_321 : vector<1x16xi32> to vector<1x16xi32>
    %swap3A_323 = vector.shape_cast %add3A_318 : vector<1x16xi32> to vector<1x16xi32>
    tpu.vector_store %arg15[%swap3A_319, %swap3A_320], %swap3A_323 {strides = array<i32>} : memref<5x128xi32, #tpu.memory_space<vmem>>, vector<1x16xi32>,
    %get3A_324 = arith.constant 3 : index
    %get3A_325 = arith.constant 80 : index
    %get3A_326 = tpu.vector_load %arg14[%get3A_324, %get3A_325] {strides = array<i32>} : memref<5x128xi32, #tpu.memory_space<vmem>>, vector<1x16xi32>,
    %get3A_327 = vector.shape_cast %get3A_326 : vector<1x16xi32> to vector<1x16xi32>
    %add3A_328 = vector.broadcast %mul3A_6 : i32 to vector<1x16xi32>
    %add3A_329 = arith.addi %get3A_327, %add3A_328 : vector<1x16xi32>
    %swap3A_330 = arith.constant 3 : index
    %swap3A_331 = arith.constant 80 : index
    %swap3A_332 = tpu.vector_load %arg15[%swap3A_330, %swap3A_331] {strides = array<i32>} : memref<5x128xi32, #tpu.memory_space<vmem>>, vector<1x16xi32>,
    %swap3A_333 = vector.shape_cast %swap3A_332 : vector<1x16xi32> to vector<1x16xi32>
    %swap3A_334 = vector.shape_cast %add3A_329 : vector<1x16xi32> to vector<1x16xi32>
    tpu.vector_store %arg15[%swap3A_330, %swap3A_331], %swap3A_334 {strides = array<i32>} : memref<5x128xi32, #tpu.memory_space<vmem>>, vector<1x16xi32>,
    %get3A_335 = arith.constant 3 : index
    %get3A_336 = arith.constant 96 : index
    %get3A_337 = tpu.vector_load %arg14[%get3A_335, %get3A_336] {strides = array<i32>} : memref<5x128xi32, #tpu.memory_space<vmem>>, vector<1x16xi32>,
    %get3A_338 = vector.shape_cast %get3A_337 : vector<1x16xi32> to vector<1x16xi32>
    %add3A_339 = vector.broadcast %mul3A_6 : i32 to vector<1x16xi32>
    %add3A_340 = arith.addi %get3A_338, %add3A_339 : vector<1x16xi32>
    %swap3A_341 = arith.constant 3 : index
    %swap3A_342 = arith.constant 96 : index
    %swap3A_343 = tpu.vector_load %arg15[%swap3A_341, %swap3A_342] {strides = array<i32>} : memref<5x128xi32, #tpu.memory_space<vmem>>, vector<1x16xi32>,
    %swap3A_344 = vector.shape_cast %swap3A_343 : vector<1x16xi32> to vector<1x16xi32>
    %swap3A_345 = vector.shape_cast %add3A_340 : vector<1x16xi32> to vector<1x16xi32>
    tpu.vector_store %arg15[%swap3A_341, %swap3A_342], %swap3A_345 {strides = array<i32>} : memref<5x128xi32, #tpu.memory_space<vmem>>, vector<1x16xi32>,
    %get3A_346 = arith.constant 3 : index
    %get3A_347 = arith.constant 112 : index
    %get3A_348 = tpu.vector_load %arg14[%get3A_346, %get3A_347] {strides = array<i32>} : memref<5x128xi32, #tpu.memory_space<vmem>>, vector<1x16xi32>,
    %get3A_349 = vector.shape_cast %get3A_348 : vector<1x16xi32> to vector<1x16xi32>
    %add3A_350 = vector.broadcast %mul3A_6 : i32 to vector<1x16xi32>
    %add3A_351 = arith.addi %get3A_349, %add3A_350 : vector<1x16xi32>
    %swap3A_352 = arith.constant 3 : index
    %swap3A_353 = arith.constant 112 : index
    %swap3A_354 = tpu.vector_load %arg15[%swap3A_352, %swap3A_353] {strides = array<i32>} : memref<5x128xi32, #tpu.memory_space<vmem>>, vector<1x16xi32>,
    %swap3A_355 = vector.shape_cast %swap3A_354 : vector<1x16xi32> to vector<1x16xi32>
    %swap3A_356 = vector.shape_cast %add3A_351 : vector<1x16xi32> to vector<1x16xi32>
    tpu.vector_store %arg15[%swap3A_352, %swap3A_353], %swap3A_356 {strides = array<i32>} : memref<5x128xi32, #tpu.memory_space<vmem>>, vector<1x16xi32>,
    %get3A_357 = arith.constant 4 : index
    %get3A_358 = arith.constant 0 : index
    %get3A_359 = tpu.vector_load %arg14[%get3A_357, %get3A_358] {strides = array<i32>} : memref<5x128xi32, #tpu.memory_space<vmem>>, vector<1x16xi32>,
    %get3A_360 = vector.shape_cast %get3A_359 : vector<1x16xi32> to vector<1x16xi32>
    %add3A_361 = vector.broadcast %mul3A_6 : i32 to vector<1x16xi32>
    %add3A_362 = arith.addi %get3A_360, %add3A_361 : vector<1x16xi32>
    %swap3A_363 = arith.constant 4 : index
    %swap3A_364 = arith.constant 0 : index
    %swap3A_365 = tpu.vector_load %arg15[%swap3A_363, %swap3A_364] {strides = array<i32>} : memref<5x128xi32, #tpu.memory_space<vmem>>, vector<1x16xi32>,
    %swap3A_366 = vector.shape_cast %swap3A_365 : vector<1x16xi32> to vector<1x16xi32>
    %swap3A_367 = vector.shape_cast %add3A_362 : vector<1x16xi32> to vector<1x16xi32>
    tpu.vector_store %arg15[%swap3A_363, %swap3A_364], %swap3A_367 {strides = array<i32>} : memref<5x128xi32, #tpu.memory_space<vmem>>, vector<1x16xi32>,
    %get3A_368 = arith.constant 4 : index
    %get3A_369 = arith.constant 16 : index
    %get3A_370 = tpu.vector_load %arg14[%get3A_368, %get3A_369] {strides = array<i32>} : memref<5x128xi32, #tpu.memory_space<vmem>>, vector<1x16xi32>,
    %get3A_371 = vector.shape_cast %get3A_370 : vector<1x16xi32> to vector<1x16xi32>
    %add3A_372 = vector.broadcast %mul3A_6 : i32 to vector<1x16xi32>
    %add3A_373 = arith.addi %get3A_371, %add3A_372 : vector<1x16xi32>
    %swap3A_374 = arith.constant 4 : index
    %swap3A_375 = arith.constant 16 : index
    %swap3A_376 = tpu.vector_load %arg15[%swap3A_374, %swap3A_375] {strides = array<i32>} : memref<5x128xi32, #tpu.memory_space<vmem>>, vector<1x16xi32>,
    %swap3A_377 = vector.shape_cast %swap3A_376 : vector<1x16xi32> to vector<1x16xi32>
    %swap3A_378 = vector.shape_cast %add3A_373 : vector<1x16xi32> to vector<1x16xi32>
    tpu.vector_store %arg15[%swap3A_374, %swap3A_375], %swap3A_378 {strides = array<i32>} : memref<5x128xi32, #tpu.memory_space<vmem>>, vector<1x16xi32>,
    %get3A_379 = arith.constant 4 : index
    %get3A_380 = arith.constant 32 : index
    %get3A_381 = tpu.vector_load %arg14[%get3A_379, %get3A_380] {strides = array<i32>} : memref<5x128xi32, #tpu.memory_space<vmem>>, vector<1x16xi32>,
    %get3A_382 = vector.shape_cast %get3A_381 : vector<1x16xi32> to vector<1x16xi32>
    %add3A_383 = vector.broadcast %mul3A_6 : i32 to vector<1x16xi32>
    %add3A_384 = arith.addi %get3A_382, %add3A_383 : vector<1x16xi32>
    %swap3A_385 = arith.constant 4 : index
    %swap3A_386 = arith.constant 32 : index
    %swap3A_387 = tpu.vector_load %arg15[%swap3A_385, %swap3A_386] {strides = array<i32>} : memref<5x128xi32, #tpu.memory_space<vmem>>, vector<1x16xi32>,
    %swap3A_388 = vector.shape_cast %swap3A_387 : vector<1x16xi32> to vector<1x16xi32>
    %swap3A_389 = vector.shape_cast %add3A_384 : vector<1x16xi32> to vector<1x16xi32>
    tpu.vector_store %arg15[%swap3A_385, %swap3A_386], %swap3A_389 {strides = array<i32>} : memref<5x128xi32, #tpu.memory_space<vmem>>, vector<1x16xi32>,
    %get3A_390 = arith.constant 4 : index
    %get3A_391 = arith.constant 48 : index
    %get3A_392 = tpu.vector_load %arg14[%get3A_390, %get3A_391] {strides = array<i32>} : memref<5x128xi32, #tpu.memory_space<vmem>>, vector<1x16xi32>,
    %get3A_393 = vector.shape_cast %get3A_392 : vector<1x16xi32> to vector<1x16xi32>
    %add3A_394 = vector.broadcast %mul3A_6 : i32 to vector<1x16xi32>
    %add3A_395 = arith.addi %get3A_393, %add3A_394 : vector<1x16xi32>
    %swap3A_396 = arith.constant 4 : index
    %swap3A_397 = arith.constant 48 : index
    %swap3A_398 = tpu.vector_load %arg15[%swap3A_396, %swap3A_397] {strides = array<i32>} : memref<5x128xi32, #tpu.memory_space<vmem>>, vector<1x16xi32>,
    %swap3A_399 = vector.shape_cast %swap3A_398 : vector<1x16xi32> to vector<1x16xi32>
    %swap3A_400 = vector.shape_cast %add3A_395 : vector<1x16xi32> to vector<1x16xi32>
    tpu.vector_store %arg15[%swap3A_396, %swap3A_397], %swap3A_400 {strides = array<i32>} : memref<5x128xi32, #tpu.memory_space<vmem>>, vector<1x16xi32>,
    %get3A_401 = arith.constant 4 : index
    %get3A_402 = arith.constant 64 : index
    %get3A_403 = tpu.vector_load %arg14[%get3A_401, %get3A_402] {strides = array<i32>} : memref<5x128xi32, #tpu.memory_space<vmem>>, vector<1x16xi32>,
    %get3A_404 = vector.shape_cast %get3A_403 : vector<1x16xi32> to vector<1x16xi32>
    %add3A_405 = vector.broadcast %mul3A_6 : i32 to vector<1x16xi32>
    %add3A_406 = arith.addi %get3A_404, %add3A_405 : vector<1x16xi32>
    %swap3A_407 = arith.constant 4 : index
    %swap3A_408 = arith.constant 64 : index
    %swap3A_409 = tpu.vector_load %arg15[%swap3A_407, %swap3A_408] {strides = array<i32>} : memref<5x128xi32, #tpu.memory_space<vmem>>, vector<1x16xi32>,
    %swap3A_410 = vector.shape_cast %swap3A_409 : vector<1x16xi32> to vector<1x16xi32>
    %swap3A_411 = vector.shape_cast %add3A_406 : vector<1x16xi32> to vector<1x16xi32>
    tpu.vector_store %arg15[%swap3A_407, %swap3A_408], %swap3A_411 {strides = array<i32>} : memref<5x128xi32, #tpu.memory_space<vmem>>, vector<1x16xi32>,
    %get3A_412 = arith.constant 4 : index
    %get3A_413 = arith.constant 80 : index
    %get3A_414 = tpu.vector_load %arg14[%get3A_412, %get3A_413] {strides = array<i32>} : memref<5x128xi32, #tpu.memory_space<vmem>>, vector<1x16xi32>,
    %get3A_415 = vector.shape_cast %get3A_414 : vector<1x16xi32> to vector<1x16xi32>
    %add3A_416 = vector.broadcast %mul3A_6 : i32 to vector<1x16xi32>
    %add3A_417 = arith.addi %get3A_415, %add3A_416 : vector<1x16xi32>
    %swap3A_418 = arith.constant 4 : index
    %swap3A_419 = arith.constant 80 : index
    %swap3A_420 = tpu.vector_load %arg15[%swap3A_418, %swap3A_419] {strides = array<i32>} : memref<5x128xi32, #tpu.memory_space<vmem>>, vector<1x16xi32>,
    %swap3A_421 = vector.shape_cast %swap3A_420 : vector<1x16xi32> to vector<1x16xi32>
    %swap3A_422 = vector.shape_cast %add3A_417 : vector<1x16xi32> to vector<1x16xi32>
    tpu.vector_store %arg15[%swap3A_418, %swap3A_419], %swap3A_422 {strides = array<i32>} : memref<5x128xi32, #tpu.memory_space<vmem>>, vector<1x16xi32>,
    %get3A_423 = arith.constant 4 : index
    %get3A_424 = arith.constant 96 : index
    %get3A_425 = tpu.vector_load %arg14[%get3A_423, %get3A_424] {strides = array<i32>} : memref<5x128xi32, #tpu.memory_space<vmem>>, vector<1x16xi32>,
    %get3A_426 = vector.shape_cast %get3A_425 : vector<1x16xi32> to vector<1x16xi32>
    %add3A_427 = vector.broadcast %mul3A_6 : i32 to vector<1x16xi32>
    %add3A_428 = arith.addi %get3A_426, %add3A_427 : vector<1x16xi32>
    %swap3A_429 = arith.constant 4 : index
    %swap3A_430 = arith.constant 96 : index
    %swap3A_431 = tpu.vector_load %arg15[%swap3A_429, %swap3A_430] {strides = array<i32>} : memref<5x128xi32, #tpu.memory_space<vmem>>, vector<1x16xi32>,
    %swap3A_432 = vector.shape_cast %swap3A_431 : vector<1x16xi32> to vector<1x16xi32>
    %swap3A_433 = vector.shape_cast %add3A_428 : vector<1x16xi32> to vector<1x16xi32>
    tpu.vector_store %arg15[%swap3A_429, %swap3A_430], %swap3A_433 {strides = array<i32>} : memref<5x128xi32, #tpu.memory_space<vmem>>, vector<1x16xi32>,
    %get3A_434 = arith.constant 4 : index
    %get3A_435 = arith.constant 112 : index
    %get3A_436 = tpu.vector_load %arg14[%get3A_434, %get3A_435] {strides = array<i32>} : memref<5x128xi32, #tpu.memory_space<vmem>>, vector<1x16xi32>,
    %get3A_437 = vector.shape_cast %get3A_436 : vector<1x16xi32> to vector<1x16xi32>
    %add3A_438 = vector.broadcast %mul3A_6 : i32 to vector<1x16xi32>
    %add3A_439 = arith.addi %get3A_437, %add3A_438 : vector<1x16xi32>
    %swap3A_440 = arith.constant 4 : index
    %swap3A_441 = arith.constant 112 : index
    %swap3A_442 = tpu.vector_load %arg15[%swap3A_440, %swap3A_441] {strides = array<i32>} : memref<5x128xi32, #tpu.memory_space<vmem>>, vector<1x16xi32>,
    %swap3A_443 = vector.shape_cast %swap3A_442 : vector<1x16xi32> to vector<1x16xi32>
    %swap3A_444 = vector.shape_cast %add3A_439 : vector<1x16xi32> to vector<1x16xi32>
    tpu.vector_store %arg15[%swap3A_440, %swap3A_441], %swap3A_444 {strides = array<i32>} : memref<5x128xi32, #tpu.memory_space<vmem>>, vector<1x16xi32>,
    %mul3A_445 = arith.constant 2 : i32
    %mul3A_446 = arith.muli %arg1, %mul3A_445 : i32
    %add3A_447 = arith.constant 1 : i32
    %add3A_448 = arith.addi %mul3A_446, %add3A_447 : i32
    %mul3A_449 = arith.constant 64 : i32
    %mul3A_450 = arith.muli %add3A_448, %mul3A_449 : i32
    %get3A_451 = arith.constant 0 : index
    %get3A_452 = arith.constant 0 : index
    %get3A_453 = tpu.vector_load %arg14[%get3A_451, %get3A_452] {strides = array<i32>} : memref<5x128xi32, #tpu.memory_space<vmem>>, vector<1x16xi32>,
    %get3A_454 = vector.shape_cast %get3A_453 : vector<1x16xi32> to vector<1x16xi32>
    %add3A_455 = vector.broadcast %mul3A_450 : i32 to vector<1x16xi32>
    %add3A_456 = arith.addi %get3A_454, %add3A_455 : vector<1x16xi32>
    %swap3A_457 = arith.constant 0 : index
    %swap3A_458 = arith.constant 0 : index
    %swap3A_459 = tpu.vector_load %arg16[%swap3A_457, %swap3A_458] {strides = array<i32>} : memref<5x128xi32, #tpu.memory_space<vmem>>, vector<1x16xi32>,
    %swap3A_460 = vector.shape_cast %swap3A_459 : vector<1x16xi32> to vector<1x16xi32>
    %swap3A_461 = vector.shape_cast %add3A_456 : vector<1x16xi32> to vector<1x16xi32>
    tpu.vector_store %arg16[%swap3A_457, %swap3A_458], %swap3A_461 {strides = array<i32>} : memref<5x128xi32, #tpu.memory_space<vmem>>, vector<1x16xi32>,
    %get3A_462 = arith.constant 0 : index
    %get3A_463 = arith.constant 16 : index
    %get3A_464 = tpu.vector_load %arg14[%get3A_462, %get3A_463] {strides = array<i32>} : memref<5x128xi32, #tpu.memory_space<vmem>>, vector<1x16xi32>,
    %get3A_465 = vector.shape_cast %get3A_464 : vector<1x16xi32> to vector<1x16xi32>
    %add3A_466 = vector.broadcast %mul3A_450 : i32 to vector<1x16xi32>
    %add3A_467 = arith.addi %get3A_465, %add3A_466 : vector<1x16xi32>
    %swap3A_468 = arith.constant 0 : index
    %swap3A_469 = arith.constant 16 : index
    %swap3A_470 = tpu.vector_load %arg16[%swap3A_468, %swap3A_469] {strides = array<i32>} : memref<5x128xi32, #tpu.memory_space<vmem>>, vector<1x16xi32>,
    %swap3A_471 = vector.shape_cast %swap3A_470 : vector<1x16xi32> to vector<1x16xi32>
    %swap3A_472 = vector.shape_cast %add3A_467 : vector<1x16xi32> to vector<1x16xi32>
    tpu.vector_store %arg16[%swap3A_468, %swap3A_469], %swap3A_472 {strides = array<i32>} : memref<5x128xi32, #tpu.memory_space<vmem>>, vector<1x16xi32>,
    %get3A_473 = arith.constant 0 : index
    %get3A_474 = arith.constant 32 : index
    %get3A_475 = tpu.vector_load %arg14[%get3A_473, %get3A_474] {strides = array<i32>} : memref<5x128xi32, #tpu.memory_space<vmem>>, vector<1x16xi32>,
    %get3A_476 = vector.shape_cast %get3A_475 : vector<1x16xi32> to vector<1x16xi32>
    %add3A_477 = vector.broadcast %mul3A_450 : i32 to vector<1x16xi32>
    %add3A_478 = arith.addi %get3A_476, %add3A_477 : vector<1x16xi32>
    %swap3A_479 = arith.constant 0 : index
    %swap3A_480 = arith.constant 32 : index
    %swap3A_481 = tpu.vector_load %arg16[%swap3A_479, %swap3A_480] {strides = array<i32>} : memref<5x128xi32, #tpu.memory_space<vmem>>, vector<1x16xi32>,
    %swap3A_482 = vector.shape_cast %swap3A_481 : vector<1x16xi32> to vector<1x16xi32>
    %swap3A_483 = vector.shape_cast %add3A_478 : vector<1x16xi32> to vector<1x16xi32>
    tpu.vector_store %arg16[%swap3A_479, %swap3A_480], %swap3A_483 {strides = array<i32>} : memref<5x128xi32, #tpu.memory_space<vmem>>, vector<1x16xi32>,
    %get3A_484 = arith.constant 0 : index
    %get3A_485 = arith.constant 48 : index
    %get3A_486 = tpu.vector_load %arg14[%get3A_484, %get3A_485] {strides = array<i32>} : memref<5x128xi32, #tpu.memory_space<vmem>>, vector<1x16xi32>,
    %get3A_487 = vector.shape_cast %get3A_486 : vector<1x16xi32> to vector<1x16xi32>
    %add3A_488 = vector.broadcast %mul3A_450 : i32 to vector<1x16xi32>
    %add3A_489 = arith.addi %get3A_487, %add3A_488 : vector<1x16xi32>
    %swap3A_490 = arith.constant 0 : index
    %swap3A_491 = arith.constant 48 : index
    %swap3A_492 = tpu.vector_load %arg16[%swap3A_490, %swap3A_491] {strides = array<i32>} : memref<5x128xi32, #tpu.memory_space<vmem>>, vector<1x16xi32>,
    %swap3A_493 = vector.shape_cast %swap3A_492 : vector<1x16xi32> to vector<1x16xi32>
    %swap3A_494 = vector.shape_cast %add3A_489 : vector<1x16xi32> to vector<1x16xi32>
    tpu.vector_store %arg16[%swap3A_490, %swap3A_491], %swap3A_494 {strides = array<i32>} : memref<5x128xi32, #tpu.memory_space<vmem>>, vector<1x16xi32>,
    %get3A_495 = arith.constant 0 : index
    %get3A_496 = arith.constant 64 : index
    %get3A_497 = tpu.vector_load %arg14[%get3A_495, %get3A_496] {strides = array<i32>} : memref<5x128xi32, #tpu.memory_space<vmem>>, vector<1x16xi32>,
    %get3A_498 = vector.shape_cast %get3A_497 : vector<1x16xi32> to vector<1x16xi32>
    %add3A_499 = vector.broadcast %mul3A_450 : i32 to vector<1x16xi32>
    %add3A_500 = arith.addi %get3A_498, %add3A_499 : vector<1x16xi32>
    %swap3A_501 = arith.constant 0 : index
    %swap3A_502 = arith.constant 64 : index
    %swap3A_503 = tpu.vector_load %arg16[%swap3A_501, %swap3A_502] {strides = array<i32>} : memref<5x128xi32, #tpu.memory_space<vmem>>, vector<1x16xi32>,
    %swap3A_504 = vector.shape_cast %swap3A_503 : vector<1x16xi32> to vector<1x16xi32>
    %swap3A_505 = vector.shape_cast %add3A_500 : vector<1x16xi32> to vector<1x16xi32>
    tpu.vector_store %arg16[%swap3A_501, %swap3A_502], %swap3A_505 {strides = array<i32>} : memref<5x128xi32, #tpu.memory_space<vmem>>, vector<1x16xi32>,
    %get3A_506 = arith.constant 0 : index
    %get3A_507 = arith.constant 80 : index
    %get3A_508 = tpu.vector_load %arg14[%get3A_506, %get3A_507] {strides = array<i32>} : memref<5x128xi32, #tpu.memory_space<vmem>>, vector<1x16xi32>,
    %get3A_509 = vector.shape_cast %get3A_508 : vector<1x16xi32> to vector<1x16xi32>
    %add3A_510 = vector.broadcast %mul3A_450 : i32 to vector<1x16xi32>
    %add3A_511 = arith.addi %get3A_509, %add3A_510 : vector<1x16xi32>
    %swap3A_512 = arith.constant 0 : index
    %swap3A_513 = arith.constant 80 : index
    %swap3A_514 = tpu.vector_load %arg16[%swap3A_512, %swap3A_513] {strides = array<i32>} : memref<5x128xi32, #tpu.memory_space<vmem>>, vector<1x16xi32>,
    %swap3A_515 = vector.shape_cast %swap3A_514 : vector<1x16xi32> to vector<1x16xi32>
    %swap3A_516 = vector.shape_cast %add3A_511 : vector<1x16xi32> to vector<1x16xi32>
    tpu.vector_store %arg16[%swap3A_512, %swap3A_513], %swap3A_516 {strides = array<i32>} : memref<5x128xi32, #tpu.memory_space<vmem>>, vector<1x16xi32>,
    %get3A_517 = arith.constant 0 : index
    %get3A_518 = arith.constant 96 : index
    %get3A_519 = tpu.vector_load %arg14[%get3A_517, %get3A_518] {strides = array<i32>} : memref<5x128xi32, #tpu.memory_space<vmem>>, vector<1x16xi32>,
    %get3A_520 = vector.shape_cast %get3A_519 : vector<1x16xi32> to vector<1x16xi32>
    %add3A_521 = vector.broadcast %mul3A_450 : i32 to vector<1x16xi32>
    %add3A_522 = arith.addi %get3A_520, %add3A_521 : vector<1x16xi32>
    %swap3A_523 = arith.constant 0 : index
    %swap3A_524 = arith.constant 96 : index
    %swap3A_525 = tpu.vector_load %arg16[%swap3A_523, %swap3A_524] {strides = array<i32>} : memref<5x128xi32, #tpu.memory_space<vmem>>, vector<1x16xi32>,
    %swap3A_526 = vector.shape_cast %swap3A_525 : vector<1x16xi32> to vector<1x16xi32>
    %swap3A_527 = vector.shape_cast %add3A_522 : vector<1x16xi32> to vector<1x16xi32>
    tpu.vector_store %arg16[%swap3A_523, %swap3A_524], %swap3A_527 {strides = array<i32>} : memref<5x128xi32, #tpu.memory_space<vmem>>, vector<1x16xi32>,
    %get3A_528 = arith.constant 0 : index
    %get3A_529 = arith.constant 112 : index
    %get3A_530 = tpu.vector_load %arg14[%get3A_528, %get3A_529] {strides = array<i32>} : memref<5x128xi32, #tpu.memory_space<vmem>>, vector<1x16xi32>,
    %get3A_531 = vector.shape_cast %get3A_530 : vector<1x16xi32> to vector<1x16xi32>
    %add3A_532 = vector.broadcast %mul3A_450 : i32 to vector<1x16xi32>
    %add3A_533 = arith.addi %get3A_531, %add3A_532 : vector<1x16xi32>
    %swap3A_534 = arith.constant 0 : index
    %swap3A_535 = arith.constant 112 : index
    %swap3A_536 = tpu.vector_load %arg16[%swap3A_534, %swap3A_535] {strides = array<i32>} : memref<5x128xi32, #tpu.memory_space<vmem>>, vector<1x16xi32>,
    %swap3A_537 = vector.shape_cast %swap3A_536 : vector<1x16xi32> to vector<1x16xi32>
    %swap3A_538 = vector.shape_cast %add3A_533 : vector<1x16xi32> to vector<1x16xi32>
    tpu.vector_store %arg16[%swap3A_534, %swap3A_535], %swap3A_538 {strides = array<i32>} : memref<5x128xi32, #tpu.memory_space<vmem>>, vector<1x16xi32>,
    %get3A_539 = arith.constant 1 : index
    %get3A_540 = arith.constant 0 : index
    %get3A_541 = tpu.vector_load %arg14[%get3A_539, %get3A_540] {strides = array<i32>} : memref<5x128xi32, #tpu.memory_space<vmem>>, vector<1x16xi32>,
    %get3A_542 = vector.shape_cast %get3A_541 : vector<1x16xi32> to vector<1x16xi32>
    %add3A_543 = vector.broadcast %mul3A_450 : i32 to vector<1x16xi32>
    %add3A_544 = arith.addi %get3A_542, %add3A_543 : vector<1x16xi32>
    %swap3A_545 = arith.constant 1 : index
    %swap3A_546 = arith.constant 0 : index
    %swap3A_547 = tpu.vector_load %arg16[%swap3A_545, %swap3A_546] {strides = array<i32>} : memref<5x128xi32, #tpu.memory_space<vmem>>, vector<1x16xi32>,
    %swap3A_548 = vector.shape_cast %swap3A_547 : vector<1x16xi32> to vector<1x16xi32>
    %swap3A_549 = vector.shape_cast %add3A_544 : vector<1x16xi32> to vector<1x16xi32>
    tpu.vector_store %arg16[%swap3A_545, %swap3A_546], %swap3A_549 {strides = array<i32>} : memref<5x128xi32, #tpu.memory_space<vmem>>, vector<1x16xi32>,
    %get3A_550 = arith.constant 1 : index
    %get3A_551 = arith.constant 16 : index
    %get3A_552 = tpu.vector_load %arg14[%get3A_550, %get3A_551] {strides = array<i32>} : memref<5x128xi32, #tpu.memory_space<vmem>>, vector<1x16xi32>,
    %get3A_553 = vector.shape_cast %get3A_552 : vector<1x16xi32> to vector<1x16xi32>
    %add3A_554 = vector.broadcast %mul3A_450 : i32 to vector<1x16xi32>
    %add3A_555 = arith.addi %get3A_553, %add3A_554 : vector<1x16xi32>
    %swap3A_556 = arith.constant 1 : index
    %swap3A_557 = arith.constant 16 : index
    %swap3A_558 = tpu.vector_load %arg16[%swap3A_556, %swap3A_557] {strides = array<i32>} : memref<5x128xi32, #tpu.memory_space<vmem>>, vector<1x16xi32>,
    %swap3A_559 = vector.shape_cast %swap3A_558 : vector<1x16xi32> to vector<1x16xi32>
    %swap3A_560 = vector.shape_cast %add3A_555 : vector<1x16xi32> to vector<1x16xi32>
    tpu.vector_store %arg16[%swap3A_556, %swap3A_557], %swap3A_560 {strides = array<i32>} : memref<5x128xi32, #tpu.memory_space<vmem>>, vector<1x16xi32>,
    %get3A_561 = arith.constant 1 : index
    %get3A_562 = arith.constant 32 : index
    %get3A_563 = tpu.vector_load %arg14[%get3A_561, %get3A_562] {strides = array<i32>} : memref<5x128xi32, #tpu.memory_space<vmem>>, vector<1x16xi32>,
    %get3A_564 = vector.shape_cast %get3A_563 : vector<1x16xi32> to vector<1x16xi32>
    %add3A_565 = vector.broadcast %mul3A_450 : i32 to vector<1x16xi32>
    %add3A_566 = arith.addi %get3A_564, %add3A_565 : vector<1x16xi32>
    %swap3A_567 = arith.constant 1 : index
    %swap3A_568 = arith.constant 32 : index
    %swap3A_569 = tpu.vector_load %arg16[%swap3A_567, %swap3A_568] {strides = array<i32>} : memref<5x128xi32, #tpu.memory_space<vmem>>, vector<1x16xi32>,
    %swap3A_570 = vector.shape_cast %swap3A_569 : vector<1x16xi32> to vector<1x16xi32>
    %swap3A_571 = vector.shape_cast %add3A_566 : vector<1x16xi32> to vector<1x16xi32>
    tpu.vector_store %arg16[%swap3A_567, %swap3A_568], %swap3A_571 {strides = array<i32>} : memref<5x128xi32, #tpu.memory_space<vmem>>, vector<1x16xi32>,
    %get3A_572 = arith.constant 1 : index
    %get3A_573 = arith.constant 48 : index
    %get3A_574 = tpu.vector_load %arg14[%get3A_572, %get3A_573] {strides = array<i32>} : memref<5x128xi32, #tpu.memory_space<vmem>>, vector<1x16xi32>,
    %get3A_575 = vector.shape_cast %get3A_574 : vector<1x16xi32> to vector<1x16xi32>
    %add3A_576 = vector.broadcast %mul3A_450 : i32 to vector<1x16xi32>
    %add3A_577 = arith.addi %get3A_575, %add3A_576 : vector<1x16xi32>
    %swap3A_578 = arith.constant 1 : index
    %swap3A_579 = arith.constant 48 : index
    %swap3A_580 = tpu.vector_load %arg16[%swap3A_578, %swap3A_579] {strides = array<i32>} : memref<5x128xi32, #tpu.memory_space<vmem>>, vector<1x16xi32>,
    %swap3A_581 = vector.shape_cast %swap3A_580 : vector<1x16xi32> to vector<1x16xi32>
    %swap3A_582 = vector.shape_cast %add3A_577 : vector<1x16xi32> to vector<1x16xi32>
    tpu.vector_store %arg16[%swap3A_578, %swap3A_579], %swap3A_582 {strides = array<i32>} : memref<5x128xi32, #tpu.memory_space<vmem>>, vector<1x16xi32>,
    %get3A_583 = arith.constant 1 : index
    %get3A_584 = arith.constant 64 : index
    %get3A_585 = tpu.vector_load %arg14[%get3A_583, %get3A_584] {strides = array<i32>} : memref<5x128xi32, #tpu.memory_space<vmem>>, vector<1x16xi32>,
    %get3A_586 = vector.shape_cast %get3A_585 : vector<1x16xi32> to vector<1x16xi32>
    %add3A_587 = vector.broadcast %mul3A_450 : i32 to vector<1x16xi32>
    %add3A_588 = arith.addi %get3A_586, %add3A_587 : vector<1x16xi32>
    %swap3A_589 = arith.constant 1 : index
    %swap3A_590 = arith.constant 64 : index
    %swap3A_591 = tpu.vector_load %arg16[%swap3A_589, %swap3A_590] {strides = array<i32>} : memref<5x128xi32, #tpu.memory_space<vmem>>, vector<1x16xi32>,
    %swap3A_592 = vector.shape_cast %swap3A_591 : vector<1x16xi32> to vector<1x16xi32>
    %swap3A_593 = vector.shape_cast %add3A_588 : vector<1x16xi32> to vector<1x16xi32>
    tpu.vector_store %arg16[%swap3A_589, %swap3A_590], %swap3A_593 {strides = array<i32>} : memref<5x128xi32, #tpu.memory_space<vmem>>, vector<1x16xi32>,
    %get3A_594 = arith.constant 1 : index
    %get3A_595 = arith.constant 80 : index
    %get3A_596 = tpu.vector_load %arg14[%get3A_594, %get3A_595] {strides = array<i32>} : memref<5x128xi32, #tpu.memory_space<vmem>>, vector<1x16xi32>,
    %get3A_597 = vector.shape_cast %get3A_596 : vector<1x16xi32> to vector<1x16xi32>
    %add3A_598 = vector.broadcast %mul3A_450 : i32 to vector<1x16xi32>
    %add3A_599 = arith.addi %get3A_597, %add3A_598 : vector<1x16xi32>
    %swap3A_600 = arith.constant 1 : index
    %swap3A_601 = arith.constant 80 : index
    %swap3A_602 = tpu.vector_load %arg16[%swap3A_600, %swap3A_601] {strides = array<i32>} : memref<5x128xi32, #tpu.memory_space<vmem>>, vector<1x16xi32>,
    %swap3A_603 = vector.shape_cast %swap3A_602 : vector<1x16xi32> to vector<1x16xi32>
    %swap3A_604 = vector.shape_cast %add3A_599 : vector<1x16xi32> to vector<1x16xi32>
    tpu.vector_store %arg16[%swap3A_600, %swap3A_601], %swap3A_604 {strides = array<i32>} : memref<5x128xi32, #tpu.memory_space<vmem>>, vector<1x16xi32>,
    %get3A_605 = arith.constant 1 : index
    %get3A_606 = arith.constant 96 : index
    %get3A_607 = tpu.vector_load %arg14[%get3A_605, %get3A_606] {strides = array<i32>} : memref<5x128xi32, #tpu.memory_space<vmem>>, vector<1x16xi32>,
    %get3A_608 = vector.shape_cast %get3A_607 : vector<1x16xi32> to vector<1x16xi32>
    %add3A_609 = vector.broadcast %mul3A_450 : i32 to vector<1x16xi32>
    %add3A_610 = arith.addi %get3A_608, %add3A_609 : vector<1x16xi32>
    %swap3A_611 = arith.constant 1 : index
    %swap3A_612 = arith.constant 96 : index
    %swap3A_613 = tpu.vector_load %arg16[%swap3A_611, %swap3A_612] {strides = array<i32>} : memref<5x128xi32, #tpu.memory_space<vmem>>, vector<1x16xi32>,
    %swap3A_614 = vector.shape_cast %swap3A_613 : vector<1x16xi32> to vector<1x16xi32>
    %swap3A_615 = vector.shape_cast %add3A_610 : vector<1x16xi32> to vector<1x16xi32>
    tpu.vector_store %arg16[%swap3A_611, %swap3A_612], %swap3A_615 {strides = array<i32>} : memref<5x128xi32, #tpu.memory_space<vmem>>, vector<1x16xi32>,
    %get3A_616 = arith.constant 1 : index
    %get3A_617 = arith.constant 112 : index
    %get3A_618 = tpu.vector_load %arg14[%get3A_616, %get3A_617] {strides = array<i32>} : memref<5x128xi32, #tpu.memory_space<vmem>>, vector<1x16xi32>,
    %get3A_619 = vector.shape_cast %get3A_618 : vector<1x16xi32> to vector<1x16xi32>
    %add3A_620 = vector.broadcast %mul3A_450 : i32 to vector<1x16xi32>
    %add3A_621 = arith.addi %get3A_619, %add3A_620 : vector<1x16xi32>
    %swap3A_622 = arith.constant 1 : index
    %swap3A_623 = arith.constant 112 : index
    %swap3A_624 = tpu.vector_load %arg16[%swap3A_622, %swap3A_623] {strides = array<i32>} : memref<5x128xi32, #tpu.memory_space<vmem>>, vector<1x16xi32>,
    %swap3A_625 = vector.shape_cast %swap3A_624 : vector<1x16xi32> to vector<1x16xi32>
    %swap3A_626 = vector.shape_cast %add3A_621 : vector<1x16xi32> to vector<1x16xi32>
    tpu.vector_store %arg16[%swap3A_622, %swap3A_623], %swap3A_626 {strides = array<i32>} : memref<5x128xi32, #tpu.memory_space<vmem>>, vector<1x16xi32>,
    %get3A_627 = arith.constant 2 : index
    %get3A_628 = arith.constant 0 : index
    %get3A_629 = tpu.vector_load %arg14[%get3A_627, %get3A_628] {strides = array<i32>} : memref<5x128xi32, #tpu.memory_space<vmem>>, vector<1x16xi32>,
    %get3A_630 = vector.shape_cast %get3A_629 : vector<1x16xi32> to vector<1x16xi32>
    %add3A_631 = vector.broadcast %mul3A_450 : i32 to vector<1x16xi32>
    %add3A_632 = arith.addi %get3A_630, %add3A_631 : vector<1x16xi32>
    %swap3A_633 = arith.constant 2 : index
    %swap3A_634 = arith.constant 0 : index
    %swap3A_635 = tpu.vector_load %arg16[%swap3A_633, %swap3A_634] {strides = array<i32>} : memref<5x128xi32, #tpu.memory_space<vmem>>, vector<1x16xi32>,
    %swap3A_636 = vector.shape_cast %swap3A_635 : vector<1x16xi32> to vector<1x16xi32>
    %swap3A_637 = vector.shape_cast %add3A_632 : vector<1x16xi32> to vector<1x16xi32>
    tpu.vector_store %arg16[%swap3A_633, %swap3A_634], %swap3A_637 {strides = array<i32>} : memref<5x128xi32, #tpu.memory_space<vmem>>, vector<1x16xi32>,
    %get3A_638 = arith.constant 2 : index
    %get3A_639 = arith.constant 16 : index
    %get3A_640 = tpu.vector_load %arg14[%get3A_638, %get3A_639] {strides = array<i32>} : memref<5x128xi32, #tpu.memory_space<vmem>>, vector<1x16xi32>,
    %get3A_641 = vector.shape_cast %get3A_640 : vector<1x16xi32> to vector<1x16xi32>
    %add3A_642 = vector.broadcast %mul3A_450 : i32 to vector<1x16xi32>
    %add3A_643 = arith.addi %get3A_641, %add3A_642 : vector<1x16xi32>
    %swap3A_644 = arith.constant 2 : index
    %swap3A_645 = arith.constant 16 : index
    %swap3A_646 = tpu.vector_load %arg16[%swap3A_644, %swap3A_645] {strides = array<i32>} : memref<5x128xi32, #tpu.memory_space<vmem>>, vector<1x16xi32>,
    %swap3A_647 = vector.shape_cast %swap3A_646 : vector<1x16xi32> to vector<1x16xi32>
    %swap3A_648 = vector.shape_cast %add3A_643 : vector<1x16xi32> to vector<1x16xi32>
    tpu.vector_store %arg16[%swap3A_644, %swap3A_645], %swap3A_648 {strides = array<i32>} : memref<5x128xi32, #tpu.memory_space<vmem>>, vector<1x16xi32>,
    %get3A_649 = arith.constant 2 : index
    %get3A_650 = arith.constant 32 : index
    %get3A_651 = tpu.vector_load %arg14[%get3A_649, %get3A_650] {strides = array<i32>} : memref<5x128xi32, #tpu.memory_space<vmem>>, vector<1x16xi32>,
    %get3A_652 = vector.shape_cast %get3A_651 : vector<1x16xi32> to vector<1x16xi32>
    %add3A_653 = vector.broadcast %mul3A_450 : i32 to vector<1x16xi32>
    %add3A_654 = arith.addi %get3A_652, %add3A_653 : vector<1x16xi32>
    %swap3A_655 = arith.constant 2 : index
    %swap3A_656 = arith.constant 32 : index
    %swap3A_657 = tpu.vector_load %arg16[%swap3A_655, %swap3A_656] {strides = array<i32>} : memref<5x128xi32, #tpu.memory_space<vmem>>, vector<1x16xi32>,
    %swap3A_658 = vector.shape_cast %swap3A_657 : vector<1x16xi32> to vector<1x16xi32>
    %swap3A_659 = vector.shape_cast %add3A_654 : vector<1x16xi32> to vector<1x16xi32>
    tpu.vector_store %arg16[%swap3A_655, %swap3A_656], %swap3A_659 {strides = array<i32>} : memref<5x128xi32, #tpu.memory_space<vmem>>, vector<1x16xi32>,
    %get3A_660 = arith.constant 2 : index
    %get3A_661 = arith.constant 48 : index
    %get3A_662 = tpu.vector_load %arg14[%get3A_660, %get3A_661] {strides = array<i32>} : memref<5x128xi32, #tpu.memory_space<vmem>>, vector<1x16xi32>,
    %get3A_663 = vector.shape_cast %get3A_662 : vector<1x16xi32> to vector<1x16xi32>
    %add3A_664 = vector.broadcast %mul3A_450 : i32 to vector<1x16xi32>
    %add3A_665 = arith.addi %get3A_663, %add3A_664 : vector<1x16xi32>
    %swap3A_666 = arith.constant 2 : index
    %swap3A_667 = arith.constant 48 : index
    %swap3A_668 = tpu.vector_load %arg16[%swap3A_666, %swap3A_667] {strides = array<i32>} : memref<5x128xi32, #tpu.memory_space<vmem>>, vector<1x16xi32>,
    %swap3A_669 = vector.shape_cast %swap3A_668 : vector<1x16xi32> to vector<1x16xi32>
    %swap3A_670 = vector.shape_cast %add3A_665 : vector<1x16xi32> to vector<1x16xi32>
    tpu.vector_store %arg16[%swap3A_666, %swap3A_667], %swap3A_670 {strides = array<i32>} : memref<5x128xi32, #tpu.memory_space<vmem>>, vector<1x16xi32>,
    %get3A_671 = arith.constant 2 : index
    %get3A_672 = arith.constant 64 : index
    %get3A_673 = tpu.vector_load %arg14[%get3A_671, %get3A_672] {strides = array<i32>} : memref<5x128xi32, #tpu.memory_space<vmem>>, vector<1x16xi32>,
    %get3A_674 = vector.shape_cast %get3A_673 : vector<1x16xi32> to vector<1x16xi32>
    %add3A_675 = vector.broadcast %mul3A_450 : i32 to vector<1x16xi32>
    %add3A_676 = arith.addi %get3A_674, %add3A_675 : vector<1x16xi32>
    %swap3A_677 = arith.constant 2 : index
    %swap3A_678 = arith.constant 64 : index
    %swap3A_679 = tpu.vector_load %arg16[%swap3A_677, %swap3A_678] {strides = array<i32>} : memref<5x128xi32, #tpu.memory_space<vmem>>, vector<1x16xi32>,
    %swap3A_680 = vector.shape_cast %swap3A_679 : vector<1x16xi32> to vector<1x16xi32>
    %swap3A_681 = vector.shape_cast %add3A_676 : vector<1x16xi32> to vector<1x16xi32>
    tpu.vector_store %arg16[%swap3A_677, %swap3A_678], %swap3A_681 {strides = array<i32>} : memref<5x128xi32, #tpu.memory_space<vmem>>, vector<1x16xi32>,
    %get3A_682 = arith.constant 2 : index
    %get3A_683 = arith.constant 80 : index
    %get3A_684 = tpu.vector_load %arg14[%get3A_682, %get3A_683] {strides = array<i32>} : memref<5x128xi32, #tpu.memory_space<vmem>>, vector<1x16xi32>,
    %get3A_685 = vector.shape_cast %get3A_684 : vector<1x16xi32> to vector<1x16xi32>
    %add3A_686 = vector.broadcast %mul3A_450 : i32 to vector<1x16xi32>
    %add3A_687 = arith.addi %get3A_685, %add3A_686 : vector<1x16xi32>
    %swap3A_688 = arith.constant 2 : index
    %swap3A_689 = arith.constant 80 : index
    %swap3A_690 = tpu.vector_load %arg16[%swap3A_688, %swap3A_689] {strides = array<i32>} : memref<5x128xi32, #tpu.memory_space<vmem>>, vector<1x16xi32>,
    %swap3A_691 = vector.shape_cast %swap3A_690 : vector<1x16xi32> to vector<1x16xi32>
    %swap3A_692 = vector.shape_cast %add3A_687 : vector<1x16xi32> to vector<1x16xi32>
    tpu.vector_store %arg16[%swap3A_688, %swap3A_689], %swap3A_692 {strides = array<i32>} : memref<5x128xi32, #tpu.memory_space<vmem>>, vector<1x16xi32>,
    %get3A_693 = arith.constant 2 : index
    %get3A_694 = arith.constant 96 : index
    %get3A_695 = tpu.vector_load %arg14[%get3A_693, %get3A_694] {strides = array<i32>} : memref<5x128xi32, #tpu.memory_space<vmem>>, vector<1x16xi32>,
    %get3A_696 = vector.shape_cast %get3A_695 : vector<1x16xi32> to vector<1x16xi32>
    %add3A_697 = vector.broadcast %mul3A_450 : i32 to vector<1x16xi32>
    %add3A_698 = arith.addi %get3A_696, %add3A_697 : vector<1x16xi32>
    %swap3A_699 = arith.constant 2 : index
    %swap3A_700 = arith.constant 96 : index
    %swap3A_701 = tpu.vector_load %arg16[%swap3A_699, %swap3A_700] {strides = array<i32>} : memref<5x128xi32, #tpu.memory_space<vmem>>, vector<1x16xi32>,
    %swap3A_702 = vector.shape_cast %swap3A_701 : vector<1x16xi32> to vector<1x16xi32>
    %swap3A_703 = vector.shape_cast %add3A_698 : vector<1x16xi32> to vector<1x16xi32>
    tpu.vector_store %arg16[%swap3A_699, %swap3A_700], %swap3A_703 {strides = array<i32>} : memref<5x128xi32, #tpu.memory_space<vmem>>, vector<1x16xi32>,
    %get3A_704 = arith.constant 2 : index
    %get3A_705 = arith.constant 112 : index
    %get3A_706 = tpu.vector_load %arg14[%get3A_704, %get3A_705] {strides = array<i32>} : memref<5x128xi32, #tpu.memory_space<vmem>>, vector<1x16xi32>,
    %get3A_707 = vector.shape_cast %get3A_706 : vector<1x16xi32> to vector<1x16xi32>
    %add3A_708 = vector.broadcast %mul3A_450 : i32 to vector<1x16xi32>
    %add3A_709 = arith.addi %get3A_707, %add3A_708 : vector<1x16xi32>
    %swap3A_710 = arith.constant 2 : index
    %swap3A_711 = arith.constant 112 : index
    %swap3A_712 = tpu.vector_load %arg16[%swap3A_710, %swap3A_711] {strides = array<i32>} : memref<5x128xi32, #tpu.memory_space<vmem>>, vector<1x16xi32>,
    %swap3A_713 = vector.shape_cast %swap3A_712 : vector<1x16xi32> to vector<1x16xi32>
    %swap3A_714 = vector.shape_cast %add3A_709 : vector<1x16xi32> to vector<1x16xi32>
    tpu.vector_store %arg16[%swap3A_710, %swap3A_711], %swap3A_714 {strides = array<i32>} : memref<5x128xi32, #tpu.memory_space<vmem>>, vector<1x16xi32>,
    %get3A_715 = arith.constant 3 : index
    %get3A_716 = arith.constant 0 : index
    %get3A_717 = tpu.vector_load %arg14[%get3A_715, %get3A_716] {strides = array<i32>} : memref<5x128xi32, #tpu.memory_space<vmem>>, vector<1x16xi32>,
    %get3A_718 = vector.shape_cast %get3A_717 : vector<1x16xi32> to vector<1x16xi32>
    %add3A_719 = vector.broadcast %mul3A_450 : i32 to vector<1x16xi32>
    %add3A_720 = arith.addi %get3A_718, %add3A_719 : vector<1x16xi32>
    %swap3A_721 = arith.constant 3 : index
    %swap3A_722 = arith.constant 0 : index
    %swap3A_723 = tpu.vector_load %arg16[%swap3A_721, %swap3A_722] {strides = array<i32>} : memref<5x128xi32, #tpu.memory_space<vmem>>, vector<1x16xi32>,
    %swap3A_724 = vector.shape_cast %swap3A_723 : vector<1x16xi32> to vector<1x16xi32>
    %swap3A_725 = vector.shape_cast %add3A_720 : vector<1x16xi32> to vector<1x16xi32>
    tpu.vector_store %arg16[%swap3A_721, %swap3A_722], %swap3A_725 {strides = array<i32>} : memref<5x128xi32, #tpu.memory_space<vmem>>, vector<1x16xi32>,
    %get3A_726 = arith.constant 3 : index
    %get3A_727 = arith.constant 16 : index
    %get3A_728 = tpu.vector_load %arg14[%get3A_726, %get3A_727] {strides = array<i32>} : memref<5x128xi32, #tpu.memory_space<vmem>>, vector<1x16xi32>,
    %get3A_729 = vector.shape_cast %get3A_728 : vector<1x16xi32> to vector<1x16xi32>
    %add3A_730 = vector.broadcast %mul3A_450 : i32 to vector<1x16xi32>
    %add3A_731 = arith.addi %get3A_729, %add3A_730 : vector<1x16xi32>
    %swap3A_732 = arith.constant 3 : index
    %swap3A_733 = arith.constant 16 : index
    %swap3A_734 = tpu.vector_load %arg16[%swap3A_732, %swap3A_733] {strides = array<i32>} : memref<5x128xi32, #tpu.memory_space<vmem>>, vector<1x16xi32>,
    %swap3A_735 = vector.shape_cast %swap3A_734 : vector<1x16xi32> to vector<1x16xi32>
    %swap3A_736 = vector.shape_cast %add3A_731 : vector<1x16xi32> to vector<1x16xi32>
    tpu.vector_store %arg16[%swap3A_732, %swap3A_733], %swap3A_736 {strides = array<i32>} : memref<5x128xi32, #tpu.memory_space<vmem>>, vector<1x16xi32>,
    %get3A_737 = arith.constant 3 : index
    %get3A_738 = arith.constant 32 : index
    %get3A_739 = tpu.vector_load %arg14[%get3A_737, %get3A_738] {strides = array<i32>} : memref<5x128xi32, #tpu.memory_space<vmem>>, vector<1x16xi32>,
    %get3A_740 = vector.shape_cast %get3A_739 : vector<1x16xi32> to vector<1x16xi32>
    %add3A_741 = vector.broadcast %mul3A_450 : i32 to vector<1x16xi32>
    %add3A_742 = arith.addi %get3A_740, %add3A_741 : vector<1x16xi32>
    %swap3A_743 = arith.constant 3 : index
    %swap3A_744 = arith.constant 32 : index
    %swap3A_745 = tpu.vector_load %arg16[%swap3A_743, %swap3A_744] {strides = array<i32>} : memref<5x128xi32, #tpu.memory_space<vmem>>, vector<1x16xi32>,
    %swap3A_746 = vector.shape_cast %swap3A_745 : vector<1x16xi32> to vector<1x16xi32>
    %swap3A_747 = vector.shape_cast %add3A_742 : vector<1x16xi32> to vector<1x16xi32>
    tpu.vector_store %arg16[%swap3A_743, %swap3A_744], %swap3A_747 {strides = array<i32>} : memref<5x128xi32, #tpu.memory_space<vmem>>, vector<1x16xi32>,
    %get3A_748 = arith.constant 3 : index
    %get3A_749 = arith.constant 48 : index
    %get3A_750 = tpu.vector_load %arg14[%get3A_748, %get3A_749] {strides = array<i32>} : memref<5x128xi32, #tpu.memory_space<vmem>>, vector<1x16xi32>,
    %get3A_751 = vector.shape_cast %get3A_750 : vector<1x16xi32> to vector<1x16xi32>
    %add3A_752 = vector.broadcast %mul3A_450 : i32 to vector<1x16xi32>
    %add3A_753 = arith.addi %get3A_751, %add3A_752 : vector<1x16xi32>
    %swap3A_754 = arith.constant 3 : index
    %swap3A_755 = arith.constant 48 : index
    %swap3A_756 = tpu.vector_load %arg16[%swap3A_754, %swap3A_755] {strides = array<i32>} : memref<5x128xi32, #tpu.memory_space<vmem>>, vector<1x16xi32>,
    %swap3A_757 = vector.shape_cast %swap3A_756 : vector<1x16xi32> to vector<1x16xi32>
    %swap3A_758 = vector.shape_cast %add3A_753 : vector<1x16xi32> to vector<1x16xi32>
    tpu.vector_store %arg16[%swap3A_754, %swap3A_755], %swap3A_758 {strides = array<i32>} : memref<5x128xi32, #tpu.memory_space<vmem>>, vector<1x16xi32>,
    %get3A_759 = arith.constant 3 : index
    %get3A_760 = arith.constant 64 : index
    %get3A_761 = tpu.vector_load %arg14[%get3A_759, %get3A_760] {strides = array<i32>} : memref<5x128xi32, #tpu.memory_space<vmem>>, vector<1x16xi32>,
    %get3A_762 = vector.shape_cast %get3A_761 : vector<1x16xi32> to vector<1x16xi32>
    %add3A_763 = vector.broadcast %mul3A_450 : i32 to vector<1x16xi32>
    %add3A_764 = arith.addi %get3A_762, %add3A_763 : vector<1x16xi32>
    %swap3A_765 = arith.constant 3 : index
    %swap3A_766 = arith.constant 64 : index
    %swap3A_767 = tpu.vector_load %arg16[%swap3A_765, %swap3A_766] {strides = array<i32>} : memref<5x128xi32, #tpu.memory_space<vmem>>, vector<1x16xi32>,
    %swap3A_768 = vector.shape_cast %swap3A_767 : vector<1x16xi32> to vector<1x16xi32>
    %swap3A_769 = vector.shape_cast %add3A_764 : vector<1x16xi32> to vector<1x16xi32>
    tpu.vector_store %arg16[%swap3A_765, %swap3A_766], %swap3A_769 {strides = array<i32>} : memref<5x128xi32, #tpu.memory_space<vmem>>, vector<1x16xi32>,
    %get3A_770 = arith.constant 3 : index
    %get3A_771 = arith.constant 80 : index
    %get3A_772 = tpu.vector_load %arg14[%get3A_770, %get3A_771] {strides = array<i32>} : memref<5x128xi32, #tpu.memory_space<vmem>>, vector<1x16xi32>,
    %get3A_773 = vector.shape_cast %get3A_772 : vector<1x16xi32> to vector<1x16xi32>
    %add3A_774 = vector.broadcast %mul3A_450 : i32 to vector<1x16xi32>
    %add3A_775 = arith.addi %get3A_773, %add3A_774 : vector<1x16xi32>
    %swap3A_776 = arith.constant 3 : index
    %swap3A_777 = arith.constant 80 : index
    %swap3A_778 = tpu.vector_load %arg16[%swap3A_776, %swap3A_777] {strides = array<i32>} : memref<5x128xi32, #tpu.memory_space<vmem>>, vector<1x16xi32>,
    %swap3A_779 = vector.shape_cast %swap3A_778 : vector<1x16xi32> to vector<1x16xi32>
    %swap3A_780 = vector.shape_cast %add3A_775 : vector<1x16xi32> to vector<1x16xi32>
    tpu.vector_store %arg16[%swap3A_776, %swap3A_777], %swap3A_780 {strides = array<i32>} : memref<5x128xi32, #tpu.memory_space<vmem>>, vector<1x16xi32>,
    %get3A_781 = arith.constant 3 : index
    %get3A_782 = arith.constant 96 : index
    %get3A_783 = tpu.vector_load %arg14[%get3A_781, %get3A_782] {strides = array<i32>} : memref<5x128xi32, #tpu.memory_space<vmem>>, vector<1x16xi32>,
    %get3A_784 = vector.shape_cast %get3A_783 : vector<1x16xi32> to vector<1x16xi32>
    %add3A_785 = vector.broadcast %mul3A_450 : i32 to vector<1x16xi32>
    %add3A_786 = arith.addi %get3A_784, %add3A_785 : vector<1x16xi32>
    %swap3A_787 = arith.constant 3 : index
    %swap3A_788 = arith.constant 96 : index
    %swap3A_789 = tpu.vector_load %arg16[%swap3A_787, %swap3A_788] {strides = array<i32>} : memref<5x128xi32, #tpu.memory_space<vmem>>, vector<1x16xi32>,
    %swap3A_790 = vector.shape_cast %swap3A_789 : vector<1x16xi32> to vector<1x16xi32>
    %swap3A_791 = vector.shape_cast %add3A_786 : vector<1x16xi32> to vector<1x16xi32>
    tpu.vector_store %arg16[%swap3A_787, %swap3A_788], %swap3A_791 {strides = array<i32>} : memref<5x128xi32, #tpu.memory_space<vmem>>, vector<1x16xi32>,
    %get3A_792 = arith.constant 3 : index
    %get3A_793 = arith.constant 112 : index
    %get3A_794 = tpu.vector_load %arg14[%get3A_792, %get3A_793] {strides = array<i32>} : memref<5x128xi32, #tpu.memory_space<vmem>>, vector<1x16xi32>,
    %get3A_795 = vector.shape_cast %get3A_794 : vector<1x16xi32> to vector<1x16xi32>
    %add3A_796 = vector.broadcast %mul3A_450 : i32 to vector<1x16xi32>
    %add3A_797 = arith.addi %get3A_795, %add3A_796 : vector<1x16xi32>
    %swap3A_798 = arith.constant 3 : index
    %swap3A_799 = arith.constant 112 : index
    %swap3A_800 = tpu.vector_load %arg16[%swap3A_798, %swap3A_799] {strides = array<i32>} : memref<5x128xi32, #tpu.memory_space<vmem>>, vector<1x16xi32>,
    %swap3A_801 = vector.shape_cast %swap3A_800 : vector<1x16xi32> to vector<1x16xi32>
    %swap3A_802 = vector.shape_cast %add3A_797 : vector<1x16xi32> to vector<1x16xi32>
    tpu.vector_store %arg16[%swap3A_798, %swap3A_799], %swap3A_802 {strides = array<i32>} : memref<5x128xi32, #tpu.memory_space<vmem>>, vector<1x16xi32>,
    %get3A_803 = arith.constant 4 : index
    %get3A_804 = arith.constant 0 : index
    %get3A_805 = tpu.vector_load %arg14[%get3A_803, %get3A_804] {strides = array<i32>} : memref<5x128xi32, #tpu.memory_space<vmem>>, vector<1x16xi32>,
    %get3A_806 = vector.shape_cast %get3A_805 : vector<1x16xi32> to vector<1x16xi32>
    %add3A_807 = vector.broadcast %mul3A_450 : i32 to vector<1x16xi32>
    %add3A_808 = arith.addi %get3A_806, %add3A_807 : vector<1x16xi32>
    %swap3A_809 = arith.constant 4 : index
    %swap3A_810 = arith.constant 0 : index
    %swap3A_811 = tpu.vector_load %arg16[%swap3A_809, %swap3A_810] {strides = array<i32>} : memref<5x128xi32, #tpu.memory_space<vmem>>, vector<1x16xi32>,
    %swap3A_812 = vector.shape_cast %swap3A_811 : vector<1x16xi32> to vector<1x16xi32>
    %swap3A_813 = vector.shape_cast %add3A_808 : vector<1x16xi32> to vector<1x16xi32>
    tpu.vector_store %arg16[%swap3A_809, %swap3A_810], %swap3A_813 {strides = array<i32>} : memref<5x128xi32, #tpu.memory_space<vmem>>, vector<1x16xi32>,
    %get3A_814 = arith.constant 4 : index
    %get3A_815 = arith.constant 16 : index
    %get3A_816 = tpu.vector_load %arg14[%get3A_814, %get3A_815] {strides = array<i32>} : memref<5x128xi32, #tpu.memory_space<vmem>>, vector<1x16xi32>,
    %get3A_817 = vector.shape_cast %get3A_816 : vector<1x16xi32> to vector<1x16xi32>
    %add3A_818 = vector.broadcast %mul3A_450 : i32 to vector<1x16xi32>
    %add3A_819 = arith.addi %get3A_817, %add3A_818 : vector<1x16xi32>
    %swap3A_820 = arith.constant 4 : index
    %swap3A_821 = arith.constant 16 : index
    %swap3A_822 = tpu.vector_load %arg16[%swap3A_820, %swap3A_821] {strides = array<i32>} : memref<5x128xi32, #tpu.memory_space<vmem>>, vector<1x16xi32>,
    %swap3A_823 = vector.shape_cast %swap3A_822 : vector<1x16xi32> to vector<1x16xi32>
    %swap3A_824 = vector.shape_cast %add3A_819 : vector<1x16xi32> to vector<1x16xi32>
    tpu.vector_store %arg16[%swap3A_820, %swap3A_821], %swap3A_824 {strides = array<i32>} : memref<5x128xi32, #tpu.memory_space<vmem>>, vector<1x16xi32>,
    %get3A_825 = arith.constant 4 : index
    %get3A_826 = arith.constant 32 : index
    %get3A_827 = tpu.vector_load %arg14[%get3A_825, %get3A_826] {strides = array<i32>} : memref<5x128xi32, #tpu.memory_space<vmem>>, vector<1x16xi32>,
    %get3A_828 = vector.shape_cast %get3A_827 : vector<1x16xi32> to vector<1x16xi32>
    %add3A_829 = vector.broadcast %mul3A_450 : i32 to vector<1x16xi32>
    %add3A_830 = arith.addi %get3A_828, %add3A_829 : vector<1x16xi32>
    %swap3A_831 = arith.constant 4 : index
    %swap3A_832 = arith.constant 32 : index
    %swap3A_833 = tpu.vector_load %arg16[%swap3A_831, %swap3A_832] {strides = array<i32>} : memref<5x128xi32, #tpu.memory_space<vmem>>, vector<1x16xi32>,
    %swap3A_834 = vector.shape_cast %swap3A_833 : vector<1x16xi32> to vector<1x16xi32>
    %swap3A_835 = vector.shape_cast %add3A_830 : vector<1x16xi32> to vector<1x16xi32>
    tpu.vector_store %arg16[%swap3A_831, %swap3A_832], %swap3A_835 {strides = array<i32>} : memref<5x128xi32, #tpu.memory_space<vmem>>, vector<1x16xi32>,
    %get3A_836 = arith.constant 4 : index
    %get3A_837 = arith.constant 48 : index
    %get3A_838 = tpu.vector_load %arg14[%get3A_836, %get3A_837] {strides = array<i32>} : memref<5x128xi32, #tpu.memory_space<vmem>>, vector<1x16xi32>,
    %get3A_839 = vector.shape_cast %get3A_838 : vector<1x16xi32> to vector<1x16xi32>
    %add3A_840 = vector.broadcast %mul3A_450 : i32 to vector<1x16xi32>
    %add3A_841 = arith.addi %get3A_839, %add3A_840 : vector<1x16xi32>
    %swap3A_842 = arith.constant 4 : index
    %swap3A_843 = arith.constant 48 : index
    %swap3A_844 = tpu.vector_load %arg16[%swap3A_842, %swap3A_843] {strides = array<i32>} : memref<5x128xi32, #tpu.memory_space<vmem>>, vector<1x16xi32>,
    %swap3A_845 = vector.shape_cast %swap3A_844 : vector<1x16xi32> to vector<1x16xi32>
    %swap3A_846 = vector.shape_cast %add3A_841 : vector<1x16xi32> to vector<1x16xi32>
    tpu.vector_store %arg16[%swap3A_842, %swap3A_843], %swap3A_846 {strides = array<i32>} : memref<5x128xi32, #tpu.memory_space<vmem>>, vector<1x16xi32>,
    %get3A_847 = arith.constant 4 : index
    %get3A_848 = arith.constant 64 : index
    %get3A_849 = tpu.vector_load %arg14[%get3A_847, %get3A_848] {strides = array<i32>} : memref<5x128xi32, #tpu.memory_space<vmem>>, vector<1x16xi32>,
    %get3A_850 = vector.shape_cast %get3A_849 : vector<1x16xi32> to vector<1x16xi32>
    %add3A_851 = vector.broadcast %mul3A_450 : i32 to vector<1x16xi32>
    %add3A_852 = arith.addi %get3A_850, %add3A_851 : vector<1x16xi32>
    %swap3A_853 = arith.constant 4 : index
    %swap3A_854 = arith.constant 64 : index
    %swap3A_855 = tpu.vector_load %arg16[%swap3A_853, %swap3A_854] {strides = array<i32>} : memref<5x128xi32, #tpu.memory_space<vmem>>, vector<1x16xi32>,
    %swap3A_856 = vector.shape_cast %swap3A_855 : vector<1x16xi32> to vector<1x16xi32>
    %swap3A_857 = vector.shape_cast %add3A_852 : vector<1x16xi32> to vector<1x16xi32>
    tpu.vector_store %arg16[%swap3A_853, %swap3A_854], %swap3A_857 {strides = array<i32>} : memref<5x128xi32, #tpu.memory_space<vmem>>, vector<1x16xi32>,
    %get3A_858 = arith.constant 4 : index
    %get3A_859 = arith.constant 80 : index
    %get3A_860 = tpu.vector_load %arg14[%get3A_858, %get3A_859] {strides = array<i32>} : memref<5x128xi32, #tpu.memory_space<vmem>>, vector<1x16xi32>,
    %get3A_861 = vector.shape_cast %get3A_860 : vector<1x16xi32> to vector<1x16xi32>
    %add3A_862 = vector.broadcast %mul3A_450 : i32 to vector<1x16xi32>
    %add3A_863 = arith.addi %get3A_861, %add3A_862 : vector<1x16xi32>
    %swap3A_864 = arith.constant 4 : index
    %swap3A_865 = arith.constant 80 : index
    %swap3A_866 = tpu.vector_load %arg16[%swap3A_864, %swap3A_865] {strides = array<i32>} : memref<5x128xi32, #tpu.memory_space<vmem>>, vector<1x16xi32>,
    %swap3A_867 = vector.shape_cast %swap3A_866 : vector<1x16xi32> to vector<1x16xi32>
    %swap3A_868 = vector.shape_cast %add3A_863 : vector<1x16xi32> to vector<1x16xi32>
    tpu.vector_store %arg16[%swap3A_864, %swap3A_865], %swap3A_868 {strides = array<i32>} : memref<5x128xi32, #tpu.memory_space<vmem>>, vector<1x16xi32>,
    %get3A_869 = arith.constant 4 : index
    %get3A_870 = arith.constant 96 : index
    %get3A_871 = tpu.vector_load %arg14[%get3A_869, %get3A_870] {strides = array<i32>} : memref<5x128xi32, #tpu.memory_space<vmem>>, vector<1x16xi32>,
    %get3A_872 = vector.shape_cast %get3A_871 : vector<1x16xi32> to vector<1x16xi32>
    %add3A_873 = vector.broadcast %mul3A_450 : i32 to vector<1x16xi32>
    %add3A_874 = arith.addi %get3A_872, %add3A_873 : vector<1x16xi32>
    %swap3A_875 = arith.constant 4 : index
    %swap3A_876 = arith.constant 96 : index
    %swap3A_877 = tpu.vector_load %arg16[%swap3A_875, %swap3A_876] {strides = array<i32>} : memref<5x128xi32, #tpu.memory_space<vmem>>, vector<1x16xi32>,
    %swap3A_878 = vector.shape_cast %swap3A_877 : vector<1x16xi32> to vector<1x16xi32>
    %swap3A_879 = vector.shape_cast %add3A_874 : vector<1x16xi32> to vector<1x16xi32>
    tpu.vector_store %arg16[%swap3A_875, %swap3A_876], %swap3A_879 {strides = array<i32>} : memref<5x128xi32, #tpu.memory_space<vmem>>, vector<1x16xi32>,
    %get3A_880 = arith.constant 4 : index
    %get3A_881 = arith.constant 112 : index
    %get3A_882 = tpu.vector_load %arg14[%get3A_880, %get3A_881] {strides = array<i32>} : memref<5x128xi32, #tpu.memory_space<vmem>>, vector<1x16xi32>,
    %get3A_883 = vector.shape_cast %get3A_882 : vector<1x16xi32> to vector<1x16xi32>
    %add3A_884 = vector.broadcast %mul3A_450 : i32 to vector<1x16xi32>
    %add3A_885 = arith.addi %get3A_883, %add3A_884 : vector<1x16xi32>
    %swap3A_886 = arith.constant 4 : index
    %swap3A_887 = arith.constant 112 : index
    %swap3A_888 = tpu.vector_load %arg16[%swap3A_886, %swap3A_887] {strides = array<i32>} : memref<5x128xi32, #tpu.memory_space<vmem>>, vector<1x16xi32>,
    %swap3A_889 = vector.shape_cast %swap3A_888 : vector<1x16xi32> to vector<1x16xi32>
    %swap3A_890 = vector.shape_cast %add3A_885 : vector<1x16xi32> to vector<1x16xi32>
    tpu.vector_store %arg16[%swap3A_886, %swap3A_887], %swap3A_890 {strides = array<i32>} : memref<5x128xi32, #tpu.memory_space<vmem>>, vector<1x16xi32>,
    %mul3A_891 = arith.constant 1600 : i32
    %mul3A_892 = arith.muli %add3A, %mul3A_891 : i32
    %add3A_893 = arith.constant 0 : i32
    %add3A_894 = arith.addi %mul3A_892, %add3A_893 : i32
    %mul3A_895 = arith.constant 10 : i32
    %mul3A_896 = arith.muli %add3A_894, %mul3A_895 : i32
    "tpu.region"() ({
      %run_scoped3A = tpu.sem_alloc : memref<!tpu.dma_semaphore, #tpu.memory_space<semaphore_mem>>
      %dma_start3A_974 = tpu.memref_slice %arg5[%mul3A_896] : memref<512000xi32, #tpu.memory_space<hbm>> -> memref<640xi32, #tpu.memory_space<hbm>>
      %dma_start3A_975 = tpu.memref_slice %arg5[%mul3A_896] : memref<512000xi32, #tpu.memory_space<hbm>> -> memref<640xi32, #tpu.memory_space<hbm>>
      tpu.enqueue_dma source(%dma_start3A_975 : memref<640xi32, #tpu.memory_space<hbm>>) target(%arg10 : memref<640xi32, #tpu.memory_space<vmem>>) target_semaphore(%run_scoped3A : memref<!tpu.dma_semaphore, #tpu.memory_space<semaphore_mem>>)
      %dma_wait3A_976 = tpu.memref_slice %arg5[%mul3A_896] : memref<512000xi32, #tpu.memory_space<hbm>> -> memref<640xi32, #tpu.memory_space<hbm>>
      %dma_wait3A_977 = tpu.memref_slice %arg5[%mul3A_896] : memref<512000xi32, #tpu.memory_space<hbm>> -> memref<640xi32, #tpu.memory_space<hbm>>
      tpu.wait_dma2 semaphore(%run_scoped3A : memref<!tpu.dma_semaphore, #tpu.memory_space<semaphore_mem>>) src(%dma_wait3A_977 : memref<640xi32, #tpu.memory_space<hbm>>) dst(%arg10 : memref<640xi32, #tpu.memory_space<vmem>>)
      tpu.yield
    }) : () -> ()
    %mul3A_897 = arith.constant 1600 : i32
    %mul3A_898 = arith.muli %add3A, %mul3A_897 : i32
    %add3A_899 = arith.constant 0 : i32
    %add3A_900 = arith.addi %mul3A_898, %add3A_899 : i32
    "tpu.region"() ({
      %run_scoped3A = tpu.sem_alloc : memref<!tpu.dma_semaphore, #tpu.memory_space<semaphore_mem>>
      %dma_start3A_974 = tpu.memref_slice %arg4[%add3A_900] : memref<51200xi32, #tpu.memory_space<hbm>> -> memref<64xi32, #tpu.memory_space<hbm>>
      %dma_start3A_975 = tpu.memref_slice %arg4[%add3A_900] : memref<51200xi32, #tpu.memory_space<hbm>> -> memref<64xi32, #tpu.memory_space<hbm>>
      tpu.enqueue_dma source(%dma_start3A_975 : memref<64xi32, #tpu.memory_space<hbm>>) target(%arg12 : memref<64xi32, #tpu.memory_space<vmem>>) target_semaphore(%run_scoped3A : memref<!tpu.dma_semaphore, #tpu.memory_space<semaphore_mem>>)
      %dma_wait3A_976 = tpu.memref_slice %arg4[%add3A_900] : memref<51200xi32, #tpu.memory_space<hbm>> -> memref<64xi32, #tpu.memory_space<hbm>>
      %dma_wait3A_977 = tpu.memref_slice %arg4[%add3A_900] : memref<51200xi32, #tpu.memory_space<hbm>> -> memref<64xi32, #tpu.memory_space<hbm>>
      tpu.wait_dma2 semaphore(%run_scoped3A : memref<!tpu.dma_semaphore, #tpu.memory_space<semaphore_mem>>) src(%dma_wait3A_977 : memref<64xi32, #tpu.memory_space<hbm>>) dst(%arg12 : memref<64xi32, #tpu.memory_space<vmem>>)
      tpu.yield
    }) : () -> ()
    %dma_start3A = arith.constant 0 : i32
    %dma_start3A_901 = arith.constant 0 : i32
    %dma_start3A_902 = tpu.memref_slice %arg17[%dma_start3A, %dma_start3A_901] : memref<640x128xf32, #tpu.memory_space<vmem>> -> memref<128x128xf32, #tpu.memory_space<vmem>>
    %dma_start3A_903 = arith.constant 0 : i32
    %dma_start3A_904 = tpu.memref_slice %arg10[%dma_start3A_903] : memref<640xi32, #tpu.memory_space<vmem>> -> memref<128xi32, #tpu.memory_space<vmem>>
    %dma_start3A_905 = arith.constant 0 : i32
    %dma_start3A_906 = arith.constant 0 : i32
    %dma_start3A_907 = tpu.memref_slice %arg3[%dma_start3A_905, %dma_start3A_906] : memref<100000x128xf32, #tpu.memory_space<hbm>> -> memref<100000x128xf32, #tpu.memory_space<hbm>>
    tpu.enqueue_indirect_dma source(%dma_start3A_907 : memref<100000x128xf32, #tpu.memory_space<hbm>>) target(%dma_start3A_902 : memref<128x128xf32, #tpu.memory_space<vmem>>) offsets(%dma_start3A_904 : memref<128xi32, #tpu.memory_space<vmem>>) semaphore(%arg22 : memref<!tpu.dma_semaphore, #tpu.memory_space<semaphore_mem>>)
    %dma_start3A_908 = arith.constant 128 : i32
    %dma_start3A_909 = arith.constant 0 : i32
    %dma_start3A_910 = tpu.memref_slice %arg17[%dma_start3A_908, %dma_start3A_909] : memref<640x128xf32, #tpu.memory_space<vmem>> -> memref<128x128xf32, #tpu.memory_space<vmem>>
    %dma_start3A_911 = arith.constant 128 : i32
    %dma_start3A_912 = tpu.memref_slice %arg10[%dma_start3A_911] : memref<640xi32, #tpu.memory_space<vmem>> -> memref<128xi32, #tpu.memory_space<vmem>>
    %dma_start3A_913 = arith.constant 0 : i32
    %dma_start3A_914 = arith.constant 0 : i32
    %dma_start3A_915 = tpu.memref_slice %arg3[%dma_start3A_913, %dma_start3A_914] : memref<100000x128xf32, #tpu.memory_space<hbm>> -> memref<100000x128xf32, #tpu.memory_space<hbm>>
    tpu.enqueue_indirect_dma source(%dma_start3A_915 : memref<100000x128xf32, #tpu.memory_space<hbm>>) target(%dma_start3A_910 : memref<128x128xf32, #tpu.memory_space<vmem>>) offsets(%dma_start3A_912 : memref<128xi32, #tpu.memory_space<vmem>>) semaphore(%arg23 : memref<!tpu.dma_semaphore, #tpu.memory_space<semaphore_mem>>)
    %dma_start3A_916 = arith.constant 256 : i32
    %dma_start3A_917 = arith.constant 0 : i32
    %dma_start3A_918 = tpu.memref_slice %arg17[%dma_start3A_916, %dma_start3A_917] : memref<640x128xf32, #tpu.memory_space<vmem>> -> memref<128x128xf32, #tpu.memory_space<vmem>>
    %dma_start3A_919 = arith.constant 256 : i32
    %dma_start3A_920 = tpu.memref_slice %arg10[%dma_start3A_919] : memref<640xi32, #tpu.memory_space<vmem>> -> memref<128xi32, #tpu.memory_space<vmem>>
    %dma_start3A_921 = arith.constant 0 : i32
    %dma_start3A_922 = arith.constant 0 : i32
    %dma_start3A_923 = tpu.memref_slice %arg3[%dma_start3A_921, %dma_start3A_922] : memref<100000x128xf32, #tpu.memory_space<hbm>> -> memref<100000x128xf32, #tpu.memory_space<hbm>>
    tpu.enqueue_indirect_dma source(%dma_start3A_923 : memref<100000x128xf32, #tpu.memory_space<hbm>>) target(%dma_start3A_918 : memref<128x128xf32, #tpu.memory_space<vmem>>) offsets(%dma_start3A_920 : memref<128xi32, #tpu.memory_space<vmem>>) semaphore(%arg24 : memref<!tpu.dma_semaphore, #tpu.memory_space<semaphore_mem>>)
    %dma_start3A_924 = arith.constant 384 : i32
    %dma_start3A_925 = arith.constant 0 : i32
    %dma_start3A_926 = tpu.memref_slice %arg17[%dma_start3A_924, %dma_start3A_925] : memref<640x128xf32, #tpu.memory_space<vmem>> -> memref<128x128xf32, #tpu.memory_space<vmem>>
    %dma_start3A_927 = arith.constant 384 : i32
    %dma_start3A_928 = tpu.memref_slice %arg10[%dma_start3A_927] : memref<640xi32, #tpu.memory_space<vmem>> -> memref<128xi32, #tpu.memory_space<vmem>>
    %dma_start3A_929 = arith.constant 0 : i32
    %dma_start3A_930 = arith.constant 0 : i32
    %dma_start3A_931 = tpu.memref_slice %arg3[%dma_start3A_929, %dma_start3A_930] : memref<100000x128xf32, #tpu.memory_space<hbm>> -> memref<100000x128xf32, #tpu.memory_space<hbm>>
    tpu.enqueue_indirect_dma source(%dma_start3A_931 : memref<100000x128xf32, #tpu.memory_space<hbm>>) target(%dma_start3A_926 : memref<128x128xf32, #tpu.memory_space<vmem>>) offsets(%dma_start3A_928 : memref<128xi32, #tpu.memory_space<vmem>>) semaphore(%arg25 : memref<!tpu.dma_semaphore, #tpu.memory_space<semaphore_mem>>)
    %dma_start3A_932 = arith.constant 512 : i32
    %dma_start3A_933 = arith.constant 0 : i32
    %dma_start3A_934 = tpu.memref_slice %arg17[%dma_start3A_932, %dma_start3A_933] : memref<640x128xf32, #tpu.memory_space<vmem>> -> memref<128x128xf32, #tpu.memory_space<vmem>>
    %dma_start3A_935 = arith.constant 512 : i32
    %dma_start3A_936 = tpu.memref_slice %arg10[%dma_start3A_935] : memref<640xi32, #tpu.memory_space<vmem>> -> memref<128xi32, #tpu.memory_space<vmem>>
    %dma_start3A_937 = arith.constant 0 : i32
    %dma_start3A_938 = arith.constant 0 : i32
    %dma_start3A_939 = tpu.memref_slice %arg3[%dma_start3A_937, %dma_start3A_938] : memref<100000x128xf32, #tpu.memory_space<hbm>> -> memref<100000x128xf32, #tpu.memory_space<hbm>>
    tpu.enqueue_indirect_dma source(%dma_start3A_939 : memref<100000x128xf32, #tpu.memory_space<hbm>>) target(%dma_start3A_934 : memref<128x128xf32, #tpu.memory_space<vmem>>) offsets(%dma_start3A_936 : memref<128xi32, #tpu.memory_space<vmem>>) semaphore(%arg26 : memref<!tpu.dma_semaphore, #tpu.memory_space<semaphore_mem>>)
    %dma_start3A_940 = arith.constant 0 : i32
    %dma_start3A_941 = arith.constant 0 : i32
    %dma_start3A_942 = tpu.memref_slice %arg2[%dma_start3A_940, %dma_start3A_941] : memref<100000x128xf32, #tpu.memory_space<hbm>> -> memref<100000x128xf32, #tpu.memory_space<hbm>>
    tpu.enqueue_indirect_dma source(%dma_start3A_942 : memref<100000x128xf32, #tpu.memory_space<hbm>>) target(%arg19 : memref<64x128xf32, #tpu.memory_space<vmem>>) offsets(%arg12 : memref<64xi32, #tpu.memory_space<vmem>>) semaphore(%arg32 : memref<!tpu.dma_semaphore, #tpu.memory_space<semaphore_mem>>)
    %mul3A_943 = arith.constant 2 : i32
    %mul3A_944 = arith.muli %arg1, %mul3A_943 : i32
    %add3A_945 = arith.constant 0 : i32
    %add3A_946 = arith.addi %mul3A_944, %add3A_945 : i32
    %mul3A_947 = arith.constant 64 : i32
    %mul3A_948 = arith.muli %add3A_946, %mul3A_947 : i32
    "tpu.region"() ({
      %run_scoped3A = tpu.sem_alloc : memref<!tpu.dma_semaphore, #tpu.memory_space<semaphore_mem>>
      %dma_start3A_974 = arith.constant 0 : i32
      %dma_start3A_975 = tpu.memref_slice %arg18[%mul3A_948, %dma_start3A_974] : memref<2048x128xf32, #tpu.memory_space<vmem_shared>> -> memref<64x128xf32, #tpu.memory_space<vmem_shared>>
      %dma_start3A_976 = arith.constant 0 : i32
      %dma_start3A_977 = tpu.memref_slice %arg18[%mul3A_948, %dma_start3A_976] : memref<2048x128xf32, #tpu.memory_space<vmem_shared>> -> memref<64x128xf32, #tpu.memory_space<vmem_shared>>
      tpu.enqueue_dma source(%arg21 : memref<64x128xf32, #tpu.memory_space<vmem>>) target(%dma_start3A_977 : memref<64x128xf32, #tpu.memory_space<vmem_shared>>) target_semaphore(%run_scoped3A : memref<!tpu.dma_semaphore, #tpu.memory_space<semaphore_mem>>)
      %dma_wait3A_978 = arith.constant 0 : i32
      %dma_wait3A_979 = tpu.memref_slice %arg18[%mul3A_948, %dma_wait3A_978] : memref<2048x128xf32, #tpu.memory_space<vmem_shared>> -> memref<64x128xf32, #tpu.memory_space<vmem_shared>>
      %dma_wait3A_980 = arith.constant 0 : i32
      %dma_wait3A_981 = tpu.memref_slice %arg18[%mul3A_948, %dma_wait3A_980] : memref<2048x128xf32, #tpu.memory_space<vmem_shared>> -> memref<64x128xf32, #tpu.memory_space<vmem_shared>>
      tpu.wait_dma2 semaphore(%run_scoped3A : memref<!tpu.dma_semaphore, #tpu.memory_space<semaphore_mem>>) src(%arg21 : memref<64x128xf32, #tpu.memory_space<vmem>>) dst(%dma_wait3A_981 : memref<64x128xf32, #tpu.memory_space<vmem_shared>>)
      tpu.yield
    }) : () -> ()
    %mul3A_949 = arith.constant 2 : i32
    %mul3A_950 = arith.muli %arg1, %mul3A_949 : i32
    %add3A_951 = arith.constant 1 : i32
    %add3A_952 = arith.addi %mul3A_950, %add3A_951 : i32
    %mul3A_953 = arith.constant 64 : i32
    %mul3A_954 = arith.muli %add3A_952, %mul3A_953 : i32
    "tpu.region"() ({
      %run_scoped3A = tpu.sem_alloc : memref<!tpu.dma_semaphore, #tpu.memory_space<semaphore_mem>>
      %dma_start3A_974 = arith.constant 0 : i32
      %dma_start3A_975 = tpu.memref_slice %arg18[%mul3A_954, %dma_start3A_974] : memref<2048x128xf32, #tpu.memory_space<vmem_shared>> -> memref<64x128xf32, #tpu.memory_space<vmem_shared>>
      %dma_start3A_976 = arith.constant 0 : i32
      %dma_start3A_977 = tpu.memref_slice %arg18[%mul3A_954, %dma_start3A_976] : memref<2048x128xf32, #tpu.memory_space<vmem_shared>> -> memref<64x128xf32, #tpu.memory_space<vmem_shared>>
      tpu.enqueue_dma source(%arg21 : memref<64x128xf32, #tpu.memory_space<vmem>>) target(%dma_start3A_977 : memref<64x128xf32, #tpu.memory_space<vmem_shared>>) target_semaphore(%run_scoped3A : memref<!tpu.dma_semaphore, #tpu.memory_space<semaphore_mem>>)
      %dma_wait3A_978 = arith.constant 0 : i32
      %dma_wait3A_979 = tpu.memref_slice %arg18[%mul3A_954, %dma_wait3A_978] : memref<2048x128xf32, #tpu.memory_space<vmem_shared>> -> memref<64x128xf32, #tpu.memory_space<vmem_shared>>
      %dma_wait3A_980 = arith.constant 0 : i32
      %dma_wait3A_981 = tpu.memref_slice %arg18[%mul3A_954, %dma_wait3A_980] : memref<2048x128xf32, #tpu.memory_space<vmem_shared>> -> memref<64x128xf32, #tpu.memory_space<vmem_shared>>
      tpu.wait_dma2 semaphore(%run_scoped3A : memref<!tpu.dma_semaphore, #tpu.memory_space<semaphore_mem>>) src(%arg21 : memref<64x128xf32, #tpu.memory_space<vmem>>) dst(%dma_wait3A_981 : memref<64x128xf32, #tpu.memory_space<vmem_shared>>)
      tpu.yield
    }) : () -> ()
    %scan3A = arith.constant 0 : i32
    %scan3A_955 = arith.constant 13 : i32
    %scan3A_956 = arith.addi %scan3A, %scan3A_955 : i32
    %scan3A_957 = arith.constant 1 : i32
    scf.for %scan3A_974 = %scan3A to %scan3A_956 step %scan3A_957  : i32 {
      %mul3A_975 = arith.constant 2 : i32
      %mul3A_976 = arith.muli %scan3A_974, %mul3A_975 : i32
      %add3A_977 = arith.constant 0 : i32
      %add3A_978 = arith.addi %add3A_977, %mul3A_976 : i32
      %add3A_979 = arith.constant 0 : i32
      %add3A_980 = arith.addi %add3A_978, %add3A_979 : i32
      %lt3A = arith.constant 25 : i32
      %lt3A_981 = arith.cmpi slt, %add3A_980, %lt3A : i32
      %convert_element_type3A = arith.extui %lt3A_981 : i1 to i32
      %cond3A = arith.constant 0 : i32
      %cond3A_982 = arith.cmpi ne, %convert_element_type3A, %cond3A : i32
      scf.if %cond3A_982 {
        %mul3A_990 = arith.constant 1600 : i32
        %mul3A_991 = arith.muli %add3A, %mul3A_990 : i32
        %mul3A_992 = arith.constant 64 : i32
        %mul3A_993 = arith.muli %add3A_980, %mul3A_992 : i32
        %add3A_994 = arith.addi %mul3A_991, %mul3A_993 : i32
        %add3A_995 = arith.constant 1 : i32
        %add3A_996 = arith.addi %add3A_980, %add3A_995 : i32
        %lt3A_997 = arith.constant 25 : i32
        %lt3A_998 = arith.cmpi slt, %add3A_996, %lt3A_997 : i32
        %convert_element_type3A_999 = arith.extui %lt3A_998 : i1 to i32
        %cond3A_1000 = arith.constant 0 : i32
        %cond3A_1001 = arith.cmpi ne, %convert_element_type3A_999, %cond3A_1000 : i32
        scf.if %cond3A_1001 {
          %add3A_1219 = arith.constant 1 : i32
          %add3A_1220 = arith.addi %add3A_980, %add3A_1219 : i32
          %mul3A_1221 = arith.constant 1600 : i32
          %mul3A_1222 = arith.muli %add3A, %mul3A_1221 : i32
          %mul3A_1223 = arith.constant 64 : i32
          %mul3A_1224 = arith.muli %add3A_1220, %mul3A_1223 : i32
          %add3A_1225 = arith.addi %mul3A_1222, %mul3A_1224 : i32
          %mul3A_1226 = arith.constant 10 : i32
          %mul3A_1227 = arith.muli %add3A_1225, %mul3A_1226 : i32
          %dma_start3A_1228 = tpu.memref_slice %arg5[%mul3A_1227] : memref<512000xi32, #tpu.memory_space<hbm>> -> memref<640xi32, #tpu.memory_space<hbm>>
          %dma_start3A_1229 = tpu.memref_slice %arg5[%mul3A_1227] : memref<512000xi32, #tpu.memory_space<hbm>> -> memref<640xi32, #tpu.memory_space<hbm>>
          tpu.enqueue_dma source(%dma_start3A_1229 : memref<640xi32, #tpu.memory_space<hbm>>) target(%arg11 : memref<640xi32, #tpu.memory_space<vmem>>) target_semaphore(%arg37 : memref<!tpu.dma_semaphore, #tpu.memory_space<semaphore_mem>>)
          %mul3A_1230 = arith.constant 1600 : i32
          %mul3A_1231 = arith.muli %add3A, %mul3A_1230 : i32
          %mul3A_1232 = arith.constant 64 : i32
          %mul3A_1233 = arith.muli %add3A_1220, %mul3A_1232 : i32
          %add3A_1234 = arith.addi %mul3A_1231, %mul3A_1233 : i32
          %dma_start3A_1235 = tpu.memref_slice %arg4[%add3A_1234] : memref<51200xi32, #tpu.memory_space<hbm>> -> memref<64xi32, #tpu.memory_space<hbm>>
          %dma_start3A_1236 = tpu.memref_slice %arg4[%add3A_1234] : memref<51200xi32, #tpu.memory_space<hbm>> -> memref<64xi32, #tpu.memory_space<hbm>>
          tpu.enqueue_dma source(%dma_start3A_1236 : memref<64xi32, #tpu.memory_space<hbm>>) target(%arg13 : memref<64xi32, #tpu.memory_space<vmem>>) target_semaphore(%arg37 : memref<!tpu.dma_semaphore, #tpu.memory_space<semaphore_mem>>)
        } else {
        }
        tpu.wait_dma2 semaphore(%arg32 : memref<!tpu.dma_semaphore, #tpu.memory_space<semaphore_mem>>) src(%arg7 : memref<64x128xf32, #tpu.memory_space<hbm>>) dst(%arg19 : memref<64x128xf32, #tpu.memory_space<vmem>>)
        %ge3A = arith.constant 1 : i32
        %ge3A_1002 = arith.cmpi sge, %add3A_980, %ge3A : i32
        %convert_element_type3A_1003 = arith.extui %ge3A_1002 : i1 to i32
        %cond3A_1004 = arith.constant 0 : i32
        %cond3A_1005 = arith.cmpi ne, %convert_element_type3A_1003, %cond3A_1004 : i32
        scf.if %cond3A_1005 {
          tpu.wait_dma2 semaphore(%arg36 : memref<!tpu.dma_semaphore, #tpu.memory_space<semaphore_mem>>) src(%arg7 : memref<64x128xf32, #tpu.memory_space<hbm>>) dst(%arg20 : memref<64x128xf32, #tpu.memory_space<vmem>>)
        } else {
        }
        %dma_start3A_1006 = arith.constant 0 : i32
        %dma_start3A_1007 = tpu.memref_slice %arg8[%add3A_994, %dma_start3A_1006] : memref<51200x128xf32, #tpu.memory_space<hbm>> -> memref<64x128xf32, #tpu.memory_space<hbm>>
        %dma_start3A_1008 = arith.constant 0 : i32
        %dma_start3A_1009 = tpu.memref_slice %arg8[%add3A_994, %dma_start3A_1008] : memref<51200x128xf32, #tpu.memory_space<hbm>> -> memref<64x128xf32, #tpu.memory_space<hbm>>
        tpu.enqueue_dma source(%arg19 : memref<64x128xf32, #tpu.memory_space<vmem>>) target(%dma_start3A_1009 : memref<64x128xf32, #tpu.memory_space<hbm>>) target_semaphore(%arg35 : memref<!tpu.dma_semaphore, #tpu.memory_space<semaphore_mem>>)
        %ge3A_1010 = arith.constant 2 : i32
        %ge3A_1011 = arith.cmpi sge, %add3A_980, %ge3A_1010 : i32
        %convert_element_type3A_1012 = arith.extui %ge3A_1011 : i1 to i32
        %cond3A_1013 = arith.constant 0 : i32
        %cond3A_1014 = arith.cmpi ne, %convert_element_type3A_1012, %cond3A_1013 : i32
        scf.if %cond3A_1014 {
          %mul3A_1219 = arith.constant 2 : i32
          %mul3A_1220 = arith.muli %arg1, %mul3A_1219 : i32
          %add3A_1221 = arith.constant 0 : i32
          %add3A_1222 = arith.addi %mul3A_1220, %add3A_1221 : i32
          %mul3A_1223 = arith.constant 64 : i32
          %mul3A_1224 = arith.muli %add3A_1222, %mul3A_1223 : i32
          %dma_wait3A_1225 = arith.constant 0 : i32
          %dma_wait3A_1226 = tpu.memref_slice %arg18[%mul3A_1224, %dma_wait3A_1225] : memref<2048x128xf32, #tpu.memory_space<vmem_shared>> -> memref<64x128xf32, #tpu.memory_space<vmem_shared>>
          tpu.wait_dma2 semaphore(%arg33 : memref<!tpu.dma_semaphore, #tpu.memory_space<semaphore_mem>>) src(%arg7 : memref<64x128xf32, #tpu.memory_space<hbm>>) dst(%dma_wait3A_1226 : memref<64x128xf32, #tpu.memory_space<vmem_shared>>)
        } else {
        }
        %mul3A_1015 = arith.constant 2 : i32
        %mul3A_1016 = arith.muli %arg1, %mul3A_1015 : i32
        %add3A_1017 = arith.constant 0 : i32
        %add3A_1018 = arith.addi %mul3A_1016, %add3A_1017 : i32
        %mul3A_1019 = arith.constant 64 : i32
        %mul3A_1020 = arith.muli %add3A_1018, %mul3A_1019 : i32
        "tpu.region"() ({
          %run_scoped3A = tpu.sem_alloc : memref<!tpu.dma_semaphore, #tpu.memory_space<semaphore_mem>>
          %dma_start3A_1219 = arith.constant 0 : i32
          %dma_start3A_1220 = tpu.memref_slice %arg18[%mul3A_1020, %dma_start3A_1219] : memref<2048x128xf32, #tpu.memory_space<vmem_shared>> -> memref<64x128xf32, #tpu.memory_space<vmem_shared>>
          %dma_start3A_1221 = arith.constant 0 : i32
          %dma_start3A_1222 = tpu.memref_slice %arg18[%mul3A_1020, %dma_start3A_1221] : memref<2048x128xf32, #tpu.memory_space<vmem_shared>> -> memref<64x128xf32, #tpu.memory_space<vmem_shared>>
          tpu.enqueue_dma source(%arg21 : memref<64x128xf32, #tpu.memory_space<vmem>>) target(%dma_start3A_1222 : memref<64x128xf32, #tpu.memory_space<vmem_shared>>) target_semaphore(%run_scoped3A : memref<!tpu.dma_semaphore, #tpu.memory_space<semaphore_mem>>)
          %dma_wait3A_1223 = arith.constant 0 : i32
          %dma_wait3A_1224 = tpu.memref_slice %arg18[%mul3A_1020, %dma_wait3A_1223] : memref<2048x128xf32, #tpu.memory_space<vmem_shared>> -> memref<64x128xf32, #tpu.memory_space<vmem_shared>>
          %dma_wait3A_1225 = arith.constant 0 : i32
          %dma_wait3A_1226 = tpu.memref_slice %arg18[%mul3A_1020, %dma_wait3A_1225] : memref<2048x128xf32, #tpu.memory_space<vmem_shared>> -> memref<64x128xf32, #tpu.memory_space<vmem_shared>>
          tpu.wait_dma2 semaphore(%run_scoped3A : memref<!tpu.dma_semaphore, #tpu.memory_space<semaphore_mem>>) src(%arg21 : memref<64x128xf32, #tpu.memory_space<vmem>>) dst(%dma_wait3A_1226 : memref<64x128xf32, #tpu.memory_space<vmem_shared>>)
          tpu.yield
        }) : () -> ()
        %convert_element_type3A_1021 = arith.extui %lt3A_998 : i1 to i32
        %cond3A_1022 = arith.constant 0 : i32
        %cond3A_1023 = arith.cmpi ne, %convert_element_type3A_1021, %cond3A_1022 : i32
        scf.if %cond3A_1023 {
          %dma_wait3A_1219 = arith.constant 0 : i32
          %dma_wait3A_1220 = tpu.memref_slice %arg5[%dma_wait3A_1219] : memref<512000xi32, #tpu.memory_space<hbm>> -> memref<640xi32, #tpu.memory_space<hbm>>
          %dma_wait3A_1221 = arith.constant 0 : i32
          %dma_wait3A_1222 = tpu.memref_slice %arg5[%dma_wait3A_1221] : memref<512000xi32, #tpu.memory_space<hbm>> -> memref<640xi32, #tpu.memory_space<hbm>>
          tpu.wait_dma2 semaphore(%arg37 : memref<!tpu.dma_semaphore, #tpu.memory_space<semaphore_mem>>) src(%dma_wait3A_1222 : memref<640xi32, #tpu.memory_space<hbm>>) dst(%arg11 : memref<640xi32, #tpu.memory_space<vmem>>)
          %dma_wait3A_1223 = arith.constant 0 : i32
          %dma_wait3A_1224 = tpu.memref_slice %arg4[%dma_wait3A_1223] : memref<51200xi32, #tpu.memory_space<hbm>> -> memref<64xi32, #tpu.memory_space<hbm>>
          %dma_wait3A_1225 = arith.constant 0 : i32
          %dma_wait3A_1226 = tpu.memref_slice %arg4[%dma_wait3A_1225] : memref<51200xi32, #tpu.memory_space<hbm>> -> memref<64xi32, #tpu.memory_space<hbm>>
          tpu.wait_dma2 semaphore(%arg37 : memref<!tpu.dma_semaphore, #tpu.memory_space<semaphore_mem>>) src(%dma_wait3A_1226 : memref<64xi32, #tpu.memory_space<hbm>>) dst(%arg13 : memref<64xi32, #tpu.memory_space<vmem>>)
          %dma_start3A_1227 = arith.constant 0 : i32
          %dma_start3A_1228 = arith.constant 0 : i32
          %dma_start3A_1229 = tpu.memref_slice %arg2[%dma_start3A_1227, %dma_start3A_1228] : memref<100000x128xf32, #tpu.memory_space<hbm>> -> memref<100000x128xf32, #tpu.memory_space<hbm>>
          tpu.enqueue_indirect_dma source(%dma_start3A_1229 : memref<100000x128xf32, #tpu.memory_space<hbm>>) target(%arg20 : memref<64x128xf32, #tpu.memory_space<vmem>>) offsets(%arg13 : memref<64xi32, #tpu.memory_space<vmem>>) semaphore(%arg32 : memref<!tpu.dma_semaphore, #tpu.memory_space<semaphore_mem>>)
        } else {
        }
        %dma_wait3A_1024 = arith.constant 0 : i32
        %dma_wait3A_1025 = arith.constant 0 : i32
        %dma_wait3A_1026 = tpu.memref_slice %arg17[%dma_wait3A_1024, %dma_wait3A_1025] : memref<640x128xf32, #tpu.memory_space<vmem>> -> memref<128x128xf32, #tpu.memory_space<vmem>>
        %dma_wait3A_1027 = arith.constant 0 : i32
        %dma_wait3A_1028 = arith.constant 0 : i32
        %dma_wait3A_1029 = tpu.memref_slice %arg3[%dma_wait3A_1027, %dma_wait3A_1028] : memref<100000x128xf32, #tpu.memory_space<hbm>> -> memref<128x128xf32, #tpu.memory_space<hbm>>
        %dma_wait3A_1030 = arith.constant 0 : i32
        %dma_wait3A_1031 = arith.constant 0 : i32
        %dma_wait3A_1032 = tpu.memref_slice %arg17[%dma_wait3A_1030, %dma_wait3A_1031] : memref<640x128xf32, #tpu.memory_space<vmem>> -> memref<128x128xf32, #tpu.memory_space<vmem>>
        %dma_wait3A_1033 = arith.constant 0 : i32
        %dma_wait3A_1034 = arith.constant 0 : i32
        %dma_wait3A_1035 = tpu.memref_slice %arg3[%dma_wait3A_1033, %dma_wait3A_1034] : memref<100000x128xf32, #tpu.memory_space<hbm>> -> memref<128x128xf32, #tpu.memory_space<hbm>>
        tpu.wait_dma2 semaphore(%arg22 : memref<!tpu.dma_semaphore, #tpu.memory_space<semaphore_mem>>) src(%dma_wait3A_1035 : memref<128x128xf32, #tpu.memory_space<hbm>>) dst(%dma_wait3A_1032 : memref<128x128xf32, #tpu.memory_space<vmem>>)
        %dma_start3A_1036 = arith.constant 0 : i32
        %dma_start3A_1037 = arith.constant 0 : i32
        %dma_start3A_1038 = arith.constant 0 : i32
        %dma_start3A_1039 = tpu.memref_slice %arg17[%dma_start3A_1037, %dma_start3A_1038] : memref<640x128xf32, #tpu.memory_space<vmem>> -> memref<128x128xf32, #tpu.memory_space<vmem>>
        %dma_start3A_1040 = arith.constant 0 : i32
        %dma_start3A_1041 = tpu.memref_slice %arg15[%dma_start3A_1036, %dma_start3A_1040] : memref<5x128xi32, #tpu.memory_space<vmem>> -> memref<1x128xi32, #tpu.memory_space<vmem>>
        %dma_start3A_1042 = tpu.memref_squeeze %dma_start3A_1041 : memref<1x128xi32, #tpu.memory_space<vmem>> -> memref<128xi32, #tpu.memory_space<vmem>>
        %dma_start3A_1043 = arith.constant 0 : i32
        %dma_start3A_1044 = arith.constant 0 : i32
        %dma_start3A_1045 = tpu.memref_slice %arg18[%dma_start3A_1043, %dma_start3A_1044] : memref<2048x128xf32, #tpu.memory_space<vmem_shared>> -> memref<2048x128xf32, #tpu.memory_space<vmem_shared>>
        tpu.enqueue_indirect_dma source(%dma_start3A_1039 : memref<128x128xf32, #tpu.memory_space<vmem>>) target(%dma_start3A_1045 : memref<2048x128xf32, #tpu.memory_space<vmem_shared>>) offsets(%dma_start3A_1042 : memref<128xi32, #tpu.memory_space<vmem>>) semaphore(%arg27 : memref<!tpu.dma_semaphore, #tpu.memory_space<semaphore_mem>>) {add = true}
        %dma_wait3A_1046 = arith.constant 256 : i32
        %dma_wait3A_1047 = arith.constant 0 : i32
        %dma_wait3A_1048 = tpu.memref_slice %arg17[%dma_wait3A_1046, %dma_wait3A_1047] : memref<640x128xf32, #tpu.memory_space<vmem>> -> memref<128x128xf32, #tpu.memory_space<vmem>>
        %dma_wait3A_1049 = arith.constant 0 : i32
        %dma_wait3A_1050 = arith.constant 0 : i32
        %dma_wait3A_1051 = tpu.memref_slice %arg3[%dma_wait3A_1049, %dma_wait3A_1050] : memref<100000x128xf32, #tpu.memory_space<hbm>> -> memref<128x128xf32, #tpu.memory_space<hbm>>
        %dma_wait3A_1052 = arith.constant 256 : i32
        %dma_wait3A_1053 = arith.constant 0 : i32
        %dma_wait3A_1054 = tpu.memref_slice %arg17[%dma_wait3A_1052, %dma_wait3A_1053] : memref<640x128xf32, #tpu.memory_space<vmem>> -> memref<128x128xf32, #tpu.memory_space<vmem>>
        %dma_wait3A_1055 = arith.constant 0 : i32
        %dma_wait3A_1056 = arith.constant 0 : i32
        %dma_wait3A_1057 = tpu.memref_slice %arg3[%dma_wait3A_1055, %dma_wait3A_1056] : memref<100000x128xf32, #tpu.memory_space<hbm>> -> memref<128x128xf32, #tpu.memory_space<hbm>>
        tpu.wait_dma2 semaphore(%arg24 : memref<!tpu.dma_semaphore, #tpu.memory_space<semaphore_mem>>) src(%dma_wait3A_1057 : memref<128x128xf32, #tpu.memory_space<hbm>>) dst(%dma_wait3A_1054 : memref<128x128xf32, #tpu.memory_space<vmem>>)
        %dma_start3A_1058 = arith.constant 2 : i32
        %dma_start3A_1059 = arith.constant 256 : i32
        %dma_start3A_1060 = arith.constant 0 : i32
        %dma_start3A_1061 = tpu.memref_slice %arg17[%dma_start3A_1059, %dma_start3A_1060] : memref<640x128xf32, #tpu.memory_space<vmem>> -> memref<128x128xf32, #tpu.memory_space<vmem>>
        %dma_start3A_1062 = arith.constant 0 : i32
        %dma_start3A_1063 = tpu.memref_slice %arg15[%dma_start3A_1058, %dma_start3A_1062] : memref<5x128xi32, #tpu.memory_space<vmem>> -> memref<1x128xi32, #tpu.memory_space<vmem>>
        %dma_start3A_1064 = tpu.memref_squeeze %dma_start3A_1063 : memref<1x128xi32, #tpu.memory_space<vmem>> -> memref<128xi32, #tpu.memory_space<vmem>>
        %dma_start3A_1065 = arith.constant 0 : i32
        %dma_start3A_1066 = arith.constant 0 : i32
        %dma_start3A_1067 = tpu.memref_slice %arg18[%dma_start3A_1065, %dma_start3A_1066] : memref<2048x128xf32, #tpu.memory_space<vmem_shared>> -> memref<2048x128xf32, #tpu.memory_space<vmem_shared>>
        tpu.enqueue_indirect_dma source(%dma_start3A_1061 : memref<128x128xf32, #tpu.memory_space<vmem>>) target(%dma_start3A_1067 : memref<2048x128xf32, #tpu.memory_space<vmem_shared>>) offsets(%dma_start3A_1064 : memref<128xi32, #tpu.memory_space<vmem>>) semaphore(%arg29 : memref<!tpu.dma_semaphore, #tpu.memory_space<semaphore_mem>>) {add = true}
        %dma_wait3A_1068 = arith.constant 512 : i32
        %dma_wait3A_1069 = arith.constant 0 : i32
        %dma_wait3A_1070 = tpu.memref_slice %arg17[%dma_wait3A_1068, %dma_wait3A_1069] : memref<640x128xf32, #tpu.memory_space<vmem>> -> memref<128x128xf32, #tpu.memory_space<vmem>>
        %dma_wait3A_1071 = arith.constant 0 : i32
        %dma_wait3A_1072 = arith.constant 0 : i32
        %dma_wait3A_1073 = tpu.memref_slice %arg3[%dma_wait3A_1071, %dma_wait3A_1072] : memref<100000x128xf32, #tpu.memory_space<hbm>> -> memref<128x128xf32, #tpu.memory_space<hbm>>
        %dma_wait3A_1074 = arith.constant 512 : i32
        %dma_wait3A_1075 = arith.constant 0 : i32
        %dma_wait3A_1076 = tpu.memref_slice %arg17[%dma_wait3A_1074, %dma_wait3A_1075] : memref<640x128xf32, #tpu.memory_space<vmem>> -> memref<128x128xf32, #tpu.memory_space<vmem>>
        %dma_wait3A_1077 = arith.constant 0 : i32
        %dma_wait3A_1078 = arith.constant 0 : i32
        %dma_wait3A_1079 = tpu.memref_slice %arg3[%dma_wait3A_1077, %dma_wait3A_1078] : memref<100000x128xf32, #tpu.memory_space<hbm>> -> memref<128x128xf32, #tpu.memory_space<hbm>>
        tpu.wait_dma2 semaphore(%arg26 : memref<!tpu.dma_semaphore, #tpu.memory_space<semaphore_mem>>) src(%dma_wait3A_1079 : memref<128x128xf32, #tpu.memory_space<hbm>>) dst(%dma_wait3A_1076 : memref<128x128xf32, #tpu.memory_space<vmem>>)
        %dma_start3A_1080 = arith.constant 4 : i32
        %dma_start3A_1081 = arith.constant 512 : i32
        %dma_start3A_1082 = arith.constant 0 : i32
        %dma_start3A_1083 = tpu.memref_slice %arg17[%dma_start3A_1081, %dma_start3A_1082] : memref<640x128xf32, #tpu.memory_space<vmem>> -> memref<128x128xf32, #tpu.memory_space<vmem>>
        %dma_start3A_1084 = arith.constant 0 : i32
        %dma_start3A_1085 = tpu.memref_slice %arg15[%dma_start3A_1080, %dma_start3A_1084] : memref<5x128xi32, #tpu.memory_space<vmem>> -> memref<1x128xi32, #tpu.memory_space<vmem>>
        %dma_start3A_1086 = tpu.memref_squeeze %dma_start3A_1085 : memref<1x128xi32, #tpu.memory_space<vmem>> -> memref<128xi32, #tpu.memory_space<vmem>>
        %dma_start3A_1087 = arith.constant 0 : i32
        %dma_start3A_1088 = arith.constant 0 : i32
        %dma_start3A_1089 = tpu.memref_slice %arg18[%dma_start3A_1087, %dma_start3A_1088] : memref<2048x128xf32, #tpu.memory_space<vmem_shared>> -> memref<2048x128xf32, #tpu.memory_space<vmem_shared>>
        tpu.enqueue_indirect_dma source(%dma_start3A_1083 : memref<128x128xf32, #tpu.memory_space<vmem>>) target(%dma_start3A_1089 : memref<2048x128xf32, #tpu.memory_space<vmem_shared>>) offsets(%dma_start3A_1086 : memref<128xi32, #tpu.memory_space<vmem>>) semaphore(%arg31 : memref<!tpu.dma_semaphore, #tpu.memory_space<semaphore_mem>>) {add = true}
        %dma_wait3A_1090 = arith.constant 0 : i32
        %dma_wait3A_1091 = arith.constant 0 : i32
        %dma_wait3A_1092 = tpu.memref_slice %arg17[%dma_wait3A_1090, %dma_wait3A_1091] : memref<640x128xf32, #tpu.memory_space<vmem>> -> memref<128x128xf32, #tpu.memory_space<vmem>>
        %dma_wait3A_1093 = arith.constant 0 : i32
        %dma_wait3A_1094 = arith.constant 0 : i32
        %dma_wait3A_1095 = tpu.memref_slice %arg3[%dma_wait3A_1093, %dma_wait3A_1094] : memref<100000x128xf32, #tpu.memory_space<hbm>> -> memref<128x128xf32, #tpu.memory_space<hbm>>
        %dma_wait3A_1096 = arith.constant 0 : i32
        %dma_wait3A_1097 = arith.constant 0 : i32
        %dma_wait3A_1098 = tpu.memref_slice %arg17[%dma_wait3A_1096, %dma_wait3A_1097] : memref<640x128xf32, #tpu.memory_space<vmem>> -> memref<128x128xf32, #tpu.memory_space<vmem>>
        %dma_wait3A_1099 = arith.constant 0 : i32
        %dma_wait3A_1100 = arith.constant 0 : i32
        %dma_wait3A_1101 = tpu.memref_slice %arg3[%dma_wait3A_1099, %dma_wait3A_1100] : memref<100000x128xf32, #tpu.memory_space<hbm>> -> memref<128x128xf32, #tpu.memory_space<hbm>>
        tpu.wait_dma2 semaphore(%arg27 : memref<!tpu.dma_semaphore, #tpu.memory_space<semaphore_mem>>) src(%dma_wait3A_1101 : memref<128x128xf32, #tpu.memory_space<hbm>>) dst(%dma_wait3A_1098 : memref<128x128xf32, #tpu.memory_space<vmem>>)
        %convert_element_type3A_1102 = arith.extui %lt3A_998 : i1 to i32
        %cond3A_1103 = arith.constant 0 : i32
        %cond3A_1104 = arith.cmpi ne, %convert_element_type3A_1102, %cond3A_1103 : i32
        scf.if %cond3A_1104 {
          %dma_start3A_1219 = arith.constant 0 : i32
          %dma_start3A_1220 = arith.constant 0 : i32
          %dma_start3A_1221 = tpu.memref_slice %arg17[%dma_start3A_1219, %dma_start3A_1220] : memref<640x128xf32, #tpu.memory_space<vmem>> -> memref<128x128xf32, #tpu.memory_space<vmem>>
          %dma_start3A_1222 = arith.constant 0 : i32
          %dma_start3A_1223 = tpu.memref_slice %arg11[%dma_start3A_1222] : memref<640xi32, #tpu.memory_space<vmem>> -> memref<128xi32, #tpu.memory_space<vmem>>
          %dma_start3A_1224 = arith.constant 0 : i32
          %dma_start3A_1225 = arith.constant 0 : i32
          %dma_start3A_1226 = tpu.memref_slice %arg3[%dma_start3A_1224, %dma_start3A_1225] : memref<100000x128xf32, #tpu.memory_space<hbm>> -> memref<100000x128xf32, #tpu.memory_space<hbm>>
          tpu.enqueue_indirect_dma source(%dma_start3A_1226 : memref<100000x128xf32, #tpu.memory_space<hbm>>) target(%dma_start3A_1221 : memref<128x128xf32, #tpu.memory_space<vmem>>) offsets(%dma_start3A_1223 : memref<128xi32, #tpu.memory_space<vmem>>) semaphore(%arg22 : memref<!tpu.dma_semaphore, #tpu.memory_space<semaphore_mem>>)
        } else {
        }
        %dma_wait3A_1105 = arith.constant 256 : i32
        %dma_wait3A_1106 = arith.constant 0 : i32
        %dma_wait3A_1107 = tpu.memref_slice %arg17[%dma_wait3A_1105, %dma_wait3A_1106] : memref<640x128xf32, #tpu.memory_space<vmem>> -> memref<128x128xf32, #tpu.memory_space<vmem>>
        %dma_wait3A_1108 = arith.constant 0 : i32
        %dma_wait3A_1109 = arith.constant 0 : i32
        %dma_wait3A_1110 = tpu.memref_slice %arg3[%dma_wait3A_1108, %dma_wait3A_1109] : memref<100000x128xf32, #tpu.memory_space<hbm>> -> memref<128x128xf32, #tpu.memory_space<hbm>>
        %dma_wait3A_1111 = arith.constant 256 : i32
        %dma_wait3A_1112 = arith.constant 0 : i32
        %dma_wait3A_1113 = tpu.memref_slice %arg17[%dma_wait3A_1111, %dma_wait3A_1112] : memref<640x128xf32, #tpu.memory_space<vmem>> -> memref<128x128xf32, #tpu.memory_space<vmem>>
        %dma_wait3A_1114 = arith.constant 0 : i32
        %dma_wait3A_1115 = arith.constant 0 : i32
        %dma_wait3A_1116 = tpu.memref_slice %arg3[%dma_wait3A_1114, %dma_wait3A_1115] : memref<100000x128xf32, #tpu.memory_space<hbm>> -> memref<128x128xf32, #tpu.memory_space<hbm>>
        tpu.wait_dma2 semaphore(%arg29 : memref<!tpu.dma_semaphore, #tpu.memory_space<semaphore_mem>>) src(%dma_wait3A_1116 : memref<128x128xf32, #tpu.memory_space<hbm>>) dst(%dma_wait3A_1113 : memref<128x128xf32, #tpu.memory_space<vmem>>)
        %convert_element_type3A_1117 = arith.extui %lt3A_998 : i1 to i32
        %cond3A_1118 = arith.constant 0 : i32
        %cond3A_1119 = arith.cmpi ne, %convert_element_type3A_1117, %cond3A_1118 : i32
        scf.if %cond3A_1119 {
          %dma_start3A_1219 = arith.constant 256 : i32
          %dma_start3A_1220 = arith.constant 0 : i32
          %dma_start3A_1221 = tpu.memref_slice %arg17[%dma_start3A_1219, %dma_start3A_1220] : memref<640x128xf32, #tpu.memory_space<vmem>> -> memref<128x128xf32, #tpu.memory_space<vmem>>
          %dma_start3A_1222 = arith.constant 256 : i32
          %dma_start3A_1223 = tpu.memref_slice %arg11[%dma_start3A_1222] : memref<640xi32, #tpu.memory_space<vmem>> -> memref<128xi32, #tpu.memory_space<vmem>>
          %dma_start3A_1224 = arith.constant 0 : i32
          %dma_start3A_1225 = arith.constant 0 : i32
          %dma_start3A_1226 = tpu.memref_slice %arg3[%dma_start3A_1224, %dma_start3A_1225] : memref<100000x128xf32, #tpu.memory_space<hbm>> -> memref<100000x128xf32, #tpu.memory_space<hbm>>
          tpu.enqueue_indirect_dma source(%dma_start3A_1226 : memref<100000x128xf32, #tpu.memory_space<hbm>>) target(%dma_start3A_1221 : memref<128x128xf32, #tpu.memory_space<vmem>>) offsets(%dma_start3A_1223 : memref<128xi32, #tpu.memory_space<vmem>>) semaphore(%arg24 : memref<!tpu.dma_semaphore, #tpu.memory_space<semaphore_mem>>)
        } else {
        }
        %dma_wait3A_1120 = arith.constant 512 : i32
        %dma_wait3A_1121 = arith.constant 0 : i32
        %dma_wait3A_1122 = tpu.memref_slice %arg17[%dma_wait3A_1120, %dma_wait3A_1121] : memref<640x128xf32, #tpu.memory_space<vmem>> -> memref<128x128xf32, #tpu.memory_space<vmem>>
        %dma_wait3A_1123 = arith.constant 0 : i32
        %dma_wait3A_1124 = arith.constant 0 : i32
        %dma_wait3A_1125 = tpu.memref_slice %arg3[%dma_wait3A_1123, %dma_wait3A_1124] : memref<100000x128xf32, #tpu.memory_space<hbm>> -> memref<128x128xf32, #tpu.memory_space<hbm>>
        %dma_wait3A_1126 = arith.constant 512 : i32
        %dma_wait3A_1127 = arith.constant 0 : i32
        %dma_wait3A_1128 = tpu.memref_slice %arg17[%dma_wait3A_1126, %dma_wait3A_1127] : memref<640x128xf32, #tpu.memory_space<vmem>> -> memref<128x128xf32, #tpu.memory_space<vmem>>
        %dma_wait3A_1129 = arith.constant 0 : i32
        %dma_wait3A_1130 = arith.constant 0 : i32
        %dma_wait3A_1131 = tpu.memref_slice %arg3[%dma_wait3A_1129, %dma_wait3A_1130] : memref<100000x128xf32, #tpu.memory_space<hbm>> -> memref<128x128xf32, #tpu.memory_space<hbm>>
        tpu.wait_dma2 semaphore(%arg31 : memref<!tpu.dma_semaphore, #tpu.memory_space<semaphore_mem>>) src(%dma_wait3A_1131 : memref<128x128xf32, #tpu.memory_space<hbm>>) dst(%dma_wait3A_1128 : memref<128x128xf32, #tpu.memory_space<vmem>>)
        %convert_element_type3A_1132 = arith.extui %lt3A_998 : i1 to i32
        %cond3A_1133 = arith.constant 0 : i32
        %cond3A_1134 = arith.cmpi ne, %convert_element_type3A_1132, %cond3A_1133 : i32
        scf.if %cond3A_1134 {
          %dma_start3A_1219 = arith.constant 512 : i32
          %dma_start3A_1220 = arith.constant 0 : i32
          %dma_start3A_1221 = tpu.memref_slice %arg17[%dma_start3A_1219, %dma_start3A_1220] : memref<640x128xf32, #tpu.memory_space<vmem>> -> memref<128x128xf32, #tpu.memory_space<vmem>>
          %dma_start3A_1222 = arith.constant 512 : i32
          %dma_start3A_1223 = tpu.memref_slice %arg11[%dma_start3A_1222] : memref<640xi32, #tpu.memory_space<vmem>> -> memref<128xi32, #tpu.memory_space<vmem>>
          %dma_start3A_1224 = arith.constant 0 : i32
          %dma_start3A_1225 = arith.constant 0 : i32
          %dma_start3A_1226 = tpu.memref_slice %arg3[%dma_start3A_1224, %dma_start3A_1225] : memref<100000x128xf32, #tpu.memory_space<hbm>> -> memref<100000x128xf32, #tpu.memory_space<hbm>>
          tpu.enqueue_indirect_dma source(%dma_start3A_1226 : memref<100000x128xf32, #tpu.memory_space<hbm>>) target(%dma_start3A_1221 : memref<128x128xf32, #tpu.memory_space<vmem>>) offsets(%dma_start3A_1223 : memref<128xi32, #tpu.memory_space<vmem>>) semaphore(%arg26 : memref<!tpu.dma_semaphore, #tpu.memory_space<semaphore_mem>>)
        } else {
        }
        %dma_wait3A_1135 = arith.constant 128 : i32
        %dma_wait3A_1136 = arith.constant 0 : i32
        %dma_wait3A_1137 = tpu.memref_slice %arg17[%dma_wait3A_1135, %dma_wait3A_1136] : memref<640x128xf32, #tpu.memory_space<vmem>> -> memref<128x128xf32, #tpu.memory_space<vmem>>
        %dma_wait3A_1138 = arith.constant 0 : i32
        %dma_wait3A_1139 = arith.constant 0 : i32
        %dma_wait3A_1140 = tpu.memref_slice %arg3[%dma_wait3A_1138, %dma_wait3A_1139] : memref<100000x128xf32, #tpu.memory_space<hbm>> -> memref<128x128xf32, #tpu.memory_space<hbm>>
        %dma_wait3A_1141 = arith.constant 128 : i32
        %dma_wait3A_1142 = arith.constant 0 : i32
        %dma_wait3A_1143 = tpu.memref_slice %arg17[%dma_wait3A_1141, %dma_wait3A_1142] : memref<640x128xf32, #tpu.memory_space<vmem>> -> memref<128x128xf32, #tpu.memory_space<vmem>>
        %dma_wait3A_1144 = arith.constant 0 : i32
        %dma_wait3A_1145 = arith.constant 0 : i32
        %dma_wait3A_1146 = tpu.memref_slice %arg3[%dma_wait3A_1144, %dma_wait3A_1145] : memref<100000x128xf32, #tpu.memory_space<hbm>> -> memref<128x128xf32, #tpu.memory_space<hbm>>
        tpu.wait_dma2 semaphore(%arg23 : memref<!tpu.dma_semaphore, #tpu.memory_space<semaphore_mem>>) src(%dma_wait3A_1146 : memref<128x128xf32, #tpu.memory_space<hbm>>) dst(%dma_wait3A_1143 : memref<128x128xf32, #tpu.memory_space<vmem>>)
        %dma_start3A_1147 = arith.constant 1 : i32
        %dma_start3A_1148 = arith.constant 128 : i32
        %dma_start3A_1149 = arith.constant 0 : i32
        %dma_start3A_1150 = tpu.memref_slice %arg17[%dma_start3A_1148, %dma_start3A_1149] : memref<640x128xf32, #tpu.memory_space<vmem>> -> memref<128x128xf32, #tpu.memory_space<vmem>>
        %dma_start3A_1151 = arith.constant 0 : i32
        %dma_start3A_1152 = tpu.memref_slice %arg15[%dma_start3A_1147, %dma_start3A_1151] : memref<5x128xi32, #tpu.memory_space<vmem>> -> memref<1x128xi32, #tpu.memory_space<vmem>>
        %dma_start3A_1153 = tpu.memref_squeeze %dma_start3A_1152 : memref<1x128xi32, #tpu.memory_space<vmem>> -> memref<128xi32, #tpu.memory_space<vmem>>
        %dma_start3A_1154 = arith.constant 0 : i32
        %dma_start3A_1155 = arith.constant 0 : i32
        %dma_start3A_1156 = tpu.memref_slice %arg18[%dma_start3A_1154, %dma_start3A_1155] : memref<2048x128xf32, #tpu.memory_space<vmem_shared>> -> memref<2048x128xf32, #tpu.memory_space<vmem_shared>>
        tpu.enqueue_indirect_dma source(%dma_start3A_1150 : memref<128x128xf32, #tpu.memory_space<vmem>>) target(%dma_start3A_1156 : memref<2048x128xf32, #tpu.memory_space<vmem_shared>>) offsets(%dma_start3A_1153 : memref<128xi32, #tpu.memory_space<vmem>>) semaphore(%arg28 : memref<!tpu.dma_semaphore, #tpu.memory_space<semaphore_mem>>) {add = true}
        %dma_wait3A_1157 = arith.constant 384 : i32
        %dma_wait3A_1158 = arith.constant 0 : i32
        %dma_wait3A_1159 = tpu.memref_slice %arg17[%dma_wait3A_1157, %dma_wait3A_1158] : memref<640x128xf32, #tpu.memory_space<vmem>> -> memref<128x128xf32, #tpu.memory_space<vmem>>
        %dma_wait3A_1160 = arith.constant 0 : i32
        %dma_wait3A_1161 = arith.constant 0 : i32
        %dma_wait3A_1162 = tpu.memref_slice %arg3[%dma_wait3A_1160, %dma_wait3A_1161] : memref<100000x128xf32, #tpu.memory_space<hbm>> -> memref<128x128xf32, #tpu.memory_space<hbm>>
        %dma_wait3A_1163 = arith.constant 384 : i32
        %dma_wait3A_1164 = arith.constant 0 : i32
        %dma_wait3A_1165 = tpu.memref_slice %arg17[%dma_wait3A_1163, %dma_wait3A_1164] : memref<640x128xf32, #tpu.memory_space<vmem>> -> memref<128x128xf32, #tpu.memory_space<vmem>>
        %dma_wait3A_1166 = arith.constant 0 : i32
        %dma_wait3A_1167 = arith.constant 0 : i32
        %dma_wait3A_1168 = tpu.memref_slice %arg3[%dma_wait3A_1166, %dma_wait3A_1167] : memref<100000x128xf32, #tpu.memory_space<hbm>> -> memref<128x128xf32, #tpu.memory_space<hbm>>
        tpu.wait_dma2 semaphore(%arg25 : memref<!tpu.dma_semaphore, #tpu.memory_space<semaphore_mem>>) src(%dma_wait3A_1168 : memref<128x128xf32, #tpu.memory_space<hbm>>) dst(%dma_wait3A_1165 : memref<128x128xf32, #tpu.memory_space<vmem>>)
        %dma_start3A_1169 = arith.constant 3 : i32
        %dma_start3A_1170 = arith.constant 384 : i32
        %dma_start3A_1171 = arith.constant 0 : i32
        %dma_start3A_1172 = tpu.memref_slice %arg17[%dma_start3A_1170, %dma_start3A_1171] : memref<640x128xf32, #tpu.memory_space<vmem>> -> memref<128x128xf32, #tpu.memory_space<vmem>>
        %dma_start3A_1173 = arith.constant 0 : i32
        %dma_start3A_1174 = tpu.memref_slice %arg15[%dma_start3A_1169, %dma_start3A_1173] : memref<5x128xi32, #tpu.memory_space<vmem>> -> memref<1x128xi32, #tpu.memory_space<vmem>>
        %dma_start3A_1175 = tpu.memref_squeeze %dma_start3A_1174 : memref<1x128xi32, #tpu.memory_space<vmem>> -> memref<128xi32, #tpu.memory_space<vmem>>
        %dma_start3A_1176 = arith.constant 0 : i32
        %dma_start3A_1177 = arith.constant 0 : i32
        %dma_start3A_1178 = tpu.memref_slice %arg18[%dma_start3A_1176, %dma_start3A_1177] : memref<2048x128xf32, #tpu.memory_space<vmem_shared>> -> memref<2048x128xf32, #tpu.memory_space<vmem_shared>>
        tpu.enqueue_indirect_dma source(%dma_start3A_1172 : memref<128x128xf32, #tpu.memory_space<vmem>>) target(%dma_start3A_1178 : memref<2048x128xf32, #tpu.memory_space<vmem_shared>>) offsets(%dma_start3A_1175 : memref<128xi32, #tpu.memory_space<vmem>>) semaphore(%arg30 : memref<!tpu.dma_semaphore, #tpu.memory_space<semaphore_mem>>) {add = true}
        %dma_wait3A_1179 = arith.constant 128 : i32
        %dma_wait3A_1180 = arith.constant 0 : i32
        %dma_wait3A_1181 = tpu.memref_slice %arg17[%dma_wait3A_1179, %dma_wait3A_1180] : memref<640x128xf32, #tpu.memory_space<vmem>> -> memref<128x128xf32, #tpu.memory_space<vmem>>
        %dma_wait3A_1182 = arith.constant 0 : i32
        %dma_wait3A_1183 = arith.constant 0 : i32
        %dma_wait3A_1184 = tpu.memref_slice %arg3[%dma_wait3A_1182, %dma_wait3A_1183] : memref<100000x128xf32, #tpu.memory_space<hbm>> -> memref<128x128xf32, #tpu.memory_space<hbm>>
        %dma_wait3A_1185 = arith.constant 128 : i32
        %dma_wait3A_1186 = arith.constant 0 : i32
        %dma_wait3A_1187 = tpu.memref_slice %arg17[%dma_wait3A_1185, %dma_wait3A_1186] : memref<640x128xf32, #tpu.memory_space<vmem>> -> memref<128x128xf32, #tpu.memory_space<vmem>>
        %dma_wait3A_1188 = arith.constant 0 : i32
        %dma_wait3A_1189 = arith.constant 0 : i32
        %dma_wait3A_1190 = tpu.memref_slice %arg3[%dma_wait3A_1188, %dma_wait3A_1189] : memref<100000x128xf32, #tpu.memory_space<hbm>> -> memref<128x128xf32, #tpu.memory_space<hbm>>
        tpu.wait_dma2 semaphore(%arg28 : memref<!tpu.dma_semaphore, #tpu.memory_space<semaphore_mem>>) src(%dma_wait3A_1190 : memref<128x128xf32, #tpu.memory_space<hbm>>) dst(%dma_wait3A_1187 : memref<128x128xf32, #tpu.memory_space<vmem>>)
        %convert_element_type3A_1191 = arith.extui %lt3A_998 : i1 to i32
        %cond3A_1192 = arith.constant 0 : i32
        %cond3A_1193 = arith.cmpi ne, %convert_element_type3A_1191, %cond3A_1192 : i32
        scf.if %cond3A_1193 {
          %dma_start3A_1219 = arith.constant 128 : i32
          %dma_start3A_1220 = arith.constant 0 : i32
          %dma_start3A_1221 = tpu.memref_slice %arg17[%dma_start3A_1219, %dma_start3A_1220] : memref<640x128xf32, #tpu.memory_space<vmem>> -> memref<128x128xf32, #tpu.memory_space<vmem>>
          %dma_start3A_1222 = arith.constant 128 : i32
          %dma_start3A_1223 = tpu.memref_slice %arg11[%dma_start3A_1222] : memref<640xi32, #tpu.memory_space<vmem>> -> memref<128xi32, #tpu.memory_space<vmem>>
          %dma_start3A_1224 = arith.constant 0 : i32
          %dma_start3A_1225 = arith.constant 0 : i32
          %dma_start3A_1226 = tpu.memref_slice %arg3[%dma_start3A_1224, %dma_start3A_1225] : memref<100000x128xf32, #tpu.memory_space<hbm>> -> memref<100000x128xf32, #tpu.memory_space<hbm>>
          tpu.enqueue_indirect_dma source(%dma_start3A_1226 : memref<100000x128xf32, #tpu.memory_space<hbm>>) target(%dma_start3A_1221 : memref<128x128xf32, #tpu.memory_space<vmem>>) offsets(%dma_start3A_1223 : memref<128xi32, #tpu.memory_space<vmem>>) semaphore(%arg23 : memref<!tpu.dma_semaphore, #tpu.memory_space<semaphore_mem>>)
        } else {
        }
        %dma_wait3A_1194 = arith.constant 384 : i32
        %dma_wait3A_1195 = arith.constant 0 : i32
        %dma_wait3A_1196 = tpu.memref_slice %arg17[%dma_wait3A_1194, %dma_wait3A_1195] : memref<640x128xf32, #tpu.memory_space<vmem>> -> memref<128x128xf32, #tpu.memory_space<vmem>>
        %dma_wait3A_1197 = arith.constant 0 : i32
        %dma_wait3A_1198 = arith.constant 0 : i32
        %dma_wait3A_1199 = tpu.memref_slice %arg3[%dma_wait3A_1197, %dma_wait3A_1198] : memref<100000x128xf32, #tpu.memory_space<hbm>> -> memref<128x128xf32, #tpu.memory_space<hbm>>
        %dma_wait3A_1200 = arith.constant 384 : i32
        %dma_wait3A_1201 = arith.constant 0 : i32
        %dma_wait3A_1202 = tpu.memref_slice %arg17[%dma_wait3A_1200, %dma_wait3A_1201] : memref<640x128xf32, #tpu.memory_space<vmem>> -> memref<128x128xf32, #tpu.memory_space<vmem>>
        %dma_wait3A_1203 = arith.constant 0 : i32
        %dma_wait3A_1204 = arith.constant 0 : i32
        %dma_wait3A_1205 = tpu.memref_slice %arg3[%dma_wait3A_1203, %dma_wait3A_1204] : memref<100000x128xf32, #tpu.memory_space<hbm>> -> memref<128x128xf32, #tpu.memory_space<hbm>>
        tpu.wait_dma2 semaphore(%arg30 : memref<!tpu.dma_semaphore, #tpu.memory_space<semaphore_mem>>) src(%dma_wait3A_1205 : memref<128x128xf32, #tpu.memory_space<hbm>>) dst(%dma_wait3A_1202 : memref<128x128xf32, #tpu.memory_space<vmem>>)
        %convert_element_type3A_1206 = arith.extui %lt3A_998 : i1 to i32
        %cond3A_1207 = arith.constant 0 : i32
        %cond3A_1208 = arith.cmpi ne, %convert_element_type3A_1206, %cond3A_1207 : i32
        scf.if %cond3A_1208 {
          %dma_start3A_1219 = arith.constant 384 : i32
          %dma_start3A_1220 = arith.constant 0 : i32
          %dma_start3A_1221 = tpu.memref_slice %arg17[%dma_start3A_1219, %dma_start3A_1220] : memref<640x128xf32, #tpu.memory_space<vmem>> -> memref<128x128xf32, #tpu.memory_space<vmem>>
          %dma_start3A_1222 = arith.constant 384 : i32
          %dma_start3A_1223 = tpu.memref_slice %arg11[%dma_start3A_1222] : memref<640xi32, #tpu.memory_space<vmem>> -> memref<128xi32, #tpu.memory_space<vmem>>
          %dma_start3A_1224 = arith.constant 0 : i32
          %dma_start3A_1225 = arith.constant 0 : i32
          %dma_start3A_1226 = tpu.memref_slice %arg3[%dma_start3A_1224, %dma_start3A_1225] : memref<100000x128xf32, #tpu.memory_space<hbm>> -> memref<100000x128xf32, #tpu.memory_space<hbm>>
          tpu.enqueue_indirect_dma source(%dma_start3A_1226 : memref<100000x128xf32, #tpu.memory_space<hbm>>) target(%dma_start3A_1221 : memref<128x128xf32, #tpu.memory_space<vmem>>) offsets(%dma_start3A_1223 : memref<128xi32, #tpu.memory_space<vmem>>) semaphore(%arg25 : memref<!tpu.dma_semaphore, #tpu.memory_space<semaphore_mem>>)
        } else {
        }
        %mul3A_1209 = arith.constant 2 : i32
        %mul3A_1210 = arith.muli %arg1, %mul3A_1209 : i32
        %add3A_1211 = arith.constant 0 : i32
        %add3A_1212 = arith.addi %mul3A_1210, %add3A_1211 : i32
        %mul3A_1213 = arith.constant 64 : i32
        %mul3A_1214 = arith.muli %add3A_1212, %mul3A_1213 : i32
        %dma_start3A_1215 = arith.constant 0 : i32
        %dma_start3A_1216 = tpu.memref_slice %arg9[%add3A_994, %dma_start3A_1215] : memref<51200x128xf32, #tpu.memory_space<hbm>> -> memref<64x128xf32, #tpu.memory_space<hbm>>
        %dma_start3A_1217 = arith.constant 0 : i32
        %dma_start3A_1218 = tpu.memref_slice %arg18[%mul3A_1214, %dma_start3A_1217] : memref<2048x128xf32, #tpu.memory_space<vmem_shared>> -> memref<64x128xf32, #tpu.memory_space<vmem_shared>>
        tpu.enqueue_dma source(%dma_start3A_1218 : memref<64x128xf32, #tpu.memory_space<vmem_shared>>) target(%dma_start3A_1216 : memref<64x128xf32, #tpu.memory_space<hbm>>) target_semaphore(%arg33 : memref<!tpu.dma_semaphore, #tpu.memory_space<semaphore_mem>>)
      } else {
      }
      %add3A_983 = arith.constant 1 : i32
      %add3A_984 = arith.addi %add3A_978, %add3A_983 : i32
      %lt3A_985 = arith.constant 25 : i32
      %lt3A_986 = arith.cmpi slt, %add3A_984, %lt3A_985 : i32
      %convert_element_type3A_987 = arith.extui %lt3A_986 : i1 to i32
      %cond3A_988 = arith.constant 0 : i32
      %cond3A_989 = arith.cmpi ne, %convert_element_type3A_987, %cond3A_988 : i32
      scf.if %cond3A_989 {
        %mul3A_990 = arith.constant 1600 : i32
        %mul3A_991 = arith.muli %add3A, %mul3A_990 : i32
        %mul3A_992 = arith.constant 64 : i32
        %mul3A_993 = arith.muli %add3A_984, %mul3A_992 : i32
        %add3A_994 = arith.addi %mul3A_991, %mul3A_993 : i32
        %add3A_995 = arith.constant 1 : i32
        %add3A_996 = arith.addi %add3A_984, %add3A_995 : i32
        %lt3A_997 = arith.constant 25 : i32
        %lt3A_998 = arith.cmpi slt, %add3A_996, %lt3A_997 : i32
        %convert_element_type3A_999 = arith.extui %lt3A_998 : i1 to i32
        %cond3A_1000 = arith.constant 0 : i32
        %cond3A_1001 = arith.cmpi ne, %convert_element_type3A_999, %cond3A_1000 : i32
        scf.if %cond3A_1001 {
          %add3A_1219 = arith.constant 1 : i32
          %add3A_1220 = arith.addi %add3A_984, %add3A_1219 : i32
          %mul3A_1221 = arith.constant 1600 : i32
          %mul3A_1222 = arith.muli %add3A, %mul3A_1221 : i32
          %mul3A_1223 = arith.constant 64 : i32
          %mul3A_1224 = arith.muli %add3A_1220, %mul3A_1223 : i32
          %add3A_1225 = arith.addi %mul3A_1222, %mul3A_1224 : i32
          %mul3A_1226 = arith.constant 10 : i32
          %mul3A_1227 = arith.muli %add3A_1225, %mul3A_1226 : i32
          %dma_start3A_1228 = tpu.memref_slice %arg5[%mul3A_1227] : memref<512000xi32, #tpu.memory_space<hbm>> -> memref<640xi32, #tpu.memory_space<hbm>>
          %dma_start3A_1229 = tpu.memref_slice %arg5[%mul3A_1227] : memref<512000xi32, #tpu.memory_space<hbm>> -> memref<640xi32, #tpu.memory_space<hbm>>
          tpu.enqueue_dma source(%dma_start3A_1229 : memref<640xi32, #tpu.memory_space<hbm>>) target(%arg10 : memref<640xi32, #tpu.memory_space<vmem>>) target_semaphore(%arg37 : memref<!tpu.dma_semaphore, #tpu.memory_space<semaphore_mem>>)
          %mul3A_1230 = arith.constant 1600 : i32
          %mul3A_1231 = arith.muli %add3A, %mul3A_1230 : i32
          %mul3A_1232 = arith.constant 64 : i32
          %mul3A_1233 = arith.muli %add3A_1220, %mul3A_1232 : i32
          %add3A_1234 = arith.addi %mul3A_1231, %mul3A_1233 : i32
          %dma_start3A_1235 = tpu.memref_slice %arg4[%add3A_1234] : memref<51200xi32, #tpu.memory_space<hbm>> -> memref<64xi32, #tpu.memory_space<hbm>>
          %dma_start3A_1236 = tpu.memref_slice %arg4[%add3A_1234] : memref<51200xi32, #tpu.memory_space<hbm>> -> memref<64xi32, #tpu.memory_space<hbm>>
          tpu.enqueue_dma source(%dma_start3A_1236 : memref<64xi32, #tpu.memory_space<hbm>>) target(%arg12 : memref<64xi32, #tpu.memory_space<vmem>>) target_semaphore(%arg37 : memref<!tpu.dma_semaphore, #tpu.memory_space<semaphore_mem>>)
        } else {
        }
        tpu.wait_dma2 semaphore(%arg32 : memref<!tpu.dma_semaphore, #tpu.memory_space<semaphore_mem>>) src(%arg7 : memref<64x128xf32, #tpu.memory_space<hbm>>) dst(%arg20 : memref<64x128xf32, #tpu.memory_space<vmem>>)
        %ge3A = arith.constant 1 : i32
        %ge3A_1002 = arith.cmpi sge, %add3A_984, %ge3A : i32
        %convert_element_type3A_1003 = arith.extui %ge3A_1002 : i1 to i32
        %cond3A_1004 = arith.constant 0 : i32
        %cond3A_1005 = arith.cmpi ne, %convert_element_type3A_1003, %cond3A_1004 : i32
        scf.if %cond3A_1005 {
          tpu.wait_dma2 semaphore(%arg35 : memref<!tpu.dma_semaphore, #tpu.memory_space<semaphore_mem>>) src(%arg7 : memref<64x128xf32, #tpu.memory_space<hbm>>) dst(%arg19 : memref<64x128xf32, #tpu.memory_space<vmem>>)
        } else {
        }
        %dma_start3A_1006 = arith.constant 0 : i32
        %dma_start3A_1007 = tpu.memref_slice %arg8[%add3A_994, %dma_start3A_1006] : memref<51200x128xf32, #tpu.memory_space<hbm>> -> memref<64x128xf32, #tpu.memory_space<hbm>>
        %dma_start3A_1008 = arith.constant 0 : i32
        %dma_start3A_1009 = tpu.memref_slice %arg8[%add3A_994, %dma_start3A_1008] : memref<51200x128xf32, #tpu.memory_space<hbm>> -> memref<64x128xf32, #tpu.memory_space<hbm>>
        tpu.enqueue_dma source(%arg20 : memref<64x128xf32, #tpu.memory_space<vmem>>) target(%dma_start3A_1009 : memref<64x128xf32, #tpu.memory_space<hbm>>) target_semaphore(%arg36 : memref<!tpu.dma_semaphore, #tpu.memory_space<semaphore_mem>>)
        %ge3A_1010 = arith.constant 2 : i32
        %ge3A_1011 = arith.cmpi sge, %add3A_984, %ge3A_1010 : i32
        %convert_element_type3A_1012 = arith.extui %ge3A_1011 : i1 to i32
        %cond3A_1013 = arith.constant 0 : i32
        %cond3A_1014 = arith.cmpi ne, %convert_element_type3A_1012, %cond3A_1013 : i32
        scf.if %cond3A_1014 {
          %mul3A_1219 = arith.constant 2 : i32
          %mul3A_1220 = arith.muli %arg1, %mul3A_1219 : i32
          %add3A_1221 = arith.constant 1 : i32
          %add3A_1222 = arith.addi %mul3A_1220, %add3A_1221 : i32
          %mul3A_1223 = arith.constant 64 : i32
          %mul3A_1224 = arith.muli %add3A_1222, %mul3A_1223 : i32
          %dma_wait3A_1225 = arith.constant 0 : i32
          %dma_wait3A_1226 = tpu.memref_slice %arg18[%mul3A_1224, %dma_wait3A_1225] : memref<2048x128xf32, #tpu.memory_space<vmem_shared>> -> memref<64x128xf32, #tpu.memory_space<vmem_shared>>
          tpu.wait_dma2 semaphore(%arg34 : memref<!tpu.dma_semaphore, #tpu.memory_space<semaphore_mem>>) src(%arg7 : memref<64x128xf32, #tpu.memory_space<hbm>>) dst(%dma_wait3A_1226 : memref<64x128xf32, #tpu.memory_space<vmem_shared>>)
        } else {
        }
        %mul3A_1015 = arith.constant 2 : i32
        %mul3A_1016 = arith.muli %arg1, %mul3A_1015 : i32
        %add3A_1017 = arith.constant 1 : i32
        %add3A_1018 = arith.addi %mul3A_1016, %add3A_1017 : i32
        %mul3A_1019 = arith.constant 64 : i32
        %mul3A_1020 = arith.muli %add3A_1018, %mul3A_1019 : i32
        "tpu.region"() ({
          %run_scoped3A = tpu.sem_alloc : memref<!tpu.dma_semaphore, #tpu.memory_space<semaphore_mem>>
          %dma_start3A_1219 = arith.constant 0 : i32
          %dma_start3A_1220 = tpu.memref_slice %arg18[%mul3A_1020, %dma_start3A_1219] : memref<2048x128xf32, #tpu.memory_space<vmem_shared>> -> memref<64x128xf32, #tpu.memory_space<vmem_shared>>
          %dma_start3A_1221 = arith.constant 0 : i32
          %dma_start3A_1222 = tpu.memref_slice %arg18[%mul3A_1020, %dma_start3A_1221] : memref<2048x128xf32, #tpu.memory_space<vmem_shared>> -> memref<64x128xf32, #tpu.memory_space<vmem_shared>>
          tpu.enqueue_dma source(%arg21 : memref<64x128xf32, #tpu.memory_space<vmem>>) target(%dma_start3A_1222 : memref<64x128xf32, #tpu.memory_space<vmem_shared>>) target_semaphore(%run_scoped3A : memref<!tpu.dma_semaphore, #tpu.memory_space<semaphore_mem>>)
          %dma_wait3A_1223 = arith.constant 0 : i32
          %dma_wait3A_1224 = tpu.memref_slice %arg18[%mul3A_1020, %dma_wait3A_1223] : memref<2048x128xf32, #tpu.memory_space<vmem_shared>> -> memref<64x128xf32, #tpu.memory_space<vmem_shared>>
          %dma_wait3A_1225 = arith.constant 0 : i32
          %dma_wait3A_1226 = tpu.memref_slice %arg18[%mul3A_1020, %dma_wait3A_1225] : memref<2048x128xf32, #tpu.memory_space<vmem_shared>> -> memref<64x128xf32, #tpu.memory_space<vmem_shared>>
          tpu.wait_dma2 semaphore(%run_scoped3A : memref<!tpu.dma_semaphore, #tpu.memory_space<semaphore_mem>>) src(%arg21 : memref<64x128xf32, #tpu.memory_space<vmem>>) dst(%dma_wait3A_1226 : memref<64x128xf32, #tpu.memory_space<vmem_shared>>)
          tpu.yield
        }) : () -> ()
        %convert_element_type3A_1021 = arith.extui %lt3A_998 : i1 to i32
        %cond3A_1022 = arith.constant 0 : i32
        %cond3A_1023 = arith.cmpi ne, %convert_element_type3A_1021, %cond3A_1022 : i32
        scf.if %cond3A_1023 {
          %dma_wait3A_1219 = arith.constant 0 : i32
          %dma_wait3A_1220 = tpu.memref_slice %arg5[%dma_wait3A_1219] : memref<512000xi32, #tpu.memory_space<hbm>> -> memref<640xi32, #tpu.memory_space<hbm>>
          %dma_wait3A_1221 = arith.constant 0 : i32
          %dma_wait3A_1222 = tpu.memref_slice %arg5[%dma_wait3A_1221] : memref<512000xi32, #tpu.memory_space<hbm>> -> memref<640xi32, #tpu.memory_space<hbm>>
          tpu.wait_dma2 semaphore(%arg37 : memref<!tpu.dma_semaphore, #tpu.memory_space<semaphore_mem>>) src(%dma_wait3A_1222 : memref<640xi32, #tpu.memory_space<hbm>>) dst(%arg10 : memref<640xi32, #tpu.memory_space<vmem>>)
          %dma_wait3A_1223 = arith.constant 0 : i32
          %dma_wait3A_1224 = tpu.memref_slice %arg4[%dma_wait3A_1223] : memref<51200xi32, #tpu.memory_space<hbm>> -> memref<64xi32, #tpu.memory_space<hbm>>
          %dma_wait3A_1225 = arith.constant 0 : i32
          %dma_wait3A_1226 = tpu.memref_slice %arg4[%dma_wait3A_1225] : memref<51200xi32, #tpu.memory_space<hbm>> -> memref<64xi32, #tpu.memory_space<hbm>>
          tpu.wait_dma2 semaphore(%arg37 : memref<!tpu.dma_semaphore, #tpu.memory_space<semaphore_mem>>) src(%dma_wait3A_1226 : memref<64xi32, #tpu.memory_space<hbm>>) dst(%arg12 : memref<64xi32, #tpu.memory_space<vmem>>)
          %dma_start3A_1227 = arith.constant 0 : i32
          %dma_start3A_1228 = arith.constant 0 : i32
          %dma_start3A_1229 = tpu.memref_slice %arg2[%dma_start3A_1227, %dma_start3A_1228] : memref<100000x128xf32, #tpu.memory_space<hbm>> -> memref<100000x128xf32, #tpu.memory_space<hbm>>
          tpu.enqueue_indirect_dma source(%dma_start3A_1229 : memref<100000x128xf32, #tpu.memory_space<hbm>>) target(%arg19 : memref<64x128xf32, #tpu.memory_space<vmem>>) offsets(%arg12 : memref<64xi32, #tpu.memory_space<vmem>>) semaphore(%arg32 : memref<!tpu.dma_semaphore, #tpu.memory_space<semaphore_mem>>)
        } else {
        }
        %dma_wait3A_1024 = arith.constant 0 : i32
        %dma_wait3A_1025 = arith.constant 0 : i32
        %dma_wait3A_1026 = tpu.memref_slice %arg17[%dma_wait3A_1024, %dma_wait3A_1025] : memref<640x128xf32, #tpu.memory_space<vmem>> -> memref<128x128xf32, #tpu.memory_space<vmem>>
        %dma_wait3A_1027 = arith.constant 0 : i32
        %dma_wait3A_1028 = arith.constant 0 : i32
        %dma_wait3A_1029 = tpu.memref_slice %arg3[%dma_wait3A_1027, %dma_wait3A_1028] : memref<100000x128xf32, #tpu.memory_space<hbm>> -> memref<128x128xf32, #tpu.memory_space<hbm>>
        %dma_wait3A_1030 = arith.constant 0 : i32
        %dma_wait3A_1031 = arith.constant 0 : i32
        %dma_wait3A_1032 = tpu.memref_slice %arg17[%dma_wait3A_1030, %dma_wait3A_1031] : memref<640x128xf32, #tpu.memory_space<vmem>> -> memref<128x128xf32, #tpu.memory_space<vmem>>
        %dma_wait3A_1033 = arith.constant 0 : i32
        %dma_wait3A_1034 = arith.constant 0 : i32
        %dma_wait3A_1035 = tpu.memref_slice %arg3[%dma_wait3A_1033, %dma_wait3A_1034] : memref<100000x128xf32, #tpu.memory_space<hbm>> -> memref<128x128xf32, #tpu.memory_space<hbm>>
        tpu.wait_dma2 semaphore(%arg22 : memref<!tpu.dma_semaphore, #tpu.memory_space<semaphore_mem>>) src(%dma_wait3A_1035 : memref<128x128xf32, #tpu.memory_space<hbm>>) dst(%dma_wait3A_1032 : memref<128x128xf32, #tpu.memory_space<vmem>>)
        %dma_start3A_1036 = arith.constant 0 : i32
        %dma_start3A_1037 = arith.constant 0 : i32
        %dma_start3A_1038 = arith.constant 0 : i32
        %dma_start3A_1039 = tpu.memref_slice %arg17[%dma_start3A_1037, %dma_start3A_1038] : memref<640x128xf32, #tpu.memory_space<vmem>> -> memref<128x128xf32, #tpu.memory_space<vmem>>
        %dma_start3A_1040 = arith.constant 0 : i32
        %dma_start3A_1041 = tpu.memref_slice %arg16[%dma_start3A_1036, %dma_start3A_1040] : memref<5x128xi32, #tpu.memory_space<vmem>> -> memref<1x128xi32, #tpu.memory_space<vmem>>
        %dma_start3A_1042 = tpu.memref_squeeze %dma_start3A_1041 : memref<1x128xi32, #tpu.memory_space<vmem>> -> memref<128xi32, #tpu.memory_space<vmem>>
        %dma_start3A_1043 = arith.constant 0 : i32
        %dma_start3A_1044 = arith.constant 0 : i32
        %dma_start3A_1045 = tpu.memref_slice %arg18[%dma_start3A_1043, %dma_start3A_1044] : memref<2048x128xf32, #tpu.memory_space<vmem_shared>> -> memref<2048x128xf32, #tpu.memory_space<vmem_shared>>
        tpu.enqueue_indirect_dma source(%dma_start3A_1039 : memref<128x128xf32, #tpu.memory_space<vmem>>) target(%dma_start3A_1045 : memref<2048x128xf32, #tpu.memory_space<vmem_shared>>) offsets(%dma_start3A_1042 : memref<128xi32, #tpu.memory_space<vmem>>) semaphore(%arg27 : memref<!tpu.dma_semaphore, #tpu.memory_space<semaphore_mem>>) {add = true}
        %dma_wait3A_1046 = arith.constant 256 : i32
        %dma_wait3A_1047 = arith.constant 0 : i32
        %dma_wait3A_1048 = tpu.memref_slice %arg17[%dma_wait3A_1046, %dma_wait3A_1047] : memref<640x128xf32, #tpu.memory_space<vmem>> -> memref<128x128xf32, #tpu.memory_space<vmem>>
        %dma_wait3A_1049 = arith.constant 0 : i32
        %dma_wait3A_1050 = arith.constant 0 : i32
        %dma_wait3A_1051 = tpu.memref_slice %arg3[%dma_wait3A_1049, %dma_wait3A_1050] : memref<100000x128xf32, #tpu.memory_space<hbm>> -> memref<128x128xf32, #tpu.memory_space<hbm>>
        %dma_wait3A_1052 = arith.constant 256 : i32
        %dma_wait3A_1053 = arith.constant 0 : i32
        %dma_wait3A_1054 = tpu.memref_slice %arg17[%dma_wait3A_1052, %dma_wait3A_1053] : memref<640x128xf32, #tpu.memory_space<vmem>> -> memref<128x128xf32, #tpu.memory_space<vmem>>
        %dma_wait3A_1055 = arith.constant 0 : i32
        %dma_wait3A_1056 = arith.constant 0 : i32
        %dma_wait3A_1057 = tpu.memref_slice %arg3[%dma_wait3A_1055, %dma_wait3A_1056] : memref<100000x128xf32, #tpu.memory_space<hbm>> -> memref<128x128xf32, #tpu.memory_space<hbm>>
        tpu.wait_dma2 semaphore(%arg24 : memref<!tpu.dma_semaphore, #tpu.memory_space<semaphore_mem>>) src(%dma_wait3A_1057 : memref<128x128xf32, #tpu.memory_space<hbm>>) dst(%dma_wait3A_1054 : memref<128x128xf32, #tpu.memory_space<vmem>>)
        %dma_start3A_1058 = arith.constant 2 : i32
        %dma_start3A_1059 = arith.constant 256 : i32
        %dma_start3A_1060 = arith.constant 0 : i32
        %dma_start3A_1061 = tpu.memref_slice %arg17[%dma_start3A_1059, %dma_start3A_1060] : memref<640x128xf32, #tpu.memory_space<vmem>> -> memref<128x128xf32, #tpu.memory_space<vmem>>
        %dma_start3A_1062 = arith.constant 0 : i32
        %dma_start3A_1063 = tpu.memref_slice %arg16[%dma_start3A_1058, %dma_start3A_1062] : memref<5x128xi32, #tpu.memory_space<vmem>> -> memref<1x128xi32, #tpu.memory_space<vmem>>
        %dma_start3A_1064 = tpu.memref_squeeze %dma_start3A_1063 : memref<1x128xi32, #tpu.memory_space<vmem>> -> memref<128xi32, #tpu.memory_space<vmem>>
        %dma_start3A_1065 = arith.constant 0 : i32
        %dma_start3A_1066 = arith.constant 0 : i32
        %dma_start3A_1067 = tpu.memref_slice %arg18[%dma_start3A_1065, %dma_start3A_1066] : memref<2048x128xf32, #tpu.memory_space<vmem_shared>> -> memref<2048x128xf32, #tpu.memory_space<vmem_shared>>
        tpu.enqueue_indirect_dma source(%dma_start3A_1061 : memref<128x128xf32, #tpu.memory_space<vmem>>) target(%dma_start3A_1067 : memref<2048x128xf32, #tpu.memory_space<vmem_shared>>) offsets(%dma_start3A_1064 : memref<128xi32, #tpu.memory_space<vmem>>) semaphore(%arg29 : memref<!tpu.dma_semaphore, #tpu.memory_space<semaphore_mem>>) {add = true}
        %dma_wait3A_1068 = arith.constant 512 : i32
        %dma_wait3A_1069 = arith.constant 0 : i32
        %dma_wait3A_1070 = tpu.memref_slice %arg17[%dma_wait3A_1068, %dma_wait3A_1069] : memref<640x128xf32, #tpu.memory_space<vmem>> -> memref<128x128xf32, #tpu.memory_space<vmem>>
        %dma_wait3A_1071 = arith.constant 0 : i32
        %dma_wait3A_1072 = arith.constant 0 : i32
        %dma_wait3A_1073 = tpu.memref_slice %arg3[%dma_wait3A_1071, %dma_wait3A_1072] : memref<100000x128xf32, #tpu.memory_space<hbm>> -> memref<128x128xf32, #tpu.memory_space<hbm>>
        %dma_wait3A_1074 = arith.constant 512 : i32
        %dma_wait3A_1075 = arith.constant 0 : i32
        %dma_wait3A_1076 = tpu.memref_slice %arg17[%dma_wait3A_1074, %dma_wait3A_1075] : memref<640x128xf32, #tpu.memory_space<vmem>> -> memref<128x128xf32, #tpu.memory_space<vmem>>
        %dma_wait3A_1077 = arith.constant 0 : i32
        %dma_wait3A_1078 = arith.constant 0 : i32
        %dma_wait3A_1079 = tpu.memref_slice %arg3[%dma_wait3A_1077, %dma_wait3A_1078] : memref<100000x128xf32, #tpu.memory_space<hbm>> -> memref<128x128xf32, #tpu.memory_space<hbm>>
        tpu.wait_dma2 semaphore(%arg26 : memref<!tpu.dma_semaphore, #tpu.memory_space<semaphore_mem>>) src(%dma_wait3A_1079 : memref<128x128xf32, #tpu.memory_space<hbm>>) dst(%dma_wait3A_1076 : memref<128x128xf32, #tpu.memory_space<vmem>>)
        %dma_start3A_1080 = arith.constant 4 : i32
        %dma_start3A_1081 = arith.constant 512 : i32
        %dma_start3A_1082 = arith.constant 0 : i32
        %dma_start3A_1083 = tpu.memref_slice %arg17[%dma_start3A_1081, %dma_start3A_1082] : memref<640x128xf32, #tpu.memory_space<vmem>> -> memref<128x128xf32, #tpu.memory_space<vmem>>
        %dma_start3A_1084 = arith.constant 0 : i32
        %dma_start3A_1085 = tpu.memref_slice %arg16[%dma_start3A_1080, %dma_start3A_1084] : memref<5x128xi32, #tpu.memory_space<vmem>> -> memref<1x128xi32, #tpu.memory_space<vmem>>
        %dma_start3A_1086 = tpu.memref_squeeze %dma_start3A_1085 : memref<1x128xi32, #tpu.memory_space<vmem>> -> memref<128xi32, #tpu.memory_space<vmem>>
        %dma_start3A_1087 = arith.constant 0 : i32
        %dma_start3A_1088 = arith.constant 0 : i32
        %dma_start3A_1089 = tpu.memref_slice %arg18[%dma_start3A_1087, %dma_start3A_1088] : memref<2048x128xf32, #tpu.memory_space<vmem_shared>> -> memref<2048x128xf32, #tpu.memory_space<vmem_shared>>
        tpu.enqueue_indirect_dma source(%dma_start3A_1083 : memref<128x128xf32, #tpu.memory_space<vmem>>) target(%dma_start3A_1089 : memref<2048x128xf32, #tpu.memory_space<vmem_shared>>) offsets(%dma_start3A_1086 : memref<128xi32, #tpu.memory_space<vmem>>) semaphore(%arg31 : memref<!tpu.dma_semaphore, #tpu.memory_space<semaphore_mem>>) {add = true}
        %dma_wait3A_1090 = arith.constant 0 : i32
        %dma_wait3A_1091 = arith.constant 0 : i32
        %dma_wait3A_1092 = tpu.memref_slice %arg17[%dma_wait3A_1090, %dma_wait3A_1091] : memref<640x128xf32, #tpu.memory_space<vmem>> -> memref<128x128xf32, #tpu.memory_space<vmem>>
        %dma_wait3A_1093 = arith.constant 0 : i32
        %dma_wait3A_1094 = arith.constant 0 : i32
        %dma_wait3A_1095 = tpu.memref_slice %arg3[%dma_wait3A_1093, %dma_wait3A_1094] : memref<100000x128xf32, #tpu.memory_space<hbm>> -> memref<128x128xf32, #tpu.memory_space<hbm>>
        %dma_wait3A_1096 = arith.constant 0 : i32
        %dma_wait3A_1097 = arith.constant 0 : i32
        %dma_wait3A_1098 = tpu.memref_slice %arg17[%dma_wait3A_1096, %dma_wait3A_1097] : memref<640x128xf32, #tpu.memory_space<vmem>> -> memref<128x128xf32, #tpu.memory_space<vmem>>
        %dma_wait3A_1099 = arith.constant 0 : i32
        %dma_wait3A_1100 = arith.constant 0 : i32
        %dma_wait3A_1101 = tpu.memref_slice %arg3[%dma_wait3A_1099, %dma_wait3A_1100] : memref<100000x128xf32, #tpu.memory_space<hbm>> -> memref<128x128xf32, #tpu.memory_space<hbm>>
        tpu.wait_dma2 semaphore(%arg27 : memref<!tpu.dma_semaphore, #tpu.memory_space<semaphore_mem>>) src(%dma_wait3A_1101 : memref<128x128xf32, #tpu.memory_space<hbm>>) dst(%dma_wait3A_1098 : memref<128x128xf32, #tpu.memory_space<vmem>>)
        %convert_element_type3A_1102 = arith.extui %lt3A_998 : i1 to i32
        %cond3A_1103 = arith.constant 0 : i32
        %cond3A_1104 = arith.cmpi ne, %convert_element_type3A_1102, %cond3A_1103 : i32
        scf.if %cond3A_1104 {
          %dma_start3A_1219 = arith.constant 0 : i32
          %dma_start3A_1220 = arith.constant 0 : i32
          %dma_start3A_1221 = tpu.memref_slice %arg17[%dma_start3A_1219, %dma_start3A_1220] : memref<640x128xf32, #tpu.memory_space<vmem>> -> memref<128x128xf32, #tpu.memory_space<vmem>>
          %dma_start3A_1222 = arith.constant 0 : i32
          %dma_start3A_1223 = tpu.memref_slice %arg10[%dma_start3A_1222] : memref<640xi32, #tpu.memory_space<vmem>> -> memref<128xi32, #tpu.memory_space<vmem>>
          %dma_start3A_1224 = arith.constant 0 : i32
          %dma_start3A_1225 = arith.constant 0 : i32
          %dma_start3A_1226 = tpu.memref_slice %arg3[%dma_start3A_1224, %dma_start3A_1225] : memref<100000x128xf32, #tpu.memory_space<hbm>> -> memref<100000x128xf32, #tpu.memory_space<hbm>>
          tpu.enqueue_indirect_dma source(%dma_start3A_1226 : memref<100000x128xf32, #tpu.memory_space<hbm>>) target(%dma_start3A_1221 : memref<128x128xf32, #tpu.memory_space<vmem>>) offsets(%dma_start3A_1223 : memref<128xi32, #tpu.memory_space<vmem>>) semaphore(%arg22 : memref<!tpu.dma_semaphore, #tpu.memory_space<semaphore_mem>>)
        } else {
        }
        %dma_wait3A_1105 = arith.constant 256 : i32
        %dma_wait3A_1106 = arith.constant 0 : i32
        %dma_wait3A_1107 = tpu.memref_slice %arg17[%dma_wait3A_1105, %dma_wait3A_1106] : memref<640x128xf32, #tpu.memory_space<vmem>> -> memref<128x128xf32, #tpu.memory_space<vmem>>
        %dma_wait3A_1108 = arith.constant 0 : i32
        %dma_wait3A_1109 = arith.constant 0 : i32
        %dma_wait3A_1110 = tpu.memref_slice %arg3[%dma_wait3A_1108, %dma_wait3A_1109] : memref<100000x128xf32, #tpu.memory_space<hbm>> -> memref<128x128xf32, #tpu.memory_space<hbm>>
        %dma_wait3A_1111 = arith.constant 256 : i32
        %dma_wait3A_1112 = arith.constant 0 : i32
        %dma_wait3A_1113 = tpu.memref_slice %arg17[%dma_wait3A_1111, %dma_wait3A_1112] : memref<640x128xf32, #tpu.memory_space<vmem>> -> memref<128x128xf32, #tpu.memory_space<vmem>>
        %dma_wait3A_1114 = arith.constant 0 : i32
        %dma_wait3A_1115 = arith.constant 0 : i32
        %dma_wait3A_1116 = tpu.memref_slice %arg3[%dma_wait3A_1114, %dma_wait3A_1115] : memref<100000x128xf32, #tpu.memory_space<hbm>> -> memref<128x128xf32, #tpu.memory_space<hbm>>
        tpu.wait_dma2 semaphore(%arg29 : memref<!tpu.dma_semaphore, #tpu.memory_space<semaphore_mem>>) src(%dma_wait3A_1116 : memref<128x128xf32, #tpu.memory_space<hbm>>) dst(%dma_wait3A_1113 : memref<128x128xf32, #tpu.memory_space<vmem>>)
        %convert_element_type3A_1117 = arith.extui %lt3A_998 : i1 to i32
        %cond3A_1118 = arith.constant 0 : i32
        %cond3A_1119 = arith.cmpi ne, %convert_element_type3A_1117, %cond3A_1118 : i32
        scf.if %cond3A_1119 {
          %dma_start3A_1219 = arith.constant 256 : i32
          %dma_start3A_1220 = arith.constant 0 : i32
          %dma_start3A_1221 = tpu.memref_slice %arg17[%dma_start3A_1219, %dma_start3A_1220] : memref<640x128xf32, #tpu.memory_space<vmem>> -> memref<128x128xf32, #tpu.memory_space<vmem>>
          %dma_start3A_1222 = arith.constant 256 : i32
          %dma_start3A_1223 = tpu.memref_slice %arg10[%dma_start3A_1222] : memref<640xi32, #tpu.memory_space<vmem>> -> memref<128xi32, #tpu.memory_space<vmem>>
          %dma_start3A_1224 = arith.constant 0 : i32
          %dma_start3A_1225 = arith.constant 0 : i32
          %dma_start3A_1226 = tpu.memref_slice %arg3[%dma_start3A_1224, %dma_start3A_1225] : memref<100000x128xf32, #tpu.memory_space<hbm>> -> memref<100000x128xf32, #tpu.memory_space<hbm>>
          tpu.enqueue_indirect_dma source(%dma_start3A_1226 : memref<100000x128xf32, #tpu.memory_space<hbm>>) target(%dma_start3A_1221 : memref<128x128xf32, #tpu.memory_space<vmem>>) offsets(%dma_start3A_1223 : memref<128xi32, #tpu.memory_space<vmem>>) semaphore(%arg24 : memref<!tpu.dma_semaphore, #tpu.memory_space<semaphore_mem>>)
        } else {
        }
        %dma_wait3A_1120 = arith.constant 512 : i32
        %dma_wait3A_1121 = arith.constant 0 : i32
        %dma_wait3A_1122 = tpu.memref_slice %arg17[%dma_wait3A_1120, %dma_wait3A_1121] : memref<640x128xf32, #tpu.memory_space<vmem>> -> memref<128x128xf32, #tpu.memory_space<vmem>>
        %dma_wait3A_1123 = arith.constant 0 : i32
        %dma_wait3A_1124 = arith.constant 0 : i32
        %dma_wait3A_1125 = tpu.memref_slice %arg3[%dma_wait3A_1123, %dma_wait3A_1124] : memref<100000x128xf32, #tpu.memory_space<hbm>> -> memref<128x128xf32, #tpu.memory_space<hbm>>
        %dma_wait3A_1126 = arith.constant 512 : i32
        %dma_wait3A_1127 = arith.constant 0 : i32
        %dma_wait3A_1128 = tpu.memref_slice %arg17[%dma_wait3A_1126, %dma_wait3A_1127] : memref<640x128xf32, #tpu.memory_space<vmem>> -> memref<128x128xf32, #tpu.memory_space<vmem>>
        %dma_wait3A_1129 = arith.constant 0 : i32
        %dma_wait3A_1130 = arith.constant 0 : i32
        %dma_wait3A_1131 = tpu.memref_slice %arg3[%dma_wait3A_1129, %dma_wait3A_1130] : memref<100000x128xf32, #tpu.memory_space<hbm>> -> memref<128x128xf32, #tpu.memory_space<hbm>>
        tpu.wait_dma2 semaphore(%arg31 : memref<!tpu.dma_semaphore, #tpu.memory_space<semaphore_mem>>) src(%dma_wait3A_1131 : memref<128x128xf32, #tpu.memory_space<hbm>>) dst(%dma_wait3A_1128 : memref<128x128xf32, #tpu.memory_space<vmem>>)
        %convert_element_type3A_1132 = arith.extui %lt3A_998 : i1 to i32
        %cond3A_1133 = arith.constant 0 : i32
        %cond3A_1134 = arith.cmpi ne, %convert_element_type3A_1132, %cond3A_1133 : i32
        scf.if %cond3A_1134 {
          %dma_start3A_1219 = arith.constant 512 : i32
          %dma_start3A_1220 = arith.constant 0 : i32
          %dma_start3A_1221 = tpu.memref_slice %arg17[%dma_start3A_1219, %dma_start3A_1220] : memref<640x128xf32, #tpu.memory_space<vmem>> -> memref<128x128xf32, #tpu.memory_space<vmem>>
          %dma_start3A_1222 = arith.constant 512 : i32
          %dma_start3A_1223 = tpu.memref_slice %arg10[%dma_start3A_1222] : memref<640xi32, #tpu.memory_space<vmem>> -> memref<128xi32, #tpu.memory_space<vmem>>
          %dma_start3A_1224 = arith.constant 0 : i32
          %dma_start3A_1225 = arith.constant 0 : i32
          %dma_start3A_1226 = tpu.memref_slice %arg3[%dma_start3A_1224, %dma_start3A_1225] : memref<100000x128xf32, #tpu.memory_space<hbm>> -> memref<100000x128xf32, #tpu.memory_space<hbm>>
          tpu.enqueue_indirect_dma source(%dma_start3A_1226 : memref<100000x128xf32, #tpu.memory_space<hbm>>) target(%dma_start3A_1221 : memref<128x128xf32, #tpu.memory_space<vmem>>) offsets(%dma_start3A_1223 : memref<128xi32, #tpu.memory_space<vmem>>) semaphore(%arg26 : memref<!tpu.dma_semaphore, #tpu.memory_space<semaphore_mem>>)
        } else {
        }
        %dma_wait3A_1135 = arith.constant 128 : i32
        %dma_wait3A_1136 = arith.constant 0 : i32
        %dma_wait3A_1137 = tpu.memref_slice %arg17[%dma_wait3A_1135, %dma_wait3A_1136] : memref<640x128xf32, #tpu.memory_space<vmem>> -> memref<128x128xf32, #tpu.memory_space<vmem>>
        %dma_wait3A_1138 = arith.constant 0 : i32
        %dma_wait3A_1139 = arith.constant 0 : i32
        %dma_wait3A_1140 = tpu.memref_slice %arg3[%dma_wait3A_1138, %dma_wait3A_1139] : memref<100000x128xf32, #tpu.memory_space<hbm>> -> memref<128x128xf32, #tpu.memory_space<hbm>>
        %dma_wait3A_1141 = arith.constant 128 : i32
        %dma_wait3A_1142 = arith.constant 0 : i32
        %dma_wait3A_1143 = tpu.memref_slice %arg17[%dma_wait3A_1141, %dma_wait3A_1142] : memref<640x128xf32, #tpu.memory_space<vmem>> -> memref<128x128xf32, #tpu.memory_space<vmem>>
        %dma_wait3A_1144 = arith.constant 0 : i32
        %dma_wait3A_1145 = arith.constant 0 : i32
        %dma_wait3A_1146 = tpu.memref_slice %arg3[%dma_wait3A_1144, %dma_wait3A_1145] : memref<100000x128xf32, #tpu.memory_space<hbm>> -> memref<128x128xf32, #tpu.memory_space<hbm>>
        tpu.wait_dma2 semaphore(%arg23 : memref<!tpu.dma_semaphore, #tpu.memory_space<semaphore_mem>>) src(%dma_wait3A_1146 : memref<128x128xf32, #tpu.memory_space<hbm>>) dst(%dma_wait3A_1143 : memref<128x128xf32, #tpu.memory_space<vmem>>)
        %dma_start3A_1147 = arith.constant 1 : i32
        %dma_start3A_1148 = arith.constant 128 : i32
        %dma_start3A_1149 = arith.constant 0 : i32
        %dma_start3A_1150 = tpu.memref_slice %arg17[%dma_start3A_1148, %dma_start3A_1149] : memref<640x128xf32, #tpu.memory_space<vmem>> -> memref<128x128xf32, #tpu.memory_space<vmem>>
        %dma_start3A_1151 = arith.constant 0 : i32
        %dma_start3A_1152 = tpu.memref_slice %arg16[%dma_start3A_1147, %dma_start3A_1151] : memref<5x128xi32, #tpu.memory_space<vmem>> -> memref<1x128xi32, #tpu.memory_space<vmem>>
        %dma_start3A_1153 = tpu.memref_squeeze %dma_start3A_1152 : memref<1x128xi32, #tpu.memory_space<vmem>> -> memref<128xi32, #tpu.memory_space<vmem>>
        %dma_start3A_1154 = arith.constant 0 : i32
        %dma_start3A_1155 = arith.constant 0 : i32
        %dma_start3A_1156 = tpu.memref_slice %arg18[%dma_start3A_1154, %dma_start3A_1155] : memref<2048x128xf32, #tpu.memory_space<vmem_shared>> -> memref<2048x128xf32, #tpu.memory_space<vmem_shared>>
        tpu.enqueue_indirect_dma source(%dma_start3A_1150 : memref<128x128xf32, #tpu.memory_space<vmem>>) target(%dma_start3A_1156 : memref<2048x128xf32, #tpu.memory_space<vmem_shared>>) offsets(%dma_start3A_1153 : memref<128xi32, #tpu.memory_space<vmem>>) semaphore(%arg28 : memref<!tpu.dma_semaphore, #tpu.memory_space<semaphore_mem>>) {add = true}
        %dma_wait3A_1157 = arith.constant 384 : i32
        %dma_wait3A_1158 = arith.constant 0 : i32
        %dma_wait3A_1159 = tpu.memref_slice %arg17[%dma_wait3A_1157, %dma_wait3A_1158] : memref<640x128xf32, #tpu.memory_space<vmem>> -> memref<128x128xf32, #tpu.memory_space<vmem>>
        %dma_wait3A_1160 = arith.constant 0 : i32
        %dma_wait3A_1161 = arith.constant 0 : i32
        %dma_wait3A_1162 = tpu.memref_slice %arg3[%dma_wait3A_1160, %dma_wait3A_1161] : memref<100000x128xf32, #tpu.memory_space<hbm>> -> memref<128x128xf32, #tpu.memory_space<hbm>>
        %dma_wait3A_1163 = arith.constant 384 : i32
        %dma_wait3A_1164 = arith.constant 0 : i32
        %dma_wait3A_1165 = tpu.memref_slice %arg17[%dma_wait3A_1163, %dma_wait3A_1164] : memref<640x128xf32, #tpu.memory_space<vmem>> -> memref<128x128xf32, #tpu.memory_space<vmem>>
        %dma_wait3A_1166 = arith.constant 0 : i32
        %dma_wait3A_1167 = arith.constant 0 : i32
        %dma_wait3A_1168 = tpu.memref_slice %arg3[%dma_wait3A_1166, %dma_wait3A_1167] : memref<100000x128xf32, #tpu.memory_space<hbm>> -> memref<128x128xf32, #tpu.memory_space<hbm>>
        tpu.wait_dma2 semaphore(%arg25 : memref<!tpu.dma_semaphore, #tpu.memory_space<semaphore_mem>>) src(%dma_wait3A_1168 : memref<128x128xf32, #tpu.memory_space<hbm>>) dst(%dma_wait3A_1165 : memref<128x128xf32, #tpu.memory_space<vmem>>)
        %dma_start3A_1169 = arith.constant 3 : i32
        %dma_start3A_1170 = arith.constant 384 : i32
        %dma_start3A_1171 = arith.constant 0 : i32
        %dma_start3A_1172 = tpu.memref_slice %arg17[%dma_start3A_1170, %dma_start3A_1171] : memref<640x128xf32, #tpu.memory_space<vmem>> -> memref<128x128xf32, #tpu.memory_space<vmem>>
        %dma_start3A_1173 = arith.constant 0 : i32
        %dma_start3A_1174 = tpu.memref_slice %arg16[%dma_start3A_1169, %dma_start3A_1173] : memref<5x128xi32, #tpu.memory_space<vmem>> -> memref<1x128xi32, #tpu.memory_space<vmem>>
        %dma_start3A_1175 = tpu.memref_squeeze %dma_start3A_1174 : memref<1x128xi32, #tpu.memory_space<vmem>> -> memref<128xi32, #tpu.memory_space<vmem>>
        %dma_start3A_1176 = arith.constant 0 : i32
        %dma_start3A_1177 = arith.constant 0 : i32
        %dma_start3A_1178 = tpu.memref_slice %arg18[%dma_start3A_1176, %dma_start3A_1177] : memref<2048x128xf32, #tpu.memory_space<vmem_shared>> -> memref<2048x128xf32, #tpu.memory_space<vmem_shared>>
        tpu.enqueue_indirect_dma source(%dma_start3A_1172 : memref<128x128xf32, #tpu.memory_space<vmem>>) target(%dma_start3A_1178 : memref<2048x128xf32, #tpu.memory_space<vmem_shared>>) offsets(%dma_start3A_1175 : memref<128xi32, #tpu.memory_space<vmem>>) semaphore(%arg30 : memref<!tpu.dma_semaphore, #tpu.memory_space<semaphore_mem>>) {add = true}
        %dma_wait3A_1179 = arith.constant 128 : i32
        %dma_wait3A_1180 = arith.constant 0 : i32
        %dma_wait3A_1181 = tpu.memref_slice %arg17[%dma_wait3A_1179, %dma_wait3A_1180] : memref<640x128xf32, #tpu.memory_space<vmem>> -> memref<128x128xf32, #tpu.memory_space<vmem>>
        %dma_wait3A_1182 = arith.constant 0 : i32
        %dma_wait3A_1183 = arith.constant 0 : i32
        %dma_wait3A_1184 = tpu.memref_slice %arg3[%dma_wait3A_1182, %dma_wait3A_1183] : memref<100000x128xf32, #tpu.memory_space<hbm>> -> memref<128x128xf32, #tpu.memory_space<hbm>>
        %dma_wait3A_1185 = arith.constant 128 : i32
        %dma_wait3A_1186 = arith.constant 0 : i32
        %dma_wait3A_1187 = tpu.memref_slice %arg17[%dma_wait3A_1185, %dma_wait3A_1186] : memref<640x128xf32, #tpu.memory_space<vmem>> -> memref<128x128xf32, #tpu.memory_space<vmem>>
        %dma_wait3A_1188 = arith.constant 0 : i32
        %dma_wait3A_1189 = arith.constant 0 : i32
        %dma_wait3A_1190 = tpu.memref_slice %arg3[%dma_wait3A_1188, %dma_wait3A_1189] : memref<100000x128xf32, #tpu.memory_space<hbm>> -> memref<128x128xf32, #tpu.memory_space<hbm>>
        tpu.wait_dma2 semaphore(%arg28 : memref<!tpu.dma_semaphore, #tpu.memory_space<semaphore_mem>>) src(%dma_wait3A_1190 : memref<128x128xf32, #tpu.memory_space<hbm>>) dst(%dma_wait3A_1187 : memref<128x128xf32, #tpu.memory_space<vmem>>)
        %convert_element_type3A_1191 = arith.extui %lt3A_998 : i1 to i32
        %cond3A_1192 = arith.constant 0 : i32
        %cond3A_1193 = arith.cmpi ne, %convert_element_type3A_1191, %cond3A_1192 : i32
        scf.if %cond3A_1193 {
          %dma_start3A_1219 = arith.constant 128 : i32
          %dma_start3A_1220 = arith.constant 0 : i32
          %dma_start3A_1221 = tpu.memref_slice %arg17[%dma_start3A_1219, %dma_start3A_1220] : memref<640x128xf32, #tpu.memory_space<vmem>> -> memref<128x128xf32, #tpu.memory_space<vmem>>
          %dma_start3A_1222 = arith.constant 128 : i32
          %dma_start3A_1223 = tpu.memref_slice %arg10[%dma_start3A_1222] : memref<640xi32, #tpu.memory_space<vmem>> -> memref<128xi32, #tpu.memory_space<vmem>>
          %dma_start3A_1224 = arith.constant 0 : i32
          %dma_start3A_1225 = arith.constant 0 : i32
          %dma_start3A_1226 = tpu.memref_slice %arg3[%dma_start3A_1224, %dma_start3A_1225] : memref<100000x128xf32, #tpu.memory_space<hbm>> -> memref<100000x128xf32, #tpu.memory_space<hbm>>
          tpu.enqueue_indirect_dma source(%dma_start3A_1226 : memref<100000x128xf32, #tpu.memory_space<hbm>>) target(%dma_start3A_1221 : memref<128x128xf32, #tpu.memory_space<vmem>>) offsets(%dma_start3A_1223 : memref<128xi32, #tpu.memory_space<vmem>>) semaphore(%arg23 : memref<!tpu.dma_semaphore, #tpu.memory_space<semaphore_mem>>)
        } else {
        }
        %dma_wait3A_1194 = arith.constant 384 : i32
        %dma_wait3A_1195 = arith.constant 0 : i32
        %dma_wait3A_1196 = tpu.memref_slice %arg17[%dma_wait3A_1194, %dma_wait3A_1195] : memref<640x128xf32, #tpu.memory_space<vmem>> -> memref<128x128xf32, #tpu.memory_space<vmem>>
        %dma_wait3A_1197 = arith.constant 0 : i32
        %dma_wait3A_1198 = arith.constant 0 : i32
        %dma_wait3A_1199 = tpu.memref_slice %arg3[%dma_wait3A_1197, %dma_wait3A_1198] : memref<100000x128xf32, #tpu.memory_space<hbm>> -> memref<128x128xf32, #tpu.memory_space<hbm>>
        %dma_wait3A_1200 = arith.constant 384 : i32
        %dma_wait3A_1201 = arith.constant 0 : i32
        %dma_wait3A_1202 = tpu.memref_slice %arg17[%dma_wait3A_1200, %dma_wait3A_1201] : memref<640x128xf32, #tpu.memory_space<vmem>> -> memref<128x128xf32, #tpu.memory_space<vmem>>
        %dma_wait3A_1203 = arith.constant 0 : i32
        %dma_wait3A_1204 = arith.constant 0 : i32
        %dma_wait3A_1205 = tpu.memref_slice %arg3[%dma_wait3A_1203, %dma_wait3A_1204] : memref<100000x128xf32, #tpu.memory_space<hbm>> -> memref<128x128xf32, #tpu.memory_space<hbm>>
        tpu.wait_dma2 semaphore(%arg30 : memref<!tpu.dma_semaphore, #tpu.memory_space<semaphore_mem>>) src(%dma_wait3A_1205 : memref<128x128xf32, #tpu.memory_space<hbm>>) dst(%dma_wait3A_1202 : memref<128x128xf32, #tpu.memory_space<vmem>>)
        %convert_element_type3A_1206 = arith.extui %lt3A_998 : i1 to i32
        %cond3A_1207 = arith.constant 0 : i32
        %cond3A_1208 = arith.cmpi ne, %convert_element_type3A_1206, %cond3A_1207 : i32
        scf.if %cond3A_1208 {
          %dma_start3A_1219 = arith.constant 384 : i32
          %dma_start3A_1220 = arith.constant 0 : i32
          %dma_start3A_1221 = tpu.memref_slice %arg17[%dma_start3A_1219, %dma_start3A_1220] : memref<640x128xf32, #tpu.memory_space<vmem>> -> memref<128x128xf32, #tpu.memory_space<vmem>>
          %dma_start3A_1222 = arith.constant 384 : i32
          %dma_start3A_1223 = tpu.memref_slice %arg10[%dma_start3A_1222] : memref<640xi32, #tpu.memory_space<vmem>> -> memref<128xi32, #tpu.memory_space<vmem>>
          %dma_start3A_1224 = arith.constant 0 : i32
          %dma_start3A_1225 = arith.constant 0 : i32
          %dma_start3A_1226 = tpu.memref_slice %arg3[%dma_start3A_1224, %dma_start3A_1225] : memref<100000x128xf32, #tpu.memory_space<hbm>> -> memref<100000x128xf32, #tpu.memory_space<hbm>>
          tpu.enqueue_indirect_dma source(%dma_start3A_1226 : memref<100000x128xf32, #tpu.memory_space<hbm>>) target(%dma_start3A_1221 : memref<128x128xf32, #tpu.memory_space<vmem>>) offsets(%dma_start3A_1223 : memref<128xi32, #tpu.memory_space<vmem>>) semaphore(%arg25 : memref<!tpu.dma_semaphore, #tpu.memory_space<semaphore_mem>>)
        } else {
        }
        %mul3A_1209 = arith.constant 2 : i32
        %mul3A_1210 = arith.muli %arg1, %mul3A_1209 : i32
        %add3A_1211 = arith.constant 1 : i32
        %add3A_1212 = arith.addi %mul3A_1210, %add3A_1211 : i32
        %mul3A_1213 = arith.constant 64 : i32
        %mul3A_1214 = arith.muli %add3A_1212, %mul3A_1213 : i32
        %dma_start3A_1215 = arith.constant 0 : i32
        %dma_start3A_1216 = tpu.memref_slice %arg9[%add3A_994, %dma_start3A_1215] : memref<51200x128xf32, #tpu.memory_space<hbm>> -> memref<64x128xf32, #tpu.memory_space<hbm>>
        %dma_start3A_1217 = arith.constant 0 : i32
        %dma_start3A_1218 = tpu.memref_slice %arg18[%mul3A_1214, %dma_start3A_1217] : memref<2048x128xf32, #tpu.memory_space<vmem_shared>> -> memref<64x128xf32, #tpu.memory_space<vmem_shared>>
        tpu.enqueue_dma source(%dma_start3A_1218 : memref<64x128xf32, #tpu.memory_space<vmem_shared>>) target(%dma_start3A_1216 : memref<64x128xf32, #tpu.memory_space<hbm>>) target_semaphore(%arg34 : memref<!tpu.dma_semaphore, #tpu.memory_space<semaphore_mem>>)
      } else {
      }
    }
    %scan3A_958 = arith.constant 13 : i32
    %mul3A_959 = arith.constant 2 : i32
    %mul3A_960 = arith.muli %arg1, %mul3A_959 : i32
    %add3A_961 = arith.constant 0 : i32
    %add3A_962 = arith.addi %mul3A_960, %add3A_961 : i32
    %mul3A_963 = arith.constant 64 : i32
    %mul3A_964 = arith.muli %add3A_962, %mul3A_963 : i32
    %dma_wait3A = arith.constant 0 : i32
    %dma_wait3A_965 = tpu.memref_slice %arg18[%mul3A_964, %dma_wait3A] : memref<2048x128xf32, #tpu.memory_space<vmem_shared>> -> memref<64x128xf32, #tpu.memory_space<vmem_shared>>
    tpu.wait_dma2 semaphore(%arg33 : memref<!tpu.dma_semaphore, #tpu.memory_space<semaphore_mem>>) src(%arg7 : memref<64x128xf32, #tpu.memory_space<hbm>>) dst(%dma_wait3A_965 : memref<64x128xf32, #tpu.memory_space<vmem_shared>>)
    %mul3A_966 = arith.constant 2 : i32
    %mul3A_967 = arith.muli %arg1, %mul3A_966 : i32
    %add3A_968 = arith.constant 1 : i32
    %add3A_969 = arith.addi %mul3A_967, %add3A_968 : i32
    %mul3A_970 = arith.constant 64 : i32
    %mul3A_971 = arith.muli %add3A_969, %mul3A_970 : i32
    %dma_wait3A_972 = arith.constant 0 : i32
    %dma_wait3A_973 = tpu.memref_slice %arg18[%mul3A_971, %dma_wait3A_972] : memref<2048x128xf32, #tpu.memory_space<vmem_shared>> -> memref<64x128xf32, #tpu.memory_space<vmem_shared>>
    tpu.wait_dma2 semaphore(%arg34 : memref<!tpu.dma_semaphore, #tpu.memory_space<semaphore_mem>>) src(%arg7 : memref<64x128xf32, #tpu.memory_space<hbm>>) dst(%dma_wait3A_973 : memref<64x128xf32, #tpu.memory_space<vmem_shared>>)
    tpu.wait_dma2 semaphore(%arg35 : memref<!tpu.dma_semaphore, #tpu.memory_space<semaphore_mem>>) src(%arg7 : memref<64x128xf32, #tpu.memory_space<hbm>>) dst(%arg19 : memref<64x128xf32, #tpu.memory_space<vmem>>)
    return
  }
}

module attributes {stable_mosaic.version = 14 : i64} {
  func.func @_tc_matmul(%arg0: i32, %arg1: memref<512x128xf32, #tpu.memory_space<vmem>>, %arg2: memref<512x128xf32, #tpu.memory_space<vmem>>, %arg3: memref<256x128xf32, #tpu.memory_space<vmem>>, %arg4: memref<512x128xf32, #tpu.memory_space<vmem>>) attributes {dimension_semantics = [#tpu.dimension_semantics<arbitrary>], iteration_bounds = array<i64: 100>, scalar_prefetch = 0 : i64, scratch_operands = 0 : i64, tpu.core_type = #tpu.core_type<tc>, window_params = [{transform_indices = @transform_0, window_bounds = array<i64: 512, 128>}, {transform_indices = @transform_1, window_bounds = array<i64: 512, 128>}, {pipeline_mode = #tpu.pipeline_mode<synchronous>, transform_indices = @transform_2, window_bounds = array<i64: 256, 128>}, {transform_indices = @transform_3, window_bounds = array<i64: 512, 128>}]} {
    %get3A = arith.constant 0 : index
    %get3A_0 = arith.constant 0 : index
    %get3A_1 = vector.load %arg1[%get3A, %get3A_0] : memref<512x128xf32, #tpu.memory_space<vmem>>, vector<512x128xf32>
    %get3A_2 = arith.constant 0 : index
    %get3A_3 = arith.constant 0 : index
    %get3A_4 = vector.load %arg2[%get3A_2, %get3A_3] : memref<512x128xf32, #tpu.memory_space<vmem>>, vector<512x128xf32>
    %concatenate3A = tpu.concatenate %get3A_1, %get3A_4 in 1 : vector<512x128xf32>, vector<512x128xf32> -> vector<512x256xf32>
    %get3A_5 = arith.constant 0 : index
    %get3A_6 = arith.constant 0 : index
    %get3A_7 = vector.load %arg3[%get3A_5, %get3A_6] : memref<256x128xf32, #tpu.memory_space<vmem>>, vector<256x128xf32>
    %dot_general3A = arith.constant dense<0.000000e+00> : vector<512x128xf32>
    %dot_general3A_8 = tpu.matmul %concatenate3A, %get3A_7, %dot_general3A {dimension_numbers = #tpu.dot_dimension_numbers<[1], [0], [0], [1], [0, 0, 1, 1], [], []>, transpose_lhs_hint = false} : vector<512x256xf32>, vector<256x128xf32>, vector<512x128xf32> -> vector<512x128xf32>
    %max3A = arith.constant 0.000000e+00 : f32
    %max3A_9 = vector.broadcast %max3A : f32 to vector<512x128xf32>
    %max3A_10 = arith.maximumf %dot_general3A_8, %max3A_9 : vector<512x128xf32>
    %swap3A = arith.constant 0 : index
    %swap3A_11 = arith.constant 0 : index
    %swap3A_12 = vector.load %arg4[%swap3A, %swap3A_11] : memref<512x128xf32, #tpu.memory_space<vmem>>, vector<512x128xf32>
    tpu.vector_store %arg4[%swap3A, %swap3A_11], %max3A_10 {strides = array<i32>} : memref<512x128xf32, #tpu.memory_space<vmem>>, vector<512x128xf32>,
    return
  }
  func.func @transform_0(%arg0: i32) -> (i32, i32) {
    %c0_i32 = arith.constant 0 : i32
    %c0_i32_0 = arith.constant 0 : i32
    return %arg0, %c0_i32 : i32, i32
  }
  func.func @transform_1(%arg0: i32) -> (i32, i32) {
    %c0_i32 = arith.constant 0 : i32
    %c0_i32_0 = arith.constant 0 : i32
    return %arg0, %c0_i32 : i32, i32
  }
  func.func @transform_2(%arg0: i32) -> (i32, i32) {
    %c0_i32 = arith.constant 0 : i32
    %c0_i32_0 = arith.constant 0 : i32
    %c0_i32_1 = arith.constant 0 : i32
    return %c0_i32, %c0_i32_0 : i32, i32
  }
  func.func @transform_3(%arg0: i32) -> (i32, i32) {
    %c0_i32 = arith.constant 0 : i32
    %c0_i32_0 = arith.constant 0 : i32
    return %arg0, %c0_i32 : i32, i32
  }
}

</mosaic_0001>

<sc_bundles>
// kernel: kernel.4.cloned.1.call-start
scs
__scs_entry_jumppad:
0x0: {  	(pc) =	sbr.rel $0x88, $3  }
0x1: {  	(tag) =	ssettag $0x0;
	lr =	simm.s32 $0x1  }
0x2: {  	[smem:$0x3F9C] =	sst lr;
	_ =	strace $0xD0000000  }
0x3: {  	_ = 	snop  }
0x4: {  	_ = 	snop  }
0x5: {  	_ = 	snop  }
0x6: {  	_ = 	snop  }
0x7: {  	_ = 	snop  }
__scs_overlays_trampoline_lowered:
0x8: {  	[smem:$0x3FAB] =	sst s0  }
0x9: {  	[smem:$0x3FAC] =	sst s1  }
0xa: {  	[smem:$0x3FAD] =	sst s2  }
0xb: {  	[smem:$0x3FAE] =	sst s3  }
0xc: {  	[smem:$0x3FAF] =	sst s4  }
0xd: {  	[smem:$0x3FB0] =	sst s5  }
0xe: {  	[smem:$0x3FB1] =	sst s6  }
0xf: {  	[smem:$0x3FB2] =	sst s7  }
0x10: {  	[smem:$0x3FB3] =	sst s8  }
0x11: {  	[smem:$0x3FB4] =	sst s9;
	s0 =	simm.s32 @!p0 $0x0  }
0x12: {  	s1 =	sld [smem:$0x3F9A];
	s0 =	simm.s32 @p0 $0x1  }
0x13: {  	[smem:$0x3FB5] =	sst s0;
	s0 =	simm.s32 @!p1 $0x0  }
0x14: {  	s2 =	sld [smem:$0x3F99];
	s0 =	simm.s32 @p1 $0x1  }
0x15: {  	[smem:$0x3FB6] =	sst s0;
	s0 =	simm.s32 @!p2 $0x0  }
0x16: {  	s3 =	sld [smem:$0x3FDB];
	s0 =	simm.s32 @p2 $0x1  }
0x17: {  	s4 =	simm.s32 $0x1BF5;
	[smem:$0x3FB8] =	sst s0  }
0x18: {  	s0 =	sld [smem:$0x3F9B];
	_ =	swait.ge [sflag:s4], $0x0  }
0x19: {  	s7 =	sld [smem:$0x3F9C]  }
0x1a: {  	s8 =	sadd.s32 $0xFFFFE003, lr  }
0x1b: {  	s9 =	sadd.s32 $0xFFFFFEF7, lr;
	s5 =	simm.s32 $0xFFFFFFFF;
	p2 =	slt.u32 s8, $0xFFFFF086  }
0x1c: {  	p1 =	slt.u32 s9, $0xF7A;
	s5 =	simm.s32 @!p2 $0x0  }
0x1d: {  	s5 =	simm.s32 @p1 $0x1;
	p0 =	seq.s32 s7, s2  }
0x1e: {  	s7 =	smul.u32 @!p0 $0xF7A, s2;
	p2 =	seq.s32 @!p0 s5, $0x0  }
0x1f: {  	s9 =	smul.u32 $0xF7A, s1;
	s8 =	simm.s32 @!p0 $0x1BF5;
	p2 =	por !p2, p0  }
0x20: {  	[sflag:s8] =	ssyncset.s32 @!p0 $0xFFFFF086;
	s6 =	sadd.s32 @!p0 s3, s7;
	s7 =	simm.s32 @!p0 $0x108  }
0x21: {  	s3 =	sadd.s32 s3, s9;
	s6 =	sadd.s32 @!p0 $0x88, s6;
	s7 =	simm.s32 @p2 $0x1082  }
0x22: {  	[simem:s7], [sflag:s8] =	dma.local @!p0 [hbm:s6], $0xF7A  }
0x23: {  	s9 =	sor.u32 $0xD0000000, s2;
	s6 =	simm.s32 $0x108;
	_ =	swait.ge @!p0 [sflag:s8], $0x0  }
0x24: {  	s3 =	sadd.s32 $0x88, s3;
	s6 =	simm.s32 @!p1 $0x1082;
	[sflag:s4] =	ssyncset.s32 $0xFFFFF086  }
0x25: {  	[simem:s6], [sflag:s4] =	dma.local [hbm:s3], $0xF7A  }
0x26: {  	[smem:$0x3F9C] =	sst s1;
	(tag) =	ssettag s2;
	_ =	strace s9  }
0x27: {  	s1 =	sld [smem:$0x3FAC]  }
0x28: {  	s2 =	sld [smem:$0x3FAD]  }
0x29: {  	s4 =	sld [smem:$0x3FAF]  }
0x2a: {  	p0 =	seq.s32 s5, $0x0;
	s5 =	sld [smem:$0x3FB0]  }
0x2b: {  	s6 =	sld [smem:$0x3FB1]  }
0x2c: {  	s7 =	sld [smem:$0x3FB2]  }
0x2d: {  	s3 =	simm.s32 $0x108;
	s8 =	sld [smem:$0x3FB3]  }
0x2e: {  	s3 =	simm.s32 @!p0 $0x1082;
	s9 =	sld [smem:$0x3FB4]  }
0x2f: {  	lr =	sadd.s32 s0, s3;
	s0 =	sld [smem:$0x3FAB]  }
0x30: {  	s3 =	sld [smem:$0x3FAE]  }
0x31: {  	[smem:$0x3FB7] =	sst s10  }
0x32: {  	s10 =	sld [smem:$0x3FB5];
	_ =	sdelay $0x3  }
0x33: {  	p0 =	seq.s32 s10, $0x1;
	s10 =	sld [smem:$0x3FB7];
	_ =	sdelay $0x3  }
0x34: {  	[smem:$0x3FB7] =	sst s10  }
0x35: {  	s10 =	sld [smem:$0x3FB6];
	_ =	sdelay $0x3  }
0x36: {  	p1 =	seq.s32 s10, $0x1;
	s10 =	sld [smem:$0x3FB7];
	_ =	sdelay $0x3  }
0x37: {  	[smem:$0x3FB7] =	sst s10  }
0x38: {  	s10 =	sld [smem:$0x3FB8]  }
0x39: {  	_ = 	snop;
	(pc) =	sbr.ind lr, $3  }
0x3a: {  	_ = 	snop  }
0x3b: {  	_ = 	snop  }
0x3c: {  	p2 =	seq.s32 s10, $0x1;
	s10 =	sld [smem:$0x3FB7]  }
0x3d: {  	_ =	shalt  }
0x3e: {  	_ =	shalt  }
0x3f: {  	_ =	shalt  }
0x40: {  	_ =	shalt  }
0x41: {  	_ =	shalt  }
0x42: {  	_ =	shalt  }
0x43: {  	_ =	shalt  }
0x44: {  	_ =	shalt  }
0x45: {  	_ =	shalt  }
0x46: {  	_ =	shalt  }
0x47: {  	_ =	shalt  }
0x48: {  	_ =	shalt  }
0x49: {  	_ =	shalt  }
0x4a: {  	_ =	shalt  }
0x4b: {  	_ =	shalt  }
0x4c: {  	_ =	shalt  }
0x4d: {  	_ =	shalt  }
0x4e: {  	_ =	shalt  }
0x4f: {  	_ =	shalt  }
0x50: {  	_ =	shalt  }
0x51: {  	_ =	shalt  }
0x52: {  	_ =	shalt  }
0x53: {  	_ =	shalt  }
0x54: {  	_ =	shalt  }
0x55: {  	_ =	shalt  }
0x56: {  	_ =	shalt  }
0x57: {  	_ =	shalt  }
0x58: {  	_ =	shalt  }
0x59: {  	_ =	shalt  }
0x5a: {  	_ =	shalt  }
0x5b: {  	_ =	shalt  }
0x5c: {  	_ =	shalt  }
0x5d: {  	_ =	shalt  }
0x5e: {  	_ =	shalt  }
0x5f: {  	_ =	shalt  }
0x60: {  	_ =	shalt  }
0x61: {  	_ =	shalt  }
0x62: {  	_ =	shalt  }
0x63: {  	_ =	shalt  }
0x64: {  	_ =	shalt  }
0x65: {  	_ =	shalt  }
0x66: {  	_ =	shalt  }
0x67: {  	_ =	shalt  }
0x68: {  	_ =	shalt  }
0x69: {  	_ =	shalt  }
0x6a: {  	_ =	shalt  }
0x6b: {  	_ =	shalt  }
0x6c: {  	_ =	shalt  }
0x6d: {  	_ =	shalt  }
0x6e: {  	_ =	shalt  }
0x6f: {  	_ =	shalt  }
0x70: {  	_ =	shalt  }
0x71: {  	_ =	shalt  }
0x72: {  	_ =	shalt  }
0x73: {  	_ =	shalt  }
0x74: {  	_ =	shalt  }
0x75: {  	_ =	shalt  }
0x76: {  	_ =	shalt  }
0x77: {  	_ =	shalt  }
0x78: {  	_ =	shalt  }
0x79: {  	_ =	shalt  }
0x7a: {  	_ =	shalt  }
0x7b: {  	_ =	shalt  }
0x7c: {  	_ =	shalt  }
0x7d: {  	_ =	shalt  }
0x7e: {  	_ =	shalt  }
0x7f: {  	_ =	shalt  }
0x80: {  	_ =	shalt  }
0x81: {  	_ =	shalt  }
0x82: {  	_ =	shalt  }
0x83: {  	_ =	shalt  }
0x84: {  	_ =	shalt  }
0x85: {  	_ =	shalt  }
0x86: {  	_ =	shalt  }
0x87: {  	_ =	shalt  }
.Lfunc_end0:
.L_simem_size_0:
called_computation_lowered:
.L_overlay_start_0:
0x88: {  	s2 =	sld [smem:$0x3FD9]  }
0x89: {  	s3 =	sld [smem:$0x3FFE];
	_ =	sdelay $0x1  }
0x8a: {  	s1 =	srdreg.scid  }
0x8b: {  	s0 =	sand.u32 $0x1, s1  }
0x8c: {  	s17 =	sshll.u32 s0, $0xA;
	s2 =	sadd.s32 s3, s2  }
0x8d: {  	s2 =	sadd.s32 s2, s17  }
0x8e: {  	[smem:$0x3FC3] =	sst s2  }
0x8f: {  	_ = 	snop  }
0x90: {  	s2 =	sld [smem:$0x3FC7]  }
0x91: {  	s18 =	sld [smem:$0x3FC6]  }
0x92: {  	s4 =	sld [smem:$0x3FD0];
	(tm) =	ssettm $0x1  }
0x93: {  	s5 =	sld [smem:$0x3FFB];
	_ =	sdelay $0x3  }
0x94: {  	_ =	strace s5  }
0x95: {  	s5 =	sld [smem:$0x3FFC];
	_ =	sdelay $0x3  }
0x96: {  	_ =	strace s5  }
0x97: {  	s5 =	sld [smem:$0x3FFD];
	_ =	sdelay $0x3  }
0x98: {  	_ =	strace s5  }
0x99: {  	_ =	strace $0x8FFFFFFF  }
0x9a: {  	s19 =	sld [smem:$0x3FDB];
	_ =	sdelay $0x1  }
0x9b: {  	s6 =	simm.s32 $_scs_section_size  }
0x9c: {  	s7 =	simm.s32 $_size__tile_overlayer_lowered;
	s8 =	simm.s32 $_tile_overlayer_lowered  }
0x9d: {  	s22 =	simm.s32 $0x1BFF;
	s21 =	sshll.u32 s8, $0x1;
	s5 =	sadd.s32 s6, s19  }
0x9e: {  	s9 =	simm.s32 $0x0;
	s20 =	sshll.u32 s7, $0x1;
	s7 =	sadd.s32 s21, s5  }
0x9f: {  	[timem:s9], [sflag:s22] =	dma.local [hbm:s7], s20  }
0xa0: {  	_ =	swait.ge [sflag:s22], s20  }
0xa1: {  	s6 =	ssub.s32 $0x0, s20;
	[sflag:s22] =	ssyncset.done $0x0  }
0xa2: {  	[sflag:s22] =	ssyncadd.s32 s6;
	_ =	sdelay $0x1  }
0xa3: {  	s23 =	simm.s32 $0x1B8B  }
0xa4: {  	_ =	swait.ge [sflag:s23], $0x1  }
0xa5: {  	[sflag:s23] =	ssyncset.done $0x0  }
0xa6: {  	s25 =	simm.s32 $0x1B8E;
	s24 =	sld [smem:$0x3FFE];
	[sflag:s23] =	ssyncadd.s32 $0xFFFFFFFF  }
0xa7: {  	s26 =	simm.s32 $execute0_lowered;
	[smem:$0x3FD2] =	sst s25  }
0xa8: {  	s7 =	sshll.u32 s26, $0x1;
	_ =	strace $0x80000046;
	[dreg:$0x1] =	wrdreg $0xFFFFFFFF  }
0xa9: {  	s28 =	simm.s32 $_size_execute0_lowered;
	s5 =	sadd.s32 s5, s7;
	[dreg:$0x0] =	wrdreg $0x0  }
0xaa: {  	s7 =	sshll.u32 s28, $0x1;
	[dreg:$0x2] =	wrdreg s5  }
0xab: {  	[dreg:$0x3] =	wrdreg s7  }
0xac: {  	[dreg:$0x4] =	wrdreg $0xC0  }
0xad: {  	_ =	task [dreg:s9], $0x5FFFF  }
0xae: {  	[dreg:$0x1] =	wrdreg $0xFFFFFFFF  }
0xaf: {  	[dreg:$0x0] =	wrdreg $0x60  }
0xb0: {  	[dreg:$0x2] =	wrdreg s2  }
0xb1: {  	[dreg:$0x3] =	wrdreg s18  }
0xb2: {  	[dreg:$0x4] =	wrdreg s24  }
0xb3: {  	[dreg:$0x5] =	wrdreg s4  }
0xb4: {  	[dreg:$0x6] =	wrdreg $0x152000  }
0xb5: {  	[dreg:$0x7] =	wrdreg $0x9  }
0xb6: {  	_ =	task.clear_ibuf [dreg:s9], $0x8FFFF;
	_ =	strace $0x90000046  }
0xb7: {  	s29 =	simm.s32 $0x9;
	_ =	strace $0x80000048  }
0xb8: {  	_ =	swait.ge [sflag:s29], $0x1  }
0xb9: {  	[sflag:s29] =	ssyncadd.s32 $0xFFFFFFFF  }
0xba: {  	_ =	strace $0x90000048  }
0xbb: {  	_ =	sfence  }
0xbc: {  	s30 =	sld [smem:$0x0];
	_ =	sdelay $0x2  }
0xbd: {  	s31 =	sshll.u32 s1, $0xD;
	s1 =	sshrl.u32 s1, $0x2  }
0xbe: {  	s3 =	sand.u32 $0x4000, s31;
	s1 =	sadd.s32 s1, s30  }
0xbf: {  	s0 =	sor.u32 s3, s0;
	s1 =	sshll.u32 s1, $0x11  }
0xc0: {  	s0 =	sor.u32 s1, s0  }
0xc1: {  	s0 =	sadd.s32 $0x8F2B, s0  }
0xc2: {  	[sflag:s0] =	ssyncadd.remote.s32 $0x1  }
0xc3: {  	_ =	sfence.sel $0xFFFF  }
0xc4: {  	[dreg:$0x0] =	wrdreg $0xFFFFFFFF;
	(pc) =	sbr.abs _section_cstart, $3  }
0xc5: {  	[dreg:$0x1] =	wrdreg $0xFFFFFFFF  }
0xc6: {  	_ =	task.clear_ibuf [dreg:s9], $0x2FFFF;
	_ =	strace $0x9FFFFFFF  }
0xc7: {  	(tm) =	ssettm $0x7FFFFFFF  }
tec
execute0_lowered:
.L_overlay_start_1:
0x0: {  	(tag) =	ssettag $0x1  }
0x1: {  	s2 =	rddreg [dreg:$0x1]  }
0x2: {  	s0 =	rddreg [dreg:$0x2]  }
0x3: {  	s5 =	rddreg [dreg:$0x3]  }
0x4: {  	s3 =	rddreg [dreg:$0x4];
	s4 =	simm.s32 $0x0  }
0x5: {  	s23 =	srdreg.scid;
	s15 =	stileid.u32;
	s28 =	simm.s32 $0x1200  }
0x6: {  	s29 =	simm.s32 $0x5200;
	s31 =	simm.s32 $0x9200;
	s30 =	simm.s32 $0x5  }
0x7: {  	[smem:$0x7FF] =	sst s4;
	s16 =	sadd.s32 $0x1000, s0;
	s1 =	sadd.s32 $0x2A00, s0  }
0x8: {  	s22 =	sadd.s32 $0x2C00, s0;
	s6 =	sadd.s32 $0x3000, s0;
	s7 =	sand.u32 $0x1, s23  }
0x9: {  	s8 =	sshll.u32 s15, $0x1;
	s9 =	smul.u32 $0xC80, s15;
	s13 =	sadd.s32 $0xCB000, s0  }
0xa: {  	s26 =	smul.u32 $0x64000, s15;
	_ =	strace $0x80000047;
	[dreg:$0x7] =	wrdreg s1  }
0xb: {  	s0 =	sshll.u32 s15, $0x7;
	[dreg:$0x8] =	wrdreg s22;
	s11 =	smul.u32 $0x640, s7  }
0xc: {  	s1 =	ssub.s32 $0x2, s7;
	s8 =	sor.u32 s7, s8;
	s7 =	smul.u32 $0x32000, s7  }
0xd: {  	[dreg:$0x6] =	wrdreg s16;
	s10 =	sshrl.u32 s1, $0x1;
	s12 =	smul.u32 $0x640, s8  }
0xe: {  	s8 =	smul.u32 $0x7D0, s8;
	s10 =	ssub.s32 s1, s10;
	s9 =	sadd.s32 s11, s9  }
0xf: {  	s1 =	sor.u32 $0x40, s0;
	s7 =	sadd.s32 s7, s26;
	s24 =	sshrl.u32 s12, $0x3  }
0x10: {  	s14 =	smul.u32 $0x5, s9;
	s8 =	sadd.s32 s5, s8;
	s12 =	sshll.u32 s15, $0xE  }
0x11: {  	s15 =	sshll.u32 s1, $0x7;
	s10 =	smax.u32 s10, $0x1;
	s19 =	sadd.s32 $0x80, s9  }
0x12: {  	s21 =	sshrl.u32 s7, $0x3;
	s7 =	sadd.s32 $0x2000, s7;
	[dreg:$0x9] =	wrdreg s8  }
0x13: {  	s23 =	sadd.s32 $0x40, s9;
	s25 =	sadd.s32 s16, s24;
	[dreg:$0xb] =	wrdreg s10  }
0x14: {  	s11 =	sadd.s32 s12, s3;
	s12 =	sadd.s32 s15, s3;
	[dreg:$0xc] =	wrdreg s19  }
0x15: {  	s22 =	sadd.s32 s21, s13;
	s8 =	sadd.s32 s21, s6;
	[dreg:$0xa] =	wrdreg s25  }
0x16: {  	s7 =	sshrl.u32 s7, $0x3;
	s19 =	simm.s32 $0x7;
	[dreg:$0x14] =	wrdreg s12  }
0x17: {  	s21 =	simm.s32 $0x10;
	s17 =	sadd.s32 $0x280, s14;
	[dreg:$0xe] =	wrdreg s22  }
0x18: {  	[dreg:$0xf] =	wrdreg s8;
	s24 =	sadd.s32 $0x140, s14;
	s25 =	sadd.s32 s7, s13  }
0x19: {  	s8 =	sshrl.u32 s23, $0x3;
	s6 =	sadd.s32 s7, s6;
	s23 =	simm.s32 $0x11  }
0x1a: {  	s22 =	simm.s32 $0xD200;
	s13 =	simm.s32 $0xB;
	s14 =	simm.s32 $0x1  }
0x1b: {  	s7 =	simm.s32 $0x6;
	s18 =	sshrl.u32 s17, $0x2;
	[dreg:$0x10] =	wrdreg s25  }
.Ltmp0:
0x1c: {  	s9 =	sshrl.u32 s24, $0x2;
	[dreg:$0x11] =	wrdreg s6;
	(pc) =	sbr.rel .LBB2_1-.Ltmp0, $4  }
0x1d: {  	s26 =	sadd.s32 s8, s16;
	s8 =	simm.s32 $0x11200;
	s6 =	simm.s32 $0x4  }
0x1e: {  	s20 =	sadd.s32 s18, s5;
	[dreg:$0x12] =	wrdreg s26;
	s5 =	sadd.s32 s9, s5  }
0x1f: {  	s26 =	simm.s32 $0x80;
	s9 =	simm.s32 $0x2;
	[dreg:$0xd] =	wrdreg s20  }
0x20: {  	v0 =	vmov s0;
	v1 =	vmov s1;
	[dreg:$0x13] =	wrdreg s5;
	s20 =	simm.s32 $0x3;
	s5 =	simm.s32 $0x0  }
.LBB2_5:
0x21: {  	s0 =	simm.s32 $0xC  }
0x22: {  	_ =	swait.ge [sflag:s0], $0x400  }
0x23: {  	[sflag:s0] =	ssyncset.done $0x0  }
0x24: {  	s24 =	simm.s32 $0xD;
	[sflag:s0] =	ssyncadd.s32 $0xFFFFFC00  }
0x25: {  	_ =	swait.ge [sflag:s24], $0x400  }
0x26: {  	[sflag:s24] =	ssyncset.done $0x0  }
0x27: {  	s1 =	simm.s32 $0xE;
	[sflag:s24] =	ssyncadd.s32 $0xFFFFFC00  }
0x28: {  	_ =	swait.ge [sflag:s1], $0x2000  }
0x29: {  	s5 =	rddreg [dreg:$0x15]  }
0x2a: {  	s25 =	rddreg [dreg:$0xb];
	s5 =	sadd.s32 $0x1, s5  }
0x2b: {  	p0 =	sne.s32 s5, s25  }
.Ltmp1:
0x2c: {  	_ = 	snop;
	(pc) =	sbr.rel @!p0 .LBB2_6-.Ltmp1, $3  }
0x2d: {  	_ =	sdelay $0x1  }
0x2e: {  	[sflag:s1] =	ssyncset.done $0x0  }
0x2f: {  	[sflag:s1] =	ssyncadd.s32 $0xFFFFE000  }
.LBB2_1:
0x30: {  	[dreg:$0x15] =	wrdreg s5  }
0x31: {  	s0 =	rddreg [dreg:$0x7];
	s1 =	simm.s32 $0x600  }
0x32: {  	[tilespmem:s1], [sflag:$0x11] =	stream.linear.gather [hbm4b:s0+s4], $0x280, $0x38;
	[tilespmem:$0x1F200] =	vst v63  }
0x33: {  	_ =	swait.ge [sflag:s23], $0x280  }
0x34: {  	[sflag:s23] =	ssyncset.done $0x0  }
0x35: {  	s1 =	simm.s32 $0x1D200;
	s5 =	rddreg [dreg:$0x8];
	[sflag:s23] =	ssyncadd.s32 $0xFFFFFD80  }
0x36: {  	[tilespmem:s1], [sflag:$0x11] =	stream.linear.gather [hbm4b:s5+s4], $0x2000, $0x38;
	[tilespmem:$0x1F200] =	vst v63  }
0x37: {  	_ =	swait.ge [sflag:s23], $0x2000  }
0x38: {  	[sflag:s23] =	ssyncset.done $0x0  }
0x39: {  	[sflag:s23] =	ssyncadd.s32 $0xFFFFE000  }
0x3a: {  	v2 =	vld [tilespmem:$0x600]  }
0x3b: {  	v3 =	vld [tilespmem:$0x610]  }
0x3c: {  	v4 =	vld [tilespmem:$0x620]  }
0x3d: {  	v5 =	vld [tilespmem:$0x630]  }
0x3e: {  	v6 =	vld [tilespmem:$0x640]  }
0x3f: {  	v7 =	vld [tilespmem:$0x650];
	v2 =	vadd.s32 v0, v2  }
0x40: {  	[tilespmem:$0xA00] =	vst v2;
	v2 =	vadd.s32 v0, v3;
	v3 =	vld [tilespmem:$0x660]  }
0x41: {  	v60 =	vld [tilespmem:$0x670];
	[tilespmem:$0xA10] =	vst v2;
	v2 =	vadd.s32 v0, v4  }
0x42: {  	v61 =	vld [tilespmem:$0x680];
	[tilespmem:$0xA20] =	vst v2;
	v2 =	vadd.s32 v0, v5  }
0x43: {  	v62 =	vld [tilespmem:$0x690];
	[tilespmem:$0xA30] =	vst v2;
	v2 =	vadd.s32 v0, v6  }
0x44: {  	v63 =	vld [tilespmem:$0x6A0];
	[tilespmem:$0xA40] =	vst v2;
	v2 =	vadd.s32 v0, v7  }
0x45: {  	[tilespmem:$0xA50] =	vst v2;
	v2 =	vadd.s32 v0, v3;
	v3 =	vld [tilespmem:$0x6B0]  }
0x46: {  	v9 =	vld [tilespmem:$0x6C0];
	[tilespmem:$0xA60] =	vst v2;
	v2 =	vadd.s32 v0, v60  }
0x47: {  	v10 =	vld [tilespmem:$0x6D0];
	[tilespmem:$0xA70] =	vst v2;
	v2 =	vadd.s32 v0, v61  }
0x48: {  	v11 =	vld [tilespmem:$0x6E0];
	[tilespmem:$0xA80] =	vst v2;
	v2 =	vadd.s32 v0, v62  }
0x49: {  	v12 =	vld [tilespmem:$0x6F0];
	[tilespmem:$0xA90] =	vst v2;
	v2 =	vadd.s32 v0, v63  }
0x4a: {  	[tilespmem:$0xAA0] =	vst v2;
	v2 =	vadd.s32 v0, v3;
	v3 =	vld [tilespmem:$0x700]  }
0x4b: {  	v13 =	vld [tilespmem:$0x710];
	[tilespmem:$0xAB0] =	vst v2;
	v2 =	vadd.s32 v0, v9  }
0x4c: {  	v14 =	vld [tilespmem:$0x720];
	[tilespmem:$0xAC0] =	vst v2;
	v2 =	vadd.s32 v0, v10  }
0x4d: {  	v15 =	vld [tilespmem:$0x730];
	[tilespmem:$0xAD0] =	vst v2;
	v2 =	vadd.s32 v0, v11  }
0x4e: {  	v16 =	vld [tilespmem:$0x740];
	[tilespmem:$0xAE0] =	vst v2;
	v2 =	vadd.s32 v0, v12  }
0x4f: {  	[tilespmem:$0xAF0] =	vst v2;
	v2 =	vadd.s32 v0, v3;
	v3 =	vld [tilespmem:$0x750]  }
0x50: {  	v17 =	vld [tilespmem:$0x760];
	[tilespmem:$0xB00] =	vst v2;
	v2 =	vadd.s32 v0, v13  }
0x51: {  	v18 =	vld [tilespmem:$0x770];
	[tilespmem:$0xB10] =	vst v2;
	v2 =	vadd.s32 v0, v14  }
0x52: {  	v19 =	vld [tilespmem:$0x780];
	[tilespmem:$0xB20] =	vst v2;
	v2 =	vadd.s32 v0, v15  }
0x53: {  	v20 =	vld [tilespmem:$0x790];
	[tilespmem:$0xB30] =	vst v2;
	v2 =	vadd.s32 v0, v16  }
0x54: {  	[tilespmem:$0xB40] =	vst v2;
	v2 =	vadd.s32 v0, v3;
	v3 =	vld [tilespmem:$0x7A0]  }
0x55: {  	v21 =	vld [tilespmem:$0x7B0];
	[tilespmem:$0xB50] =	vst v2;
	v2 =	vadd.s32 v0, v17  }
0x56: {  	v22 =	vld [tilespmem:$0x7C0];
	[tilespmem:$0xB60] =	vst v2;
	v2 =	vadd.s32 v0, v18  }
0x57: {  	v23 =	vld [tilespmem:$0x7D0];
	[tilespmem:$0xB70] =	vst v2;
	v2 =	vadd.s32 v0, v19  }
0x58: {  	v24 =	vld [tilespmem:$0x7E0];
	[tilespmem:$0xB80] =	vst v2;
	v2 =	vadd.s32 v0, v20  }
0x59: {  	[tilespmem:$0xB90] =	vst v2;
	v2 =	vadd.s32 v0, v3;
	v3 =	vld [tilespmem:$0x7F0]  }
0x5a: {  	v25 =	vld [tilespmem:$0x800];
	[tilespmem:$0xBA0] =	vst v2;
	v2 =	vadd.s32 v0, v21  }
0x5b: {  	v26 =	vld [tilespmem:$0x810];
	[tilespmem:$0xBB0] =	vst v2;
	v2 =	vadd.s32 v0, v22  }
0x5c: {  	v27 =	vld [tilespmem:$0x820];
	[tilespmem:$0xBC0] =	vst v2;
	v2 =	vadd.s32 v0, v23  }
0x5d: {  	v28 =	vld [tilespmem:$0x830];
	[tilespmem:$0xBD0] =	vst v2;
	v2 =	vadd.s32 v0, v24  }
0x5e: {  	[tilespmem:$0xBE0] =	vst v2;
	v2 =	vadd.s32 v0, v3;
	v3 =	vld [tilespmem:$0x840]  }
0x5f: {  	v29 =	vld [tilespmem:$0x850];
	[tilespmem:$0xBF0] =	vst v2;
	v2 =	vadd.s32 v0, v25  }
0x60: {  	v30 =	vld [tilespmem:$0x860];
	[tilespmem:$0xC00] =	vst v2;
	v2 =	vadd.s32 v0, v26  }
0x61: {  	v31 =	vld [tilespmem:$0x870];
	[tilespmem:$0xC10] =	vst v2;
	v2 =	vadd.s32 v0, v27  }
0x62: {  	v32 =	vld [tilespmem:$0x600];
	[tilespmem:$0xC20] =	vst v2;
	v2 =	vadd.s32 v0, v28  }
0x63: {  	[tilespmem:$0xC30] =	vst v2;
	v2 =	vadd.s32 v0, v3;
	v3 =	vld [tilespmem:$0x610]  }
0x64: {  	v33 =	vld [tilespmem:$0x620];
	[tilespmem:$0xC40] =	vst v2;
	v2 =	vadd.s32 v0, v29  }
0x65: {  	v34 =	vld [tilespmem:$0x630];
	[tilespmem:$0xC50] =	vst v2;
	v2 =	vadd.s32 v0, v30  }
0x66: {  	v35 =	vld [tilespmem:$0x640];
	[tilespmem:$0xC60] =	vst v2;
	v2 =	vadd.s32 v0, v31  }
0x67: {  	v36 =	vld [tilespmem:$0x650];
	[tilespmem:$0xC70] =	vst v2;
	v2 =	vadd.s32 v1, v32  }
0x68: {  	[tilespmem:$0xE00] =	vst v2;
	v2 =	vadd.s32 v1, v3;
	v3 =	vld [tilespmem:$0x660]  }
0x69: {  	v37 =	vld [tilespmem:$0x670];
	[tilespmem:$0xE10] =	vst v2;
	v2 =	vadd.s32 v1, v33  }
0x6a: {  	v38 =	vld [tilespmem:$0x680];
	[tilespmem:$0xE20] =	vst v2;
	v2 =	vadd.s32 v1, v34  }
0x6b: {  	v39 =	vld [tilespmem:$0x690];
	[tilespmem:$0xE30] =	vst v2;
	v2 =	vadd.s32 v1, v35  }
0x6c: {  	v40 =	vld [tilespmem:$0x6A0];
	[tilespmem:$0xE40] =	vst v2;
	v2 =	vadd.s32 v1, v36  }
0x6d: {  	[tilespmem:$0xE50] =	vst v2;
	v2 =	vadd.s32 v1, v3;
	v3 =	vld [tilespmem:$0x6B0]  }
0x6e: {  	v41 =	vld [tilespmem:$0x6C0];
	[tilespmem:$0xE60] =	vst v2;
	v2 =	vadd.s32 v1, v37  }
0x6f: {  	v42 =	vld [tilespmem:$0x6D0];
	[tilespmem:$0xE70] =	vst v2;
	v2 =	vadd.s32 v1, v38  }
0x70: {  	v43 =	vld [tilespmem:$0x6E0];
	[tilespmem:$0xE80] =	vst v2;
	v2 =	vadd.s32 v1, v39  }
0x71: {  	v44 =	vld [tilespmem:$0x6F0];
	[tilespmem:$0xE90] =	vst v2;
	v2 =	vadd.s32 v1, v40  }
0x72: {  	[tilespmem:$0xEA0] =	vst v2;
	v2 =	vadd.s32 v1, v3;
	v3 =	vld [tilespmem:$0x700]  }
0x73: {  	v45 =	vld [tilespmem:$0x710];
	[tilespmem:$0xEB0] =	vst v2;
	v2 =	vadd.s32 v1, v41  }
0x74: {  	v46 =	vld [tilespmem:$0x720];
	[tilespmem:$0xEC0] =	vst v2;
	v2 =	vadd.s32 v1, v42  }
0x75: {  	v47 =	vld [tilespmem:$0x730];
	[tilespmem:$0xED0] =	vst v2;
	v2 =	vadd.s32 v1, v43  }
0x76: {  	v48 =	vld [tilespmem:$0x740];
	[tilespmem:$0xEE0] =	vst v2;
	v2 =	vadd.s32 v1, v44  }
0x77: {  	[tilespmem:$0xEF0] =	vst v2;
	v2 =	vadd.s32 v1, v3;
	v3 =	vld [tilespmem:$0x750]  }
0x78: {  	v49 =	vld [tilespmem:$0x760];
	[tilespmem:$0xF00] =	vst v2;
	v2 =	vadd.s32 v1, v45  }
0x79: {  	v50 =	vld [tilespmem:$0x770];
	[tilespmem:$0xF10] =	vst v2;
	v2 =	vadd.s32 v1, v46  }
0x7a: {  	v51 =	vld [tilespmem:$0x780];
	[tilespmem:$0xF20] =	vst v2;
	v2 =	vadd.s32 v1, v47  }
0x7b: {  	v52 =	vld [tilespmem:$0x790];
	[tilespmem:$0xF30] =	vst v2;
	v2 =	vadd.s32 v1, v48  }
0x7c: {  	[tilespmem:$0xF40] =	vst v2;
	v2 =	vadd.s32 v1, v3;
	v3 =	vld [tilespmem:$0x7A0]  }
0x7d: {  	v53 =	vld [tilespmem:$0x7B0];
	[tilespmem:$0xF50] =	vst v2;
	v2 =	vadd.s32 v1, v49  }
0x7e: {  	v54 =	vld [tilespmem:$0x7C0];
	[tilespmem:$0xF60] =	vst v2;
	v2 =	vadd.s32 v1, v50  }
0x7f: {  	v55 =	vld [tilespmem:$0x7D0];
	[tilespmem:$0xF70] =	vst v2;
	v2 =	vadd.s32 v1, v51  }
0x80: {  	v56 =	vld [tilespmem:$0x7E0];
	[tilespmem:$0xF80] =	vst v2;
	v2 =	vadd.s32 v1, v52  }
0x81: {  	[tilespmem:$0xF90] =	vst v2;
	v2 =	vadd.s32 v1, v3;
	v3 =	vld [tilespmem:$0x7F0]  }
0x82: {  	v57 =	vld [tilespmem:$0x800];
	[tilespmem:$0xFA0] =	vst v2;
	v2 =	vadd.s32 v1, v53  }
0x83: {  	v58 =	vld [tilespmem:$0x810];
	[tilespmem:$0xFB0] =	vst v2;
	v2 =	vadd.s32 v1, v54  }
0x84: {  	v59 =	vld [tilespmem:$0x820];
	[tilespmem:$0xFC0] =	vst v2;
	v2 =	vadd.s32 v1, v55  }
0x85: {  	v60 =	vld [tilespmem:$0x830];
	[tilespmem:$0xFD0] =	vst v2;
	v2 =	vadd.s32 v1, v56  }
0x86: {  	[tilespmem:$0xFE0] =	vst v2;
	v2 =	vadd.s32 v1, v3;
	v3 =	vld [tilespmem:$0x840]  }
0x87: {  	v61 =	vld [tilespmem:$0x850];
	[tilespmem:$0xFF0] =	vst v2;
	v2 =	vadd.s32 v1, v57  }
0x88: {  	v62 =	vld [tilespmem:$0x860];
	[tilespmem:$0x1000] =	vst v2;
	v2 =	vadd.s32 v1, v58  }
0x89: {  	v63 =	vld [tilespmem:$0x870];
	[tilespmem:$0x1010] =	vst v2;
	v2 =	vadd.s32 v1, v59  }
0x8a: {  	[tilespmem:$0x1020] =	vst v2;
	v2 =	vadd.s32 v1, v60  }
0x8b: {  	[tilespmem:$0x1030] =	vst v2;
	v2 =	vadd.s32 v1, v3  }
0x8c: {  	[tilespmem:$0x1040] =	vst v2;
	v2 =	vadd.s32 v1, v61  }
0x8d: {  	[tilespmem:$0x1050] =	vst v2;
	v2 =	vadd.s32 v1, v62  }
0x8e: {  	[tilespmem:$0x1060] =	vst v2;
	v2 =	vadd.s32 v1, v63  }
0x8f: {  	s10 =	rddreg [dreg:$0x9];
	[tilespmem:$0x1070] =	vst v2  }
0x90: {  	[tilespmem:s4], [sflag:$0x11] =	stream.linear.gather [hbm4b:s10+s4], $0x280, $0x38;
	[tilespmem:$0x1F200] =	vst v63  }
0x91: {  	_ =	swait.ge [sflag:s23], $0x280  }
0x92: {  	[sflag:s23] =	ssyncset.done $0x0  }
0x93: {  	s15 =	simm.s32 $0x500;
	s12 =	rddreg [dreg:$0xa];
	[sflag:s23] =	ssyncadd.s32 $0xFFFFFD80  }
0x94: {  	[tilespmem:s15], [sflag:$0x11] =	stream.linear.gather [hbm4b:s12+s4], $0x40, $0x38;
	[tilespmem:$0x1F200] =	vst v63  }
0x95: {  	_ =	swait.ge [sflag:s23], $0x40  }
0x96: {  	[sflag:s23] =	ssyncset.done $0x0  }
0x97: {  	[sflag:s23] =	ssyncadd.s32 $0xFFFFFFC0  }
0x98: {  	[tilespmem:s28], [sflag:$0x1] =	stream.indirect.gather [hbm4b:s2+s26], $0x80, s4, s26, $0xb8;
	[tilespmem:$0x1F200] =	vst v63  }
0x99: {  	_ = 	snop  }
0x9a: {  	[tilespmem:s29], [sflag:$0x2] =	stream.indirect.gather [hbm4b:s2+s26], $0x80, s26, s26, $0xb8;
	[tilespmem:$0x1F200] =	vst v63  }
0x9b: {  	s16 =	simm.s32 $0x100  }
0x9c: {  	[tilespmem:s31], [sflag:$0x3] =	stream.indirect.gather [hbm4b:s2+s26], $0x80, s16, s26, $0xb8;
	[tilespmem:$0x1F200] =	vst v63  }
0x9d: {  	s17 =	simm.s32 $0x180  }
0x9e: {  	[tilespmem:s22], [sflag:$0x4] =	stream.indirect.gather [hbm4b:s2+s26], $0x80, s17, s26, $0xb8;
	[tilespmem:$0x1F200] =	vst v63  }
0x9f: {  	s18 =	simm.s32 $0x200  }
0xa0: {  	[tilespmem:s8], [sflag:$0x5] =	stream.indirect.gather [hbm4b:s2+s26], $0x80, s18, s26, $0xb8;
	[tilespmem:$0x1F200] =	vst v63  }
0xa1: {  	s10 =	simm.s32 $0x40;
	s12 =	simm.s32 $0x19200;
	s24 =	rddreg [dreg:$0x0]  }
0xa2: {  	[tilespmem:s12], [sflag:$0xB] =	stream.indirect.gather [hbm4b:s24+s10], $0x80, s15, s10, $0xb8;
	[tilespmem:$0x1F200] =	vst v63  }
0xa3: {  	_ = 	snop  }
0xa4: {  	[spmem:s11] =	stream.linear.scatter [tilespmem:s1], [sflag:$0x11], $0x2000, $0x38;
	[tilespmem:$0x1F200] =	vst v63  }
0xa5: {  	_ =	swait.ge [sflag:s23], $0x2000  }
0xa6: {  	[sflag:s23] =	ssyncset.done $0x0  }
0xa7: {  	s25 =	rddreg [dreg:$0x14];
	[sflag:s23] =	ssyncadd.s32 $0xFFFFE000  }
0xa8: {  	[spmem:s25] =	stream.linear.scatter [tilespmem:s1], [sflag:$0x11], $0x2000, $0x38;
	[tilespmem:$0x1F200] =	vst v63  }
.Ltmp2:
0xa9: {  	_ =	swait.ge [sflag:s23], $0x2000;
	(pc) =	sbr.rel .LBB2_2-.Ltmp2, $4  }
0xaa: {  	s1 =	rddreg [dreg:$0x13]  }
0xab: {  	s0 =	simm.s32 $0x0;
	s10 =	rddreg [dreg:$0x12]  }
0xac: {  	s12 =	simm.s32 $0x1D200;
	[sflag:s23] =	ssyncset.done $0x0;
	s24 =	rddreg [dreg:$0xd]  }
0xad: {  	s25 =	simm.s32 $0x1;
	s5 =	rddreg [dreg:$0xc];
	[sflag:s23] =	ssyncadd.s32 $0xFFFFE000  }
.LBB2_4:
0xae: {  	s0 =	sadd.s32 $0x800, s0  }
0xaf: {  	p0 =	sne.s32 s0, $0x6800  }
.Ltmp3:
0xb0: {  	_ = 	snop;
	(pc) =	sbr.rel @!p0 .LBB2_5-.Ltmp3, $3  }
0xb1: {  	_ =	sdelay $0x1  }
0xb2: {  	s5 =	sadd.s32 $0x80, s5;
	s24 =	sadd.s32 $0xA0, s24  }
0xb3: {  	s10 =	sadd.s32 $0x10, s10;
	s1 =	sadd.s32 $0xA0, s1;
	s25 =	sadd.s32 $0x2, s25  }
.LBB2_2:
0xb4: {  	p1 =	sgt.u32 s25, $0x18  }
0xb5: {  	s18 =	simm.s32 @!p1 $0x0;
	s15 =	simm.s32 @!p1 $0x280  }
0xb6: {  	[tilespmem:s15], [sflag:$0x10] =	stream.linear.gather @!p1 [hbm4b:s1+s18], $0x280, $0x38;
	[tilespmem:$0x1F200] =	vst v63  }
0xb7: {  	s15 =	simm.s32 @!p1 $0x580  }
0xb8: {  	[tilespmem:s15], [sflag:$0x10] =	stream.linear.gather @!p1 [hbm4b:s10+s18], $0x40, $0x38;
	[tilespmem:$0x1F200] =	vst v63  }
0xb9: {  	_ =	swait.ge [sflag:s13], $0x2000  }
0xba: {  	p0 =	seq.s32 s0, $0x0;
	[sflag:s13] =	ssyncset.done $0x0  }
0xbb: {  	s18 =	simm.s32 @!p0 $0xF;
	[sflag:s13] =	ssyncadd.s32 $0xFFFFE000  }
0xbc: {  	_ =	swait.ge @!p0 [sflag:s18], $0x2000  }
0xbd: {  	s17 =	simm.s32 $0x19200;
	[sflag:s18] =	ssyncset.done @!p0 $0x0;
	s16 =	rddreg [dreg:$0xf]  }
0xbe: {  	[sflag:s18] =	ssyncadd.s32 @!p0 $0xFFFFE000;
	s16 =	sadd.s32 s0, s16;
	s18 =	simm.s32 @!p0 $0xC  }
0xbf: {  	[hbm4b:s16+s4] =	stream.linear.scatter [tilespmem:s17], [sflag:$0xE], $0x2000, $0x38;
	[tilespmem:$0x1F200] =	vst v63  }
0xc0: {  	_ =	swait.ge @!p0 [sflag:s18], $0x400  }
0xc1: {  	[sflag:s18] =	ssyncset.done @!p0 $0x0  }
0xc2: {  	[sflag:s18] =	ssyncadd.s32 @!p0 $0xFFFFFC00  }
0xc3: {  	[spmem:s11] =	stream.linear.scatter [tilespmem:s12], [sflag:$0x11], $0x2000, $0x38;
	[tilespmem:$0x1F200] =	vst v63  }
0xc4: {  	_ =	swait.ge [sflag:s23], $0x2000  }
0xc5: {  	[sflag:s23] =	ssyncset.done $0x0  }
0xc6: {  	s18 =	simm.s32 @!p1 $0x10;
	[sflag:s23] =	ssyncadd.s32 $0xFFFFE000  }
0xc7: {  	_ =	swait.ge @!p1 [sflag:s18], $0x280  }
0xc8: {  	[sflag:s18] =	ssyncset.done @!p1 $0x0  }
0xc9: {  	[sflag:s18] =	ssyncadd.s32 @!p1 $0xFFFFFD80  }
0xca: {  	_ =	swait.ge @!p1 [sflag:s18], $0x40  }
0xcb: {  	[sflag:s18] =	ssyncset.done @!p1 $0x0  }
0xcc: {  	[sflag:s18] =	ssyncadd.s32 @!p1 $0xFFFFFFC0  }
0xcd: {  	s16 =	simm.s32 @!p1 $0x1B200;
	s18 =	simm.s32 @!p1 $0x40;
	s17 =	rddreg [dreg:$0x0]  }
0xce: {  	[tilespmem:s16], [sflag:$0xB] =	stream.indirect.gather @!p1 [hbm4b:s17+s18], $0x80, s15, s18, $0xb8;
	[tilespmem:$0x1F200] =	vst v63  }
0xcf: {  	_ =	swait.ge [sflag:s14], $0x4000  }
0xd0: {  	[sflag:s14] =	ssyncset.done $0x0  }
0xd1: {  	s17 =	simm.s32 $0xA00;
	[sflag:s14] =	ssyncadd.s32 $0xFFFFC000  }
0xd2: {  	[spmem:s3] =	stream.indirect.scatter.add.f32 [tilespmem:s28], [sflag:$0x6], $0x80, s17, s26, $0xb8;
	[tilespmem:$0x1F200] =	vst v63  }
0xd3: {  	_ =	swait.ge [sflag:s20], $0x4000  }
0xd4: {  	[sflag:s20] =	ssyncset.done $0x0  }
0xd5: {  	s18 =	simm.s32 $0xB00;
	[sflag:s20] =	ssyncadd.s32 $0xFFFFC000  }
0xd6: {  	[spmem:s3] =	stream.indirect.scatter.add.f32 [tilespmem:s31], [sflag:$0x8], $0x80, s18, s26, $0xb8;
	[tilespmem:$0x1F200] =	vst v63  }
0xd7: {  	_ =	swait.ge [sflag:s30], $0x4000  }
0xd8: {  	[sflag:s30] =	ssyncset.done $0x0  }
0xd9: {  	s16 =	simm.s32 $0xC00;
	[sflag:s30] =	ssyncadd.s32 $0xFFFFC000  }
0xda: {  	[spmem:s3] =	stream.indirect.scatter.add.f32 [tilespmem:s8], [sflag:$0xA], $0x80, s16, s26, $0xb8;
	[tilespmem:$0x1F200] =	vst v63  }
0xdb: {  	p2 =	slt.u32 s25, $0x19;
	_ =	swait.ge [sflag:s7], $0x4000  }
0xdc: {  	s15 =	simm.s32 @p2 $0x80;
	[sflag:s7] =	ssyncset.done $0x0  }
0xdd: {  	s18 =	simm.s32 @p2 $0x1200;
	s16 =	simm.s32 @p2 $0x280;
	[sflag:s7] =	ssyncadd.s32 $0xFFFFC000  }
0xde: {  	[tilespmem:s18], [sflag:$0x1] =	stream.indirect.gather @p2 [hbm4b:s2+s15], $0x80, s16, s15, $0xb8;
	[tilespmem:$0x1F200] =	vst v63  }
0xdf: {  	s16 =	simm.s32 @p2 $0x8  }
0xe0: {  	_ =	swait.ge @p2 [sflag:s16], $0x4000  }
0xe1: {  	[sflag:s16] =	ssyncset.done @p2 $0x0  }
0xe2: {  	s18 =	simm.s32 @p2 $0x9200;
	[sflag:s16] =	ssyncadd.s32 @p2 $0xFFFFC000;
	s16 =	simm.s32 @p2 $0x380  }
0xe3: {  	[tilespmem:s18], [sflag:$0x3] =	stream.indirect.gather @p2 [hbm4b:s2+s15], $0x80, s16, s15, $0xb8;
	[tilespmem:$0x1F200] =	vst v63  }
0xe4: {  	s16 =	simm.s32 @p2 $0xA  }
0xe5: {  	_ =	swait.ge @p2 [sflag:s16], $0x4000  }
0xe6: {  	[sflag:s16] =	ssyncset.done @p2 $0x0  }
0xe7: {  	s18 =	simm.s32 @p2 $0x11200;
	[sflag:s16] =	ssyncadd.s32 @p2 $0xFFFFC000;
	s16 =	simm.s32 @p2 $0x480  }
0xe8: {  	[tilespmem:s18], [sflag:$0x5] =	stream.indirect.gather @p2 [hbm4b:s2+s15], $0x80, s16, s15, $0xb8;
	[tilespmem:$0x1F200] =	vst v63  }
0xe9: {  	s15 =	simm.s32 @!p2 $0x8  }
0xea: {  	_ =	swait.ge @!p2 [sflag:s15], $0x4000  }
0xeb: {  	[sflag:s15] =	ssyncset.done @!p2 $0x0  }
0xec: {  	[sflag:s15] =	ssyncadd.s32 @!p2 $0xFFFFC000;
	s15 =	simm.s32 @!p2 $0xA  }
0xed: {  	_ =	swait.ge @!p2 [sflag:s15], $0x4000  }
0xee: {  	[sflag:s15] =	ssyncset.done @!p2 $0x0  }
0xef: {  	[sflag:s15] =	ssyncadd.s32 @!p2 $0xFFFFC000  }
0xf0: {  	_ =	swait.ge [sflag:s9], $0x4000  }
0xf1: {  	[sflag:s9] =	ssyncset.done $0x0  }
0xf2: {  	s17 =	simm.s32 $0xA80;
	[sflag:s9] =	ssyncadd.s32 $0xFFFFC000  }
0xf3: {  	[spmem:s3] =	stream.indirect.scatter.add.f32 [tilespmem:s29], [sflag:$0x7], $0x80, s17, s26, $0xb8;
	[tilespmem:$0x1F200] =	vst v63  }
0xf4: {  	_ =	swait.ge [sflag:s6], $0x4000  }
0xf5: {  	[sflag:s6] =	ssyncset.done $0x0  }
0xf6: {  	s18 =	simm.s32 $0xB80;
	[sflag:s6] =	ssyncadd.s32 $0xFFFFC000  }
0xf7: {  	[spmem:s3] =	stream.indirect.scatter.add.f32 [tilespmem:s22], [sflag:$0x9], $0x80, s18, s26, $0xb8;
	[tilespmem:$0x1F200] =	vst v63  }
0xf8: {  	_ =	swait.ge [sflag:s19], $0x4000  }
0xf9: {  	[sflag:s19] =	ssyncset.done $0x0  }
0xfa: {  	s15 =	simm.s32 @p1 $0x9;
	[sflag:s19] =	ssyncadd.s32 $0xFFFFC000  }
0xfb: {  	_ =	swait.ge @p1 [sflag:s15], $0x4000  }
0xfc: {  	s16 =	simm.s32 @!p1 $0x300;
	[sflag:s15] =	ssyncset.done @p1 $0x0  }
0xfd: {  	s18 =	simm.s32 @!p1 $0x5200;
	[sflag:s15] =	ssyncadd.s32 @p1 $0xFFFFC000;
	s15 =	simm.s32 @!p1 $0x80  }
0xfe: {  	[tilespmem:s18], [sflag:$0x2] =	stream.indirect.gather @!p1 [hbm4b:s2+s15], $0x80, s16, s15, $0xb8;
	[tilespmem:$0x1F200] =	vst v63  }
0xff: {  	s16 =	simm.s32 @!p1 $0x9  }
0x100: {  	_ =	swait.ge @!p1 [sflag:s16], $0x4000  }
0x101: {  	[sflag:s16] =	ssyncset.done @!p1 $0x0  }
0x102: {  	s18 =	simm.s32 @!p1 $0xD200;
	[sflag:s16] =	ssyncadd.s32 @!p1 $0xFFFFC000;
	s16 =	simm.s32 @!p1 $0x400  }
0x103: {  	[tilespmem:s18], [sflag:$0x4] =	stream.indirect.gather @!p1 [hbm4b:s2+s15], $0x80, s16, s15, $0xb8;
	[tilespmem:$0x1F200] =	vst v63  }
.Ltmp4:
0x104: {  	_ = 	snop;
	(pc) =	sbr.rel @p1 .LBB2_4-.Ltmp4, $4  }
0x105: {  	s16 =	stileid.u32  }
0x106: {  	s17 =	rddreg [dreg:$0xe];
	s18 =	sshll.u32 s16, $0x6  }
0x107: {  	s15 =	sadd.s32 s0, s17;
	s17 =	sshrl.u32 s11, $0x3;
	s16 =	sor.u32 $0x1C0C, s18  }
0x108: {  	[hbm:s15], [sflag:s16] =	dma.local [spmem:s17], $0x400  }
0x109: {  	[tilespmem:s4], [sflag:$0x10] =	stream.linear.gather [hbm4b:s24+s4], $0x280, $0x38;
	[tilespmem:$0x1F200] =	vst v63  }
0x10a: {  	s15 =	sshrl.u32 s5, $0x3;
	s16 =	rddreg [dreg:$0x6]  }
0x10b: {  	s15 =	sadd.s32 s16, s15;
	s16 =	simm.s32 $0x500  }
0x10c: {  	[tilespmem:s16], [sflag:$0x10] =	stream.linear.gather [hbm4b:s15+s4], $0x40, $0x38;
	[tilespmem:$0x1F200] =	vst v63  }
0x10d: {  	_ =	swait.ge [sflag:s13], $0x2000  }
0x10e: {  	[sflag:s13] =	ssyncset.done $0x0  }
0x10f: {  	s17 =	simm.s32 $0xE;
	[sflag:s13] =	ssyncadd.s32 $0xFFFFE000  }
0x110: {  	_ =	swait.ge [sflag:s17], $0x2000  }
0x111: {  	[sflag:s17] =	ssyncset.done $0x0  }
0x112: {  	[sflag:s17] =	ssyncadd.s32 $0xFFFFE000;
	s17 =	rddreg [dreg:$0x11]  }
0x113: {  	s15 =	sadd.s32 s0, s17;
	s17 =	simm.s32 $0x1B200  }
0x114: {  	[hbm4b:s15+s4] =	stream.linear.scatter [tilespmem:s17], [sflag:$0xF], $0x2000, $0x38;
	[tilespmem:$0x1F200] =	vst v63  }
0x115: {  	s15 =	simm.s32 @!p0 $0xD  }
0x116: {  	_ =	swait.ge @!p0 [sflag:s15], $0x400  }
0x117: {  	[sflag:s15] =	ssyncset.done @!p0 $0x0  }
0x118: {  	s17 =	rddreg [dreg:$0x14];
	[sflag:s15] =	ssyncadd.s32 @!p0 $0xFFFFFC00  }
0x119: {  	[spmem:s17] =	stream.linear.scatter [tilespmem:s12], [sflag:$0x11], $0x2000, $0x38;
	[tilespmem:$0x1F200] =	vst v63  }
0x11a: {  	_ =	swait.ge [sflag:s23], $0x2000  }
0x11b: {  	[sflag:s23] =	ssyncset.done $0x0  }
0x11c: {  	[sflag:s23] =	ssyncadd.s32 $0xFFFFE000  }
0x11d: {  	_ =	swait.ge [sflag:s21], $0x280  }
0x11e: {  	[sflag:s21] =	ssyncset.done $0x0  }
0x11f: {  	[sflag:s21] =	ssyncadd.s32 $0xFFFFFD80  }
0x120: {  	_ =	swait.ge [sflag:s21], $0x40  }
0x121: {  	[sflag:s21] =	ssyncset.done $0x0  }
0x122: {  	[sflag:s21] =	ssyncadd.s32 $0xFFFFFFC0  }
0x123: {  	s28 =	simm.s32 $0x40;
	s29 =	simm.s32 $0x19200;
	s15 =	rddreg [dreg:$0x0]  }
0x124: {  	[tilespmem:s29], [sflag:$0xB] =	stream.indirect.gather [hbm4b:s15+s28], $0x80, s16, s28, $0xb8;
	[tilespmem:$0x1F200] =	vst v63  }
0x125: {  	_ =	swait.ge [sflag:s14], $0x4000  }
0x126: {  	[sflag:s14] =	ssyncset.done $0x0  }
0x127: {  	s28 =	simm.s32 $0x1200;
	s16 =	simm.s32 $0xE00;
	[sflag:s14] =	ssyncadd.s32 $0xFFFFC000  }
0x128: {  	[spmem:s3] =	stream.indirect.scatter.add.f32 [tilespmem:s28], [sflag:$0x6], $0x80, s16, s26, $0xb8;
	[tilespmem:$0x1F200] =	vst v63  }
0x129: {  	_ =	swait.ge [sflag:s20], $0x4000  }
0x12a: {  	[sflag:s20] =	ssyncset.done $0x0  }
0x12b: {  	s16 =	simm.s32 $0xF00;
	[sflag:s20] =	ssyncadd.s32 $0xFFFFC000  }
0x12c: {  	[spmem:s3] =	stream.indirect.scatter.add.f32 [tilespmem:s31], [sflag:$0x8], $0x80, s16, s26, $0xb8;
	[tilespmem:$0x1F200] =	vst v63  }
0x12d: {  	_ =	swait.ge [sflag:s30], $0x4000  }
0x12e: {  	[sflag:s30] =	ssyncset.done $0x0  }
0x12f: {  	s16 =	simm.s32 $0x1000;
	[sflag:s30] =	ssyncadd.s32 $0xFFFFC000  }
0x130: {  	[spmem:s3] =	stream.indirect.scatter.add.f32 [tilespmem:s8], [sflag:$0xA], $0x80, s16, s26, $0xb8;
	[tilespmem:$0x1F200] =	vst v63  }
0x131: {  	_ =	swait.ge [sflag:s7], $0x4000  }
0x132: {  	[sflag:s7] =	ssyncset.done $0x0  }
0x133: {  	s16 =	simm.s32 $0x8;
	[sflag:s7] =	ssyncadd.s32 $0xFFFFC000  }
0x134: {  	[tilespmem:s28], [sflag:$0x1] =	stream.indirect.gather [hbm4b:s2+s26], $0x80, s4, s26, $0xb8;
	[tilespmem:$0x1F200] =	vst v63  }
0x135: {  	_ =	swait.ge [sflag:s16], $0x4000  }
0x136: {  	[sflag:s16] =	ssyncset.done $0x0  }
0x137: {  	[sflag:s16] =	ssyncadd.s32 $0xFFFFC000;
	s16 =	simm.s32 $0x100  }
0x138: {  	[tilespmem:s31], [sflag:$0x3] =	stream.indirect.gather [hbm4b:s2+s26], $0x80, s16, s26, $0xb8;
	[tilespmem:$0x1F200] =	vst v63  }
0x139: {  	s16 =	simm.s32 $0xA  }
0x13a: {  	_ =	swait.ge [sflag:s16], $0x4000  }
0x13b: {  	[sflag:s16] =	ssyncset.done $0x0  }
0x13c: {  	[sflag:s16] =	ssyncadd.s32 $0xFFFFC000;
	s16 =	simm.s32 $0x200  }
0x13d: {  	[tilespmem:s8], [sflag:$0x5] =	stream.indirect.gather [hbm4b:s2+s26], $0x80, s16, s26, $0xb8;
	[tilespmem:$0x1F200] =	vst v63  }
0x13e: {  	_ =	swait.ge [sflag:s9], $0x4000  }
0x13f: {  	[sflag:s9] =	ssyncset.done $0x0  }
0x140: {  	s29 =	simm.s32 $0x5200;
	s16 =	simm.s32 $0xE80;
	[sflag:s9] =	ssyncadd.s32 $0xFFFFC000  }
0x141: {  	[spmem:s3] =	stream.indirect.scatter.add.f32 [tilespmem:s29], [sflag:$0x7], $0x80, s16, s26, $0xb8;
	[tilespmem:$0x1F200] =	vst v63  }
0x142: {  	_ =	swait.ge [sflag:s6], $0x4000  }
0x143: {  	[sflag:s6] =	ssyncset.done $0x0  }
0x144: {  	s16 =	simm.s32 $0xF80;
	[sflag:s6] =	ssyncadd.s32 $0xFFFFC000  }
0x145: {  	[spmem:s3] =	stream.indirect.scatter.add.f32 [tilespmem:s22], [sflag:$0x9], $0x80, s16, s26, $0xb8;
	[tilespmem:$0x1F200] =	vst v63  }
0x146: {  	_ =	swait.ge [sflag:s19], $0x4000  }
0x147: {  	[sflag:s19] =	ssyncset.done $0x0  }
0x148: {  	s16 =	simm.s32 $0x9;
	[sflag:s19] =	ssyncadd.s32 $0xFFFFC000  }
0x149: {  	[tilespmem:s29], [sflag:$0x2] =	stream.indirect.gather [hbm4b:s2+s26], $0x80, s26, s26, $0xb8;
	[tilespmem:$0x1F200] =	vst v63  }
0x14a: {  	_ =	swait.ge [sflag:s16], $0x4000  }
0x14b: {  	[sflag:s16] =	ssyncset.done $0x0  }
.Ltmp5:
0x14c: {  	[sflag:s16] =	ssyncadd.s32 $0xFFFFC000;
	s16 =	simm.s32 $0x180;
	(pc) =	sbr.rel .LBB2_4-.Ltmp5, $4  }
0x14d: {  	[tilespmem:s22], [sflag:$0x4] =	stream.indirect.gather [hbm4b:s2+s26], $0x80, s16, s26, $0xb8;
	[tilespmem:$0x1F200] =	vst v63  }
0x14e: {  	s16 =	rddreg [dreg:$0x10]  }
0x14f: {  	s18 =	sor.u32 $0x1C0D, s18;
	s17 =	sshrl.u32 s17, $0x3;
	s15 =	sadd.s32 s0, s16  }
0x150: {  	[hbm:s15], [sflag:s18] =	dma.local [spmem:s17], $0x400  }
.LBB2_6:
0x151: {  	_ =	sfence.sel $0x180000  }
0x152: {  	[bflag:$0x0] =	sbarrier.arrive $0xFFFF  }
0x153: {  	_ =	strace $0x90000047  }
0x154: {  	s0 =	stileid.u32;
	[bflag:$0x2] =	sbarrier.arrive $0xFFFF  }
0x155: {  	p0 =	sne.s32 s0, $0x0;
	s0 =	rddreg [dreg:$0x5]  }
0x156: {  	s0 =	sadd.s32 @!p0 $0x100000, s0  }
0x157: {  	[sflag:s0] =	ssyncadd.tile.s32 @!p0 $0x1;
	_ =	shalt  }
.Lfunc_end2:
_tile_overlayer_lowered:
.L_overlay_start_2:
0x158: {  	(tag) =	ssettag $0x2  }
0x159: {  	s0 =	rddreg [dreg:$0x0];
	s2 =	stileid.u32  }
0x15a: {  	s1 =	rddreg [dreg:$0x1];
	p0 =	sne.s32 s2, $0x0  }
0x15b: {  	s3 =	rddreg [dreg:$0x2];
	[bflag:$0x3] =	sbarrier.arrive $0xFFFF;
	s2 =	simm.s32 @!p0 $0x1C11  }
0x15c: {  	[timem:s3], [sflag:s2] =	dma.local @!p0 [hbm:s0], s1  }
0x15d: {  	s0 =	simm.s32 @!p0 $0x11  }
0x15e: {  	_ =	swait.ge @!p0 [sflag:s0], s1  }
0x15f: {  	s1 =	ssub.s32 @!p0 $0x0, s1;
	[sflag:s0] =	ssyncset.done @!p0 $0x0  }
0x160: {  	[sflag:s0] =	ssyncadd.s32 @!p0 s1  }
0x161: {  	[bflag:$0x3] =	sbarrier.arrive $0xFFFF  }
0x162: {  	_ =	shalt  }

</sc_bundles>
